<compile_context>
chip_gen: v7x
topology: tpu7x:2x2x1
jax: 0.10.2.dev20260603
libtpu: 0.0.44.dev20260713+nightly
codegen_flags: <defaults>
</compile_context>

<pallas_src>
import functools

import jax
import jax.numpy as jnp
from jax import lax
from jax.experimental import pallas as pl
from jax.experimental.pallas import tpu as pltpu
from jax.experimental.pallas import tpu_sc as plsc

N = 10000
D = 128
E = 320000

NC = 2
NS = 16
NW = NC * NS

RPS = 128
K_INNER = 8
E_PER_W = 10240
E_PAD = NW * E_PER_W
N_OUTER = E_PER_W // (RPS * K_INNER)
IDXROWS_PER_W = E_PER_W // RPS

ZROWS = 632
N_ACC = NS * ZROWS

_mesh = plsc.VectorSubcoreMesh(core_axis_name="c", subcore_axis_name="s")


NBUF = 2
SUB = 2
T_PER_W = E_PER_W // RPS
M_ITERS = T_PER_W // NBUF
ROWS_C0 = 128
ROWS_PAIR = 2 * IDXROWS_PER_W


def _agg_body(x_hbm, src_hbm, dst_hbm, zrow_hbm, out_hbm,
              src_v, dst_v, rows_v, acc_sh, *sems):
    semg = sems[:NBUF]
    sems_s = sems[NBUF:]
    c = lax.axis_index("c")
    s = lax.axis_index("s")
    wid = s * NC + c

    pltpu.sync_copy(zrow_hbm, acc_sh.at[pl.ds(s * ZROWS, ZROWS)])
    plsc.subcore_barrier()

    row0 = s * ROWS_PAIR + jnp.where(c == 0, 0, ROWS_C0)
    t_rows = jnp.where(c == 0, ROWS_C0, ROWS_PAIR - ROWS_C0)
    miters = t_rows // NBUF
    hbm_dummy = x_hbm.at[pl.ds(0, RPS)]
    SR = RPS // SUB

    def _drain(sem, buf):
        pltpu.make_async_copy(hbm_dummy, buf, sem).wait()

    def _gather(b, rk):
        for q in range(SUB):
            pltpu.async_copy(
                x_hbm.at[src_v.at[rk, pl.ds(q * SR, SR)]],
                rows_v.at[b, pl.ds(q * SR, SR)], semg[b])

    def _scatter(b, rk):
        pltpu.async_copy(rows_v.at[b], acc_sh.at[dst_v.at[rk]],
                         sems_s[b], add=True)

    def _outer(m, carry):
        for k in range(NBUF):
            rk_g = 2 * jnp.remainder(m, 8) + k
            rk_s = jnp.remainder(rk_g + 15, 16)
            b = k
            b2 = 1 - k
            if k == 0:
                @pl.when(jnp.remainder(m, 4) == 0)
                def _reload():
                    r = row0 + (m // 4) * 8
                    h = jnp.remainder(m // 4, 2) * 8
                    pltpu.sync_copy(src_hbm.at[pl.ds(r, 8)],
                                    src_v.at[pl.ds(h, 8)])
                    pltpu.sync_copy(dst_hbm.at[pl.ds(r, 8)],
                                    dst_v.at[pl.ds(h, 8)])

            @pl.when(m > 0)
            def _guard():
                _drain(sems_s[b], rows_v.at[b])
            _gather(b, rk_g)

            def _retire():
                _drain(semg[b2], rows_v.at[b2])
                _scatter(b2, rk_s)
            if k == 0:
                pl.when(m > 0)(_retire)
            else:
                _retire()
        return carry

    lax.fori_loop(0, miters, _outer, 0)

    _drain(semg[1], rows_v.at[1])
    _scatter(1, jnp.remainder(t_rows - 1, 16))
    for b in range(NBUF):
        _drain(sems_s[b], rows_v.at[b])

    plsc.subcore_barrier()

    pltpu.sync_copy(acc_sh.at[pl.ds(s * ZROWS, ZROWS)],
                    out_hbm.at[c, pl.ds(s * ZROWS, ZROWS)])


_agg = pl.kernel(
    _agg_body,
    out_type=jax.ShapeDtypeStruct((NC, N_ACC, D), jnp.float32),
    mesh=_mesh,
    scratch_types=[
        pltpu.VMEM((16, RPS), jnp.int32),
        pltpu.VMEM((16, RPS), jnp.int32),
        pltpu.VMEM((NBUF, RPS, D), jnp.float32),
        pltpu.VMEM_SHARED((N_ACC, D), jnp.float32),
    ] + [pltpu.SemaphoreType.DMA] * (2 * NBUF),
)


def _cnt_body(dst_hbm, zrow_hbm, ones_hbm, out_hbm,
              dst_v, ones_v, acc_sh, sem_a, sem_b):
    c = lax.axis_index("c")
    s = lax.axis_index("s")
    wid = s * NC + c

    pltpu.sync_copy(zrow_hbm, acc_sh.at[pl.ds(s * ZROWS, ZROWS)])
    pltpu.sync_copy(ones_hbm, ones_v)
    plsc.subcore_barrier()

    row0 = wid * IDXROWS_PER_W
    hbm_dummy = zrow_hbm.at[pl.ds(0, RPS)]
    half_sems = (sem_a, sem_b)

    def _outer(mm, carry):
        for h in range(2):
            m = 2 * mm + h
            sem = half_sems[h]

            @pl.when(mm > 0)
            def _dr():
                for _ in range(K_INNER):
                    pltpu.make_async_copy(hbm_dummy, ones_v, sem).wait()
            r = row0 + m * K_INNER
            pltpu.sync_copy(dst_hbm.at[pl.ds(r, K_INNER)],
                            dst_v.at[pl.ds(h * K_INNER, K_INNER)])
            for j in range(K_INNER):
                pltpu.async_copy(ones_v, acc_sh.at[dst_v.at[h * K_INNER + j]],
                                 sem, add=True)
        return carry

    lax.fori_loop(0, N_OUTER // 2, _outer, 0)
    for sem in half_sems:
        for _ in range(K_INNER):
            pltpu.make_async_copy(hbm_dummy, ones_v, sem).wait()

    plsc.subcore_barrier()

    pltpu.sync_copy(acc_sh.at[pl.ds(s * ZROWS, ZROWS)],
                    out_hbm.at[c, pl.ds(s * ZROWS, ZROWS)])


_cnt = pl.kernel(
    _cnt_body,
    out_type=jax.ShapeDtypeStruct((NC, N_ACC, D), jnp.float32),
    mesh=_mesh,
    scratch_types=[
        pltpu.VMEM((2 * K_INNER, RPS), jnp.int32),
        pltpu.VMEM((RPS, D), jnp.float32),
        pltpu.VMEM_SHARED((N_ACC, D), jnp.float32),
        pltpu.SemaphoreType.DMA,
        pltpu.SemaphoreType.DMA,
    ],
)


BLK = 2000


def _dense_body(relu, s0, s1, c0, c1, x, wl, wr, b, o):
    cnt = c0[0, :, :1] + c1[0, :, :1]
    mean = (s0[0] + s1[0]) / jnp.maximum(cnt, 1.0)
    h = (jnp.dot(mean, wl[...], preferred_element_type=jnp.float32)
         + jnp.dot(x[...], wr[...], preferred_element_type=jnp.float32)
         + b[...])
    o[...] = jnp.maximum(h, 0.0) if relu else h


def _dense(relu, sums, cnts, x, wlT, wrT, b):
    grid = N // BLK
    s_blk0 = pl.BlockSpec((1, BLK, D), lambda i: (0, i, 0))
    s_blk1 = pl.BlockSpec((1, BLK, D), lambda i: (1, i, 0))
    row_blk = pl.BlockSpec((BLK, D), lambda i: (i, 0))
    full = pl.BlockSpec((D, D), lambda i: (0, 0))
    bias = pl.BlockSpec((1, D), lambda i: (0, 0))
    return pl.pallas_call(
        functools.partial(_dense_body, relu),
        grid=(grid,),
        in_specs=[s_blk0, s_blk1, s_blk0, s_blk1, row_blk, full, full, bias],
        out_specs=row_blk,
        out_shape=jax.ShapeDtypeStruct((N, D), jnp.float32),
    )(sums, sums, cnts, cnts, x, wlT, wrT, b)


def kernel(x, edge_index, Wl1, bl1, Wr1, Wl2, bl2, Wr2):
    src = edge_index[0].astype(jnp.int32)
    dst = edge_index[1].astype(jnp.int32)
    pad = E_PAD - E
    src_p = jnp.concatenate([src, jnp.zeros((pad,), jnp.int32)])
    dst_p = jnp.concatenate([dst, jnp.full((pad,), N, jnp.int32)])
    src_p = src_p.reshape(E_PAD // RPS, RPS)
    dst_p = dst_p.reshape(E_PAD // RPS, RPS)
    zrow = jnp.zeros((ZROWS, D), jnp.float32)
    ones = jnp.ones((RPS, D), jnp.float32)

    cnts = _cnt(dst_p, zrow, ones)
    sums1 = _agg(x, src_p, dst_p, zrow)
    h = _dense(True, sums1, cnts, x, Wl1.T, Wr1.T, bl1.reshape(1, D))
    sums2 = _agg(h, src_p, dst_p, zrow)
    out = _dense(False, sums2, cnts, h, Wl2.T, Wr2.T, bl2.reshape(1, D))
    return out

# --- scband reference (transcript-rebuilt; emitter-appended) ---
"""Pipeline reference for scband-sage-18468359373225 (READ-ONLY COPY).

The authoritative reference and input builder live on the scoring server;
editing this copy changes nothing except your own understanding.
"""

import jax, jax.numpy as jnp
import numpy as np

N_NODES = 10000
D_IN = 128
D_HID = 128
N_EDGES = 320000


def setup_inputs(seed: int = 0) -> dict:
    key = jax.random.key(seed)
    ks = jax.random.split(key, 8)
    x = jax.random.normal(ks[0], (N_NODES, D_IN), dtype=jnp.float32)
    edge_index = jax.random.randint(ks[1], (2, N_EDGES), 0, N_NODES, dtype=jnp.int64 if jax.config.jax_enable_x64 else jnp.int32)
    s1 = 1.0 / np.sqrt(D_IN)
    s2 = 1.0 / np.sqrt(D_HID)
    Wl1 = jax.random.uniform(ks[2], (D_HID, D_IN), minval=-s1, maxval=s1, dtype=jnp.float32)
    bl1 = jnp.zeros((D_HID,), dtype=jnp.float32)
    Wr1 = jax.random.uniform(ks[3], (D_HID, D_IN), minval=-s1, maxval=s1, dtype=jnp.float32)
    Wl2 = jax.random.uniform(ks[4], (D_HID, D_HID), minval=-s2, maxval=s2, dtype=jnp.float32)
    bl2 = jnp.zeros((D_HID,), dtype=jnp.float32)
    Wr2 = jax.random.uniform(ks[5], (D_HID, D_HID), minval=-s2, maxval=s2, dtype=jnp.float32)
    return {"x": x, "edge_index": edge_index, "Wl1": Wl1, "bl1": bl1, "Wr1": Wr1, "Wl2": Wl2, "bl2": bl2, "Wr2": Wr2}


def _sage_conv(x, edge_index, Wl, bl, Wr):
    # PyG SAGEConv with mean aggregation, root weight, bias on lin_l.
    src = edge_index[0]
    dst = edge_index[1]
    msgs = jnp.take(x, src, axis=0)                       # gather source features
    summed = jax.ops.segment_sum(msgs, dst, num_segments=N_NODES)  # scatter-add to dst
    counts = jax.ops.segment_sum(jnp.ones((msgs.shape[0],), dtype=x.dtype), dst, num_segments=N_NODES)
    mean = summed / jnp.clip(counts, 1.0, None)[:, None]
    return mean @ Wl.T + bl + x @ Wr.T


def reference(x, edge_index, Wl1, bl1, Wr1, Wl2, bl2, Wr2):
    # SAGE.full_forward with num_layers=2; eval mode so dropout is identity.
    h = _sage_conv(x, edge_index, Wl1, bl1, Wr1)
    h = jax.nn.relu(h)
    out = _sage_conv(h, edge_index, Wl2, bl2, Wr2)
    return out

if __name__ == "__main__":
    import jax
    _d = setup_inputs()
    print(jax.jit(kernel)(*tuple(_d.values())))

</pallas_src>

<mosaic_0001>
#map = affine_map<(d0, d1) -> (0, 0)>
#map1 = affine_map<(d0, d1) -> (0, 0, 0)>
module attributes {stable_mosaic.version = 14 : i64} {
  func.func @_cnt_body(%arg0: i32, %arg1: i32, %arg2: memref<2560x128xi32, #tpu.memory_space<hbm>>, %arg3: memref<632x128xf32, #tpu.memory_space<hbm>>, %arg4: memref<128x128xf32, #tpu.memory_space<hbm>>, %arg5: memref<2x10112x128xf32, #tpu.memory_space<hbm>>, %arg6: memref<16x128xi32, #tpu.memory_space<vmem>>, %arg7: memref<128x128xf32, #tpu.memory_space<vmem>>, %arg8: memref<10112x128xf32, #tpu.memory_space<vmem_shared>>, %arg9: memref<!tpu.dma_semaphore, #tpu.memory_space<semaphore_mem>>, %arg10: memref<!tpu.dma_semaphore, #tpu.memory_space<semaphore_mem>>) attributes {dimension_semantics = [#tpu.dimension_semantics<core_parallel>, #tpu.dimension_semantics<subcore_parallel>], iteration_bounds = array<i64: 2, 16>, scalar_prefetch = 0 : i64, scratch_operands = 5 : i64, tpu.core_type = #tpu.core_type<sc_vector_subcore>, window_params = [{transform_indices = #map}, {transform_indices = #map}, {transform_indices = #map}, {transform_indices = #map1}]} {
    %mul3A = arith.constant 2 : i32
    %mul3A_0 = arith.muli %arg1, %mul3A : i32
    %add3A = arith.addi %mul3A_0, %arg0 : i32
    %mul3A_1 = arith.constant 632 : i32
    %mul3A_2 = arith.muli %arg1, %mul3A_1 : i32
    "tpu.region"() ({
      %run_scoped3A = tpu.sem_alloc : memref<!tpu.dma_semaphore, #tpu.memory_space<semaphore_mem>>
      %dma_start3A = arith.constant 0 : i32
      %dma_start3A_110 = tpu.memref_slice %arg8[%mul3A_2, %dma_start3A] : memref<10112x128xf32, #tpu.memory_space<vmem_shared>> -> memref<632x128xf32, #tpu.memory_space<vmem_shared>>
      tpu.enqueue_dma source(%arg3 : memref<632x128xf32, #tpu.memory_space<hbm>>) target(%dma_start3A_110 : memref<632x128xf32, #tpu.memory_space<vmem_shared>>) target_semaphore(%run_scoped3A : memref<!tpu.dma_semaphore, #tpu.memory_space<semaphore_mem>>)
      %dma_wait3A_111 = arith.constant 0 : i32
      %dma_wait3A_112 = tpu.memref_slice %arg8[%mul3A_2, %dma_wait3A_111] : memref<10112x128xf32, #tpu.memory_space<vmem_shared>> -> memref<632x128xf32, #tpu.memory_space<vmem_shared>>
      tpu.wait_dma2 semaphore(%run_scoped3A : memref<!tpu.dma_semaphore, #tpu.memory_space<semaphore_mem>>) src(%arg3 : memref<632x128xf32, #tpu.memory_space<hbm>>) dst(%dma_wait3A_112 : memref<632x128xf32, #tpu.memory_space<vmem_shared>>)
      tpu.yield
    }) : () -> ()
    "tpu.region"() ({
      %run_scoped3A = tpu.sem_alloc : memref<!tpu.dma_semaphore, #tpu.memory_space<semaphore_mem>>
      tpu.enqueue_dma source(%arg4 : memref<128x128xf32, #tpu.memory_space<hbm>>) target(%arg7 : memref<128x128xf32, #tpu.memory_space<vmem>>) target_semaphore(%run_scoped3A : memref<!tpu.dma_semaphore, #tpu.memory_space<semaphore_mem>>)
      tpu.wait_dma2 semaphore(%run_scoped3A : memref<!tpu.dma_semaphore, #tpu.memory_space<semaphore_mem>>) src(%arg4 : memref<128x128xf32, #tpu.memory_space<hbm>>) dst(%arg7 : memref<128x128xf32, #tpu.memory_space<vmem>>)
      tpu.yield
    }) : () -> ()
    %barrier3A = arith.constant 0 : index
    tpu.barrier barrier_id(%barrier3A)
    %mul3A_3 = arith.constant 80 : i32
    %mul3A_4 = arith.muli %add3A, %mul3A_3 : i32
    %scan3A = arith.constant 0 : i32
    %scan3A_5 = arith.constant 0 : i32
    %scan3A_6 = arith.constant 5 : i32
    %scan3A_7 = arith.addi %scan3A_5, %scan3A_6 : i32
    %scan3A_8 = arith.constant 1 : i32
    scf.for %scan3A_110 = %scan3A_5 to %scan3A_7 step %scan3A_8  : i32 {
      %mul3A_111 = arith.constant 2 : i32
      %mul3A_112 = arith.muli %mul3A_111, %scan3A_110 : i32
      %add3A_113 = arith.constant 0 : i32
      %add3A_114 = arith.addi %mul3A_112, %add3A_113 : i32
      %gt3A = arith.constant 0 : i32
      %gt3A_115 = arith.cmpi sgt, %scan3A_110, %gt3A : i32
      %convert_element_type3A = arith.extui %gt3A_115 : i1 to i32
      %cond3A = arith.constant 0 : i32
      %cond3A_116 = arith.cmpi ne, %convert_element_type3A, %cond3A : i32
      scf.if %cond3A_116 {
        %dma_wait3A_243 = arith.constant 0 : i32
        %dma_wait3A_244 = arith.constant 0 : i32
        %dma_wait3A_245 = tpu.memref_slice %arg3[%dma_wait3A_243, %dma_wait3A_244] : memref<632x128xf32, #tpu.memory_space<hbm>> -> memref<128x128xf32, #tpu.memory_space<hbm>>
        %dma_wait3A_246 = arith.constant 0 : i32
        %dma_wait3A_247 = arith.constant 0 : i32
        %dma_wait3A_248 = tpu.memref_slice %arg3[%dma_wait3A_246, %dma_wait3A_247] : memref<632x128xf32, #tpu.memory_space<hbm>> -> memref<128x128xf32, #tpu.memory_space<hbm>>
        tpu.wait_dma2 semaphore(%arg9 : memref<!tpu.dma_semaphore, #tpu.memory_space<semaphore_mem>>) src(%dma_wait3A_248 : memref<128x128xf32, #tpu.memory_space<hbm>>) dst(%arg7 : memref<128x128xf32, #tpu.memory_space<vmem>>)
        %dma_wait3A_249 = arith.constant 0 : i32
        %dma_wait3A_250 = arith.constant 0 : i32
        %dma_wait3A_251 = tpu.memref_slice %arg3[%dma_wait3A_249, %dma_wait3A_250] : memref<632x128xf32, #tpu.memory_space<hbm>> -> memref<128x128xf32, #tpu.memory_space<hbm>>
        %dma_wait3A_252 = arith.constant 0 : i32
        %dma_wait3A_253 = arith.constant 0 : i32
        %dma_wait3A_254 = tpu.memref_slice %arg3[%dma_wait3A_252, %dma_wait3A_253] : memref<632x128xf32, #tpu.memory_space<hbm>> -> memref<128x128xf32, #tpu.memory_space<hbm>>
        tpu.wait_dma2 semaphore(%arg9 : memref<!tpu.dma_semaphore, #tpu.memory_space<semaphore_mem>>) src(%dma_wait3A_254 : memref<128x128xf32, #tpu.memory_space<hbm>>) dst(%arg7 : memref<128x128xf32, #tpu.memory_space<vmem>>)
        %dma_wait3A_255 = arith.constant 0 : i32
        %dma_wait3A_256 = arith.constant 0 : i32
        %dma_wait3A_257 = tpu.memref_slice %arg3[%dma_wait3A_255, %dma_wait3A_256] : memref<632x128xf32, #tpu.memory_space<hbm>> -> memref<128x128xf32, #tpu.memory_space<hbm>>
        %dma_wait3A_258 = arith.constant 0 : i32
        %dma_wait3A_259 = arith.constant 0 : i32
        %dma_wait3A_260 = tpu.memref_slice %arg3[%dma_wait3A_258, %dma_wait3A_259] : memref<632x128xf32, #tpu.memory_space<hbm>> -> memref<128x128xf32, #tpu.memory_space<hbm>>
        tpu.wait_dma2 semaphore(%arg9 : memref<!tpu.dma_semaphore, #tpu.memory_space<semaphore_mem>>) src(%dma_wait3A_260 : memref<128x128xf32, #tpu.memory_space<hbm>>) dst(%arg7 : memref<128x128xf32, #tpu.memory_space<vmem>>)
        %dma_wait3A_261 = arith.constant 0 : i32
        %dma_wait3A_262 = arith.constant 0 : i32
        %dma_wait3A_263 = tpu.memref_slice %arg3[%dma_wait3A_261, %dma_wait3A_262] : memref<632x128xf32, #tpu.memory_space<hbm>> -> memref<128x128xf32, #tpu.memory_space<hbm>>
        %dma_wait3A_264 = arith.constant 0 : i32
        %dma_wait3A_265 = arith.constant 0 : i32
        %dma_wait3A_266 = tpu.memref_slice %arg3[%dma_wait3A_264, %dma_wait3A_265] : memref<632x128xf32, #tpu.memory_space<hbm>> -> memref<128x128xf32, #tpu.memory_space<hbm>>
        tpu.wait_dma2 semaphore(%arg9 : memref<!tpu.dma_semaphore, #tpu.memory_space<semaphore_mem>>) src(%dma_wait3A_266 : memref<128x128xf32, #tpu.memory_space<hbm>>) dst(%arg7 : memref<128x128xf32, #tpu.memory_space<vmem>>)
        %dma_wait3A_267 = arith.constant 0 : i32
        %dma_wait3A_268 = arith.constant 0 : i32
        %dma_wait3A_269 = tpu.memref_slice %arg3[%dma_wait3A_267, %dma_wait3A_268] : memref<632x128xf32, #tpu.memory_space<hbm>> -> memref<128x128xf32, #tpu.memory_space<hbm>>
        %dma_wait3A_270 = arith.constant 0 : i32
        %dma_wait3A_271 = arith.constant 0 : i32
        %dma_wait3A_272 = tpu.memref_slice %arg3[%dma_wait3A_270, %dma_wait3A_271] : memref<632x128xf32, #tpu.memory_space<hbm>> -> memref<128x128xf32, #tpu.memory_space<hbm>>
        tpu.wait_dma2 semaphore(%arg9 : memref<!tpu.dma_semaphore, #tpu.memory_space<semaphore_mem>>) src(%dma_wait3A_272 : memref<128x128xf32, #tpu.memory_space<hbm>>) dst(%arg7 : memref<128x128xf32, #tpu.memory_space<vmem>>)
        %dma_wait3A_273 = arith.constant 0 : i32
        %dma_wait3A_274 = arith.constant 0 : i32
        %dma_wait3A_275 = tpu.memref_slice %arg3[%dma_wait3A_273, %dma_wait3A_274] : memref<632x128xf32, #tpu.memory_space<hbm>> -> memref<128x128xf32, #tpu.memory_space<hbm>>
        %dma_wait3A_276 = arith.constant 0 : i32
        %dma_wait3A_277 = arith.constant 0 : i32
        %dma_wait3A_278 = tpu.memref_slice %arg3[%dma_wait3A_276, %dma_wait3A_277] : memref<632x128xf32, #tpu.memory_space<hbm>> -> memref<128x128xf32, #tpu.memory_space<hbm>>
        tpu.wait_dma2 semaphore(%arg9 : memref<!tpu.dma_semaphore, #tpu.memory_space<semaphore_mem>>) src(%dma_wait3A_278 : memref<128x128xf32, #tpu.memory_space<hbm>>) dst(%arg7 : memref<128x128xf32, #tpu.memory_space<vmem>>)
        %dma_wait3A_279 = arith.constant 0 : i32
        %dma_wait3A_280 = arith.constant 0 : i32
        %dma_wait3A_281 = tpu.memref_slice %arg3[%dma_wait3A_279, %dma_wait3A_280] : memref<632x128xf32, #tpu.memory_space<hbm>> -> memref<128x128xf32, #tpu.memory_space<hbm>>
        %dma_wait3A_282 = arith.constant 0 : i32
        %dma_wait3A_283 = arith.constant 0 : i32
        %dma_wait3A_284 = tpu.memref_slice %arg3[%dma_wait3A_282, %dma_wait3A_283] : memref<632x128xf32, #tpu.memory_space<hbm>> -> memref<128x128xf32, #tpu.memory_space<hbm>>
        tpu.wait_dma2 semaphore(%arg9 : memref<!tpu.dma_semaphore, #tpu.memory_space<semaphore_mem>>) src(%dma_wait3A_284 : memref<128x128xf32, #tpu.memory_space<hbm>>) dst(%arg7 : memref<128x128xf32, #tpu.memory_space<vmem>>)
        %dma_wait3A_285 = arith.constant 0 : i32
        %dma_wait3A_286 = arith.constant 0 : i32
        %dma_wait3A_287 = tpu.memref_slice %arg3[%dma_wait3A_285, %dma_wait3A_286] : memref<632x128xf32, #tpu.memory_space<hbm>> -> memref<128x128xf32, #tpu.memory_space<hbm>>
        %dma_wait3A_288 = arith.constant 0 : i32
        %dma_wait3A_289 = arith.constant 0 : i32
        %dma_wait3A_290 = tpu.memref_slice %arg3[%dma_wait3A_288, %dma_wait3A_289] : memref<632x128xf32, #tpu.memory_space<hbm>> -> memref<128x128xf32, #tpu.memory_space<hbm>>
        tpu.wait_dma2 semaphore(%arg9 : memref<!tpu.dma_semaphore, #tpu.memory_space<semaphore_mem>>) src(%dma_wait3A_290 : memref<128x128xf32, #tpu.memory_space<hbm>>) dst(%arg7 : memref<128x128xf32, #tpu.memory_space<vmem>>)
      } else {
      }
      %mul3A_117 = arith.constant 8 : i32
      %mul3A_118 = arith.muli %add3A_114, %mul3A_117 : i32
      %add3A_119 = arith.addi %mul3A_4, %mul3A_118 : i32
      "tpu.region"() ({
        %run_scoped3A = tpu.sem_alloc : memref<!tpu.dma_semaphore, #tpu.memory_space<semaphore_mem>>
        %dma_start3A_243 = arith.constant 0 : i32
        %dma_start3A_244 = arith.constant 0 : i32
        %dma_start3A_245 = tpu.memref_slice %arg6[%dma_start3A_243, %dma_start3A_244] : memref<16x128xi32, #tpu.memory_space<vmem>> -> memref<8x128xi32, #tpu.memory_space<vmem>>
        %dma_start3A_246 = arith.constant 0 : i32
        %dma_start3A_247 = tpu.memref_slice %arg2[%add3A_119, %dma_start3A_246] : memref<2560x128xi32, #tpu.memory_space<hbm>> -> memref<8x128xi32, #tpu.memory_space<hbm>>
        %dma_start3A_248 = arith.constant 0 : i32
        %dma_start3A_249 = arith.constant 0 : i32
        %dma_start3A_250 = tpu.memref_slice %arg6[%dma_start3A_248, %dma_start3A_249] : memref<16x128xi32, #tpu.memory_space<vmem>> -> memref<8x128xi32, #tpu.memory_space<vmem>>
        %dma_start3A_251 = arith.constant 0 : i32
        %dma_start3A_252 = tpu.memref_slice %arg2[%add3A_119, %dma_start3A_251] : memref<2560x128xi32, #tpu.memory_space<hbm>> -> memref<8x128xi32, #tpu.memory_space<hbm>>
        tpu.enqueue_dma source(%dma_start3A_252 : memref<8x128xi32, #tpu.memory_space<hbm>>) target(%dma_start3A_250 : memref<8x128xi32, #tpu.memory_space<vmem>>) target_semaphore(%run_scoped3A : memref<!tpu.dma_semaphore, #tpu.memory_space<semaphore_mem>>)
        %dma_wait3A_253 = arith.constant 0 : i32
        %dma_wait3A_254 = arith.constant 0 : i32
        %dma_wait3A_255 = tpu.memref_slice %arg6[%dma_wait3A_253, %dma_wait3A_254] : memref<16x128xi32, #tpu.memory_space<vmem>> -> memref<8x128xi32, #tpu.memory_space<vmem>>
        %dma_wait3A_256 = arith.constant 0 : i32
        %dma_wait3A_257 = tpu.memref_slice %arg2[%add3A_119, %dma_wait3A_256] : memref<2560x128xi32, #tpu.memory_space<hbm>> -> memref<8x128xi32, #tpu.memory_space<hbm>>
        %dma_wait3A_258 = arith.constant 0 : i32
        %dma_wait3A_259 = arith.constant 0 : i32
        %dma_wait3A_260 = tpu.memref_slice %arg6[%dma_wait3A_258, %dma_wait3A_259] : memref<16x128xi32, #tpu.memory_space<vmem>> -> memref<8x128xi32, #tpu.memory_space<vmem>>
        %dma_wait3A_261 = arith.constant 0 : i32
        %dma_wait3A_262 = tpu.memref_slice %arg2[%add3A_119, %dma_wait3A_261] : memref<2560x128xi32, #tpu.memory_space<hbm>> -> memref<8x128xi32, #tpu.memory_space<hbm>>
        tpu.wait_dma2 semaphore(%run_scoped3A : memref<!tpu.dma_semaphore, #tpu.memory_space<semaphore_mem>>) src(%dma_wait3A_262 : memref<8x128xi32, #tpu.memory_space<hbm>>) dst(%dma_wait3A_260 : memref<8x128xi32, #tpu.memory_space<vmem>>)
        tpu.yield
      }) : () -> ()
      %dma_start3A = arith.constant 0 : i32
      %dma_start3A_120 = arith.constant 0 : i32
      %dma_start3A_121 = tpu.memref_slice %arg6[%dma_start3A, %dma_start3A_120] : memref<16x128xi32, #tpu.memory_space<vmem>> -> memref<1x128xi32, #tpu.memory_space<vmem>>
      %dma_start3A_122 = tpu.memref_squeeze %dma_start3A_121 : memref<1x128xi32, #tpu.memory_space<vmem>> -> memref<128xi32, #tpu.memory_space<vmem>>
      %dma_start3A_123 = arith.constant 0 : i32
      %dma_start3A_124 = arith.constant 0 : i32
      %dma_start3A_125 = tpu.memref_slice %arg8[%dma_start3A_123, %dma_start3A_124] : memref<10112x128xf32, #tpu.memory_space<vmem_shared>> -> memref<10112x128xf32, #tpu.memory_space<vmem_shared>>
      tpu.enqueue_indirect_dma source(%arg7 : memref<128x128xf32, #tpu.memory_space<vmem>>) target(%dma_start3A_125 : memref<10112x128xf32, #tpu.memory_space<vmem_shared>>) offsets(%dma_start3A_122 : memref<128xi32, #tpu.memory_space<vmem>>) semaphore(%arg9 : memref<!tpu.dma_semaphore, #tpu.memory_space<semaphore_mem>>) {add = true}
      %dma_start3A_126 = arith.constant 1 : i32
      %dma_start3A_127 = arith.constant 0 : i32
      %dma_start3A_128 = tpu.memref_slice %arg6[%dma_start3A_126, %dma_start3A_127] : memref<16x128xi32, #tpu.memory_space<vmem>> -> memref<1x128xi32, #tpu.memory_space<vmem>>
      %dma_start3A_129 = tpu.memref_squeeze %dma_start3A_128 : memref<1x128xi32, #tpu.memory_space<vmem>> -> memref<128xi32, #tpu.memory_space<vmem>>
      %dma_start3A_130 = arith.constant 0 : i32
      %dma_start3A_131 = arith.constant 0 : i32
      %dma_start3A_132 = tpu.memref_slice %arg8[%dma_start3A_130, %dma_start3A_131] : memref<10112x128xf32, #tpu.memory_space<vmem_shared>> -> memref<10112x128xf32, #tpu.memory_space<vmem_shared>>
      tpu.enqueue_indirect_dma source(%arg7 : memref<128x128xf32, #tpu.memory_space<vmem>>) target(%dma_start3A_132 : memref<10112x128xf32, #tpu.memory_space<vmem_shared>>) offsets(%dma_start3A_129 : memref<128xi32, #tpu.memory_space<vmem>>) semaphore(%arg9 : memref<!tpu.dma_semaphore, #tpu.memory_space<semaphore_mem>>) {add = true}
      %dma_start3A_133 = arith.constant 2 : i32
      %dma_start3A_134 = arith.constant 0 : i32
      %dma_start3A_135 = tpu.memref_slice %arg6[%dma_start3A_133, %dma_start3A_134] : memref<16x128xi32, #tpu.memory_space<vmem>> -> memref<1x128xi32, #tpu.memory_space<vmem>>
      %dma_start3A_136 = tpu.memref_squeeze %dma_start3A_135 : memref<1x128xi32, #tpu.memory_space<vmem>> -> memref<128xi32, #tpu.memory_space<vmem>>
      %dma_start3A_137 = arith.constant 0 : i32
      %dma_start3A_138 = arith.constant 0 : i32
      %dma_start3A_139 = tpu.memref_slice %arg8[%dma_start3A_137, %dma_start3A_138] : memref<10112x128xf32, #tpu.memory_space<vmem_shared>> -> memref<10112x128xf32, #tpu.memory_space<vmem_shared>>
      tpu.enqueue_indirect_dma source(%arg7 : memref<128x128xf32, #tpu.memory_space<vmem>>) target(%dma_start3A_139 : memref<10112x128xf32, #tpu.memory_space<vmem_shared>>) offsets(%dma_start3A_136 : memref<128xi32, #tpu.memory_space<vmem>>) semaphore(%arg9 : memref<!tpu.dma_semaphore, #tpu.memory_space<semaphore_mem>>) {add = true}
      %dma_start3A_140 = arith.constant 3 : i32
      %dma_start3A_141 = arith.constant 0 : i32
      %dma_start3A_142 = tpu.memref_slice %arg6[%dma_start3A_140, %dma_start3A_141] : memref<16x128xi32, #tpu.memory_space<vmem>> -> memref<1x128xi32, #tpu.memory_space<vmem>>
      %dma_start3A_143 = tpu.memref_squeeze %dma_start3A_142 : memref<1x128xi32, #tpu.memory_space<vmem>> -> memref<128xi32, #tpu.memory_space<vmem>>
      %dma_start3A_144 = arith.constant 0 : i32
      %dma_start3A_145 = arith.constant 0 : i32
      %dma_start3A_146 = tpu.memref_slice %arg8[%dma_start3A_144, %dma_start3A_145] : memref<10112x128xf32, #tpu.memory_space<vmem_shared>> -> memref<10112x128xf32, #tpu.memory_space<vmem_shared>>
      tpu.enqueue_indirect_dma source(%arg7 : memref<128x128xf32, #tpu.memory_space<vmem>>) target(%dma_start3A_146 : memref<10112x128xf32, #tpu.memory_space<vmem_shared>>) offsets(%dma_start3A_143 : memref<128xi32, #tpu.memory_space<vmem>>) semaphore(%arg9 : memref<!tpu.dma_semaphore, #tpu.memory_space<semaphore_mem>>) {add = true}
      %dma_start3A_147 = arith.constant 4 : i32
      %dma_start3A_148 = arith.constant 0 : i32
      %dma_start3A_149 = tpu.memref_slice %arg6[%dma_start3A_147, %dma_start3A_148] : memref<16x128xi32, #tpu.memory_space<vmem>> -> memref<1x128xi32, #tpu.memory_space<vmem>>
      %dma_start3A_150 = tpu.memref_squeeze %dma_start3A_149 : memref<1x128xi32, #tpu.memory_space<vmem>> -> memref<128xi32, #tpu.memory_space<vmem>>
      %dma_start3A_151 = arith.constant 0 : i32
      %dma_start3A_152 = arith.constant 0 : i32
      %dma_start3A_153 = tpu.memref_slice %arg8[%dma_start3A_151, %dma_start3A_152] : memref<10112x128xf32, #tpu.memory_space<vmem_shared>> -> memref<10112x128xf32, #tpu.memory_space<vmem_shared>>
      tpu.enqueue_indirect_dma source(%arg7 : memref<128x128xf32, #tpu.memory_space<vmem>>) target(%dma_start3A_153 : memref<10112x128xf32, #tpu.memory_space<vmem_shared>>) offsets(%dma_start3A_150 : memref<128xi32, #tpu.memory_space<vmem>>) semaphore(%arg9 : memref<!tpu.dma_semaphore, #tpu.memory_space<semaphore_mem>>) {add = true}
      %dma_start3A_154 = arith.constant 5 : i32
      %dma_start3A_155 = arith.constant 0 : i32
      %dma_start3A_156 = tpu.memref_slice %arg6[%dma_start3A_154, %dma_start3A_155] : memref<16x128xi32, #tpu.memory_space<vmem>> -> memref<1x128xi32, #tpu.memory_space<vmem>>
      %dma_start3A_157 = tpu.memref_squeeze %dma_start3A_156 : memref<1x128xi32, #tpu.memory_space<vmem>> -> memref<128xi32, #tpu.memory_space<vmem>>
      %dma_start3A_158 = arith.constant 0 : i32
      %dma_start3A_159 = arith.constant 0 : i32
      %dma_start3A_160 = tpu.memref_slice %arg8[%dma_start3A_158, %dma_start3A_159] : memref<10112x128xf32, #tpu.memory_space<vmem_shared>> -> memref<10112x128xf32, #tpu.memory_space<vmem_shared>>
      tpu.enqueue_indirect_dma source(%arg7 : memref<128x128xf32, #tpu.memory_space<vmem>>) target(%dma_start3A_160 : memref<10112x128xf32, #tpu.memory_space<vmem_shared>>) offsets(%dma_start3A_157 : memref<128xi32, #tpu.memory_space<vmem>>) semaphore(%arg9 : memref<!tpu.dma_semaphore, #tpu.memory_space<semaphore_mem>>) {add = true}
      %dma_start3A_161 = arith.constant 6 : i32
      %dma_start3A_162 = arith.constant 0 : i32
      %dma_start3A_163 = tpu.memref_slice %arg6[%dma_start3A_161, %dma_start3A_162] : memref<16x128xi32, #tpu.memory_space<vmem>> -> memref<1x128xi32, #tpu.memory_space<vmem>>
      %dma_start3A_164 = tpu.memref_squeeze %dma_start3A_163 : memref<1x128xi32, #tpu.memory_space<vmem>> -> memref<128xi32, #tpu.memory_space<vmem>>
      %dma_start3A_165 = arith.constant 0 : i32
      %dma_start3A_166 = arith.constant 0 : i32
      %dma_start3A_167 = tpu.memref_slice %arg8[%dma_start3A_165, %dma_start3A_166] : memref<10112x128xf32, #tpu.memory_space<vmem_shared>> -> memref<10112x128xf32, #tpu.memory_space<vmem_shared>>
      tpu.enqueue_indirect_dma source(%arg7 : memref<128x128xf32, #tpu.memory_space<vmem>>) target(%dma_start3A_167 : memref<10112x128xf32, #tpu.memory_space<vmem_shared>>) offsets(%dma_start3A_164 : memref<128xi32, #tpu.memory_space<vmem>>) semaphore(%arg9 : memref<!tpu.dma_semaphore, #tpu.memory_space<semaphore_mem>>) {add = true}
      %dma_start3A_168 = arith.constant 7 : i32
      %dma_start3A_169 = arith.constant 0 : i32
      %dma_start3A_170 = tpu.memref_slice %arg6[%dma_start3A_168, %dma_start3A_169] : memref<16x128xi32, #tpu.memory_space<vmem>> -> memref<1x128xi32, #tpu.memory_space<vmem>>
      %dma_start3A_171 = tpu.memref_squeeze %dma_start3A_170 : memref<1x128xi32, #tpu.memory_space<vmem>> -> memref<128xi32, #tpu.memory_space<vmem>>
      %dma_start3A_172 = arith.constant 0 : i32
      %dma_start3A_173 = arith.constant 0 : i32
      %dma_start3A_174 = tpu.memref_slice %arg8[%dma_start3A_172, %dma_start3A_173] : memref<10112x128xf32, #tpu.memory_space<vmem_shared>> -> memref<10112x128xf32, #tpu.memory_space<vmem_shared>>
      tpu.enqueue_indirect_dma source(%arg7 : memref<128x128xf32, #tpu.memory_space<vmem>>) target(%dma_start3A_174 : memref<10112x128xf32, #tpu.memory_space<vmem_shared>>) offsets(%dma_start3A_171 : memref<128xi32, #tpu.memory_space<vmem>>) semaphore(%arg9 : memref<!tpu.dma_semaphore, #tpu.memory_space<semaphore_mem>>) {add = true}
      %mul3A_175 = arith.constant 2 : i32
      %mul3A_176 = arith.muli %mul3A_175, %scan3A_110 : i32
      %add3A_177 = arith.constant 1 : i32
      %add3A_178 = arith.addi %mul3A_176, %add3A_177 : i32
      %gt3A_179 = arith.constant 0 : i32
      %gt3A_180 = arith.cmpi sgt, %scan3A_110, %gt3A_179 : i32
      %convert_element_type3A_181 = arith.extui %gt3A_180 : i1 to i32
      %cond3A_182 = arith.constant 0 : i32
      %cond3A_183 = arith.cmpi ne, %convert_element_type3A_181, %cond3A_182 : i32
      scf.if %cond3A_183 {
        %dma_wait3A_243 = arith.constant 0 : i32
        %dma_wait3A_244 = arith.constant 0 : i32
        %dma_wait3A_245 = tpu.memref_slice %arg3[%dma_wait3A_243, %dma_wait3A_244] : memref<632x128xf32, #tpu.memory_space<hbm>> -> memref<128x128xf32, #tpu.memory_space<hbm>>
        %dma_wait3A_246 = arith.constant 0 : i32
        %dma_wait3A_247 = arith.constant 0 : i32
        %dma_wait3A_248 = tpu.memref_slice %arg3[%dma_wait3A_246, %dma_wait3A_247] : memref<632x128xf32, #tpu.memory_space<hbm>> -> memref<128x128xf32, #tpu.memory_space<hbm>>
        tpu.wait_dma2 semaphore(%arg10 : memref<!tpu.dma_semaphore, #tpu.memory_space<semaphore_mem>>) src(%dma_wait3A_248 : memref<128x128xf32, #tpu.memory_space<hbm>>) dst(%arg7 : memref<128x128xf32, #tpu.memory_space<vmem>>)
        %dma_wait3A_249 = arith.constant 0 : i32
        %dma_wait3A_250 = arith.constant 0 : i32
        %dma_wait3A_251 = tpu.memref_slice %arg3[%dma_wait3A_249, %dma_wait3A_250] : memref<632x128xf32, #tpu.memory_space<hbm>> -> memref<128x128xf32, #tpu.memory_space<hbm>>
        %dma_wait3A_252 = arith.constant 0 : i32
        %dma_wait3A_253 = arith.constant 0 : i32
        %dma_wait3A_254 = tpu.memref_slice %arg3[%dma_wait3A_252, %dma_wait3A_253] : memref<632x128xf32, #tpu.memory_space<hbm>> -> memref<128x128xf32, #tpu.memory_space<hbm>>
        tpu.wait_dma2 semaphore(%arg10 : memref<!tpu.dma_semaphore, #tpu.memory_space<semaphore_mem>>) src(%dma_wait3A_254 : memref<128x128xf32, #tpu.memory_space<hbm>>) dst(%arg7 : memref<128x128xf32, #tpu.memory_space<vmem>>)
        %dma_wait3A_255 = arith.constant 0 : i32
        %dma_wait3A_256 = arith.constant 0 : i32
        %dma_wait3A_257 = tpu.memref_slice %arg3[%dma_wait3A_255, %dma_wait3A_256] : memref<632x128xf32, #tpu.memory_space<hbm>> -> memref<128x128xf32, #tpu.memory_space<hbm>>
        %dma_wait3A_258 = arith.constant 0 : i32
        %dma_wait3A_259 = arith.constant 0 : i32
        %dma_wait3A_260 = tpu.memref_slice %arg3[%dma_wait3A_258, %dma_wait3A_259] : memref<632x128xf32, #tpu.memory_space<hbm>> -> memref<128x128xf32, #tpu.memory_space<hbm>>
        tpu.wait_dma2 semaphore(%arg10 : memref<!tpu.dma_semaphore, #tpu.memory_space<semaphore_mem>>) src(%dma_wait3A_260 : memref<128x128xf32, #tpu.memory_space<hbm>>) dst(%arg7 : memref<128x128xf32, #tpu.memory_space<vmem>>)
        %dma_wait3A_261 = arith.constant 0 : i32
        %dma_wait3A_262 = arith.constant 0 : i32
        %dma_wait3A_263 = tpu.memref_slice %arg3[%dma_wait3A_261, %dma_wait3A_262] : memref<632x128xf32, #tpu.memory_space<hbm>> -> memref<128x128xf32, #tpu.memory_space<hbm>>
        %dma_wait3A_264 = arith.constant 0 : i32
        %dma_wait3A_265 = arith.constant 0 : i32
        %dma_wait3A_266 = tpu.memref_slice %arg3[%dma_wait3A_264, %dma_wait3A_265] : memref<632x128xf32, #tpu.memory_space<hbm>> -> memref<128x128xf32, #tpu.memory_space<hbm>>
        tpu.wait_dma2 semaphore(%arg10 : memref<!tpu.dma_semaphore, #tpu.memory_space<semaphore_mem>>) src(%dma_wait3A_266 : memref<128x128xf32, #tpu.memory_space<hbm>>) dst(%arg7 : memref<128x128xf32, #tpu.memory_space<vmem>>)
        %dma_wait3A_267 = arith.constant 0 : i32
        %dma_wait3A_268 = arith.constant 0 : i32
        %dma_wait3A_269 = tpu.memref_slice %arg3[%dma_wait3A_267, %dma_wait3A_268] : memref<632x128xf32, #tpu.memory_space<hbm>> -> memref<128x128xf32, #tpu.memory_space<hbm>>
        %dma_wait3A_270 = arith.constant 0 : i32
        %dma_wait3A_271 = arith.constant 0 : i32
        %dma_wait3A_272 = tpu.memref_slice %arg3[%dma_wait3A_270, %dma_wait3A_271] : memref<632x128xf32, #tpu.memory_space<hbm>> -> memref<128x128xf32, #tpu.memory_space<hbm>>
        tpu.wait_dma2 semaphore(%arg10 : memref<!tpu.dma_semaphore, #tpu.memory_space<semaphore_mem>>) src(%dma_wait3A_272 : memref<128x128xf32, #tpu.memory_space<hbm>>) dst(%arg7 : memref<128x128xf32, #tpu.memory_space<vmem>>)
        %dma_wait3A_273 = arith.constant 0 : i32
        %dma_wait3A_274 = arith.constant 0 : i32
        %dma_wait3A_275 = tpu.memref_slice %arg3[%dma_wait3A_273, %dma_wait3A_274] : memref<632x128xf32, #tpu.memory_space<hbm>> -> memref<128x128xf32, #tpu.memory_space<hbm>>
        %dma_wait3A_276 = arith.constant 0 : i32
        %dma_wait3A_277 = arith.constant 0 : i32
        %dma_wait3A_278 = tpu.memref_slice %arg3[%dma_wait3A_276, %dma_wait3A_277] : memref<632x128xf32, #tpu.memory_space<hbm>> -> memref<128x128xf32, #tpu.memory_space<hbm>>
        tpu.wait_dma2 semaphore(%arg10 : memref<!tpu.dma_semaphore, #tpu.memory_space<semaphore_mem>>) src(%dma_wait3A_278 : memref<128x128xf32, #tpu.memory_space<hbm>>) dst(%arg7 : memref<128x128xf32, #tpu.memory_space<vmem>>)
        %dma_wait3A_279 = arith.constant 0 : i32
        %dma_wait3A_280 = arith.constant 0 : i32
        %dma_wait3A_281 = tpu.memref_slice %arg3[%dma_wait3A_279, %dma_wait3A_280] : memref<632x128xf32, #tpu.memory_space<hbm>> -> memref<128x128xf32, #tpu.memory_space<hbm>>
        %dma_wait3A_282 = arith.constant 0 : i32
        %dma_wait3A_283 = arith.constant 0 : i32
        %dma_wait3A_284 = tpu.memref_slice %arg3[%dma_wait3A_282, %dma_wait3A_283] : memref<632x128xf32, #tpu.memory_space<hbm>> -> memref<128x128xf32, #tpu.memory_space<hbm>>
        tpu.wait_dma2 semaphore(%arg10 : memref<!tpu.dma_semaphore, #tpu.memory_space<semaphore_mem>>) src(%dma_wait3A_284 : memref<128x128xf32, #tpu.memory_space<hbm>>) dst(%arg7 : memref<128x128xf32, #tpu.memory_space<vmem>>)
        %dma_wait3A_285 = arith.constant 0 : i32
        %dma_wait3A_286 = arith.constant 0 : i32
        %dma_wait3A_287 = tpu.memref_slice %arg3[%dma_wait3A_285, %dma_wait3A_286] : memref<632x128xf32, #tpu.memory_space<hbm>> -> memref<128x128xf32, #tpu.memory_space<hbm>>
        %dma_wait3A_288 = arith.constant 0 : i32
        %dma_wait3A_289 = arith.constant 0 : i32
        %dma_wait3A_290 = tpu.memref_slice %arg3[%dma_wait3A_288, %dma_wait3A_289] : memref<632x128xf32, #tpu.memory_space<hbm>> -> memref<128x128xf32, #tpu.memory_space<hbm>>
        tpu.wait_dma2 semaphore(%arg10 : memref<!tpu.dma_semaphore, #tpu.memory_space<semaphore_mem>>) src(%dma_wait3A_290 : memref<128x128xf32, #tpu.memory_space<hbm>>) dst(%arg7 : memref<128x128xf32, #tpu.memory_space<vmem>>)
      } else {
      }
      %mul3A_184 = arith.constant 8 : i32
      %mul3A_185 = arith.muli %add3A_178, %mul3A_184 : i32
      %add3A_186 = arith.addi %mul3A_4, %mul3A_185 : i32
      "tpu.region"() ({
        %run_scoped3A = tpu.sem_alloc : memref<!tpu.dma_semaphore, #tpu.memory_space<semaphore_mem>>
        %dma_start3A_243 = arith.constant 8 : i32
        %dma_start3A_244 = arith.constant 0 : i32
        %dma_start3A_245 = tpu.memref_slice %arg6[%dma_start3A_243, %dma_start3A_244] : memref<16x128xi32, #tpu.memory_space<vmem>> -> memref<8x128xi32, #tpu.memory_space<vmem>>
        %dma_start3A_246 = arith.constant 0 : i32
        %dma_start3A_247 = tpu.memref_slice %arg2[%add3A_186, %dma_start3A_246] : memref<2560x128xi32, #tpu.memory_space<hbm>> -> memref<8x128xi32, #tpu.memory_space<hbm>>
        %dma_start3A_248 = arith.constant 8 : i32
        %dma_start3A_249 = arith.constant 0 : i32
        %dma_start3A_250 = tpu.memref_slice %arg6[%dma_start3A_248, %dma_start3A_249] : memref<16x128xi32, #tpu.memory_space<vmem>> -> memref<8x128xi32, #tpu.memory_space<vmem>>
        %dma_start3A_251 = arith.constant 0 : i32
        %dma_start3A_252 = tpu.memref_slice %arg2[%add3A_186, %dma_start3A_251] : memref<2560x128xi32, #tpu.memory_space<hbm>> -> memref<8x128xi32, #tpu.memory_space<hbm>>
        tpu.enqueue_dma source(%dma_start3A_252 : memref<8x128xi32, #tpu.memory_space<hbm>>) target(%dma_start3A_250 : memref<8x128xi32, #tpu.memory_space<vmem>>) target_semaphore(%run_scoped3A : memref<!tpu.dma_semaphore, #tpu.memory_space<semaphore_mem>>)
        %dma_wait3A_253 = arith.constant 8 : i32
        %dma_wait3A_254 = arith.constant 0 : i32
        %dma_wait3A_255 = tpu.memref_slice %arg6[%dma_wait3A_253, %dma_wait3A_254] : memref<16x128xi32, #tpu.memory_space<vmem>> -> memref<8x128xi32, #tpu.memory_space<vmem>>
        %dma_wait3A_256 = arith.constant 0 : i32
        %dma_wait3A_257 = tpu.memref_slice %arg2[%add3A_186, %dma_wait3A_256] : memref<2560x128xi32, #tpu.memory_space<hbm>> -> memref<8x128xi32, #tpu.memory_space<hbm>>
        %dma_wait3A_258 = arith.constant 8 : i32
        %dma_wait3A_259 = arith.constant 0 : i32
        %dma_wait3A_260 = tpu.memref_slice %arg6[%dma_wait3A_258, %dma_wait3A_259] : memref<16x128xi32, #tpu.memory_space<vmem>> -> memref<8x128xi32, #tpu.memory_space<vmem>>
        %dma_wait3A_261 = arith.constant 0 : i32
        %dma_wait3A_262 = tpu.memref_slice %arg2[%add3A_186, %dma_wait3A_261] : memref<2560x128xi32, #tpu.memory_space<hbm>> -> memref<8x128xi32, #tpu.memory_space<hbm>>
        tpu.wait_dma2 semaphore(%run_scoped3A : memref<!tpu.dma_semaphore, #tpu.memory_space<semaphore_mem>>) src(%dma_wait3A_262 : memref<8x128xi32, #tpu.memory_space<hbm>>) dst(%dma_wait3A_260 : memref<8x128xi32, #tpu.memory_space<vmem>>)
        tpu.yield
      }) : () -> ()
      %dma_start3A_187 = arith.constant 8 : i32
      %dma_start3A_188 = arith.constant 0 : i32
      %dma_start3A_189 = tpu.memref_slice %arg6[%dma_start3A_187, %dma_start3A_188] : memref<16x128xi32, #tpu.memory_space<vmem>> -> memref<1x128xi32, #tpu.memory_space<vmem>>
      %dma_start3A_190 = tpu.memref_squeeze %dma_start3A_189 : memref<1x128xi32, #tpu.memory_space<vmem>> -> memref<128xi32, #tpu.memory_space<vmem>>
      %dma_start3A_191 = arith.constant 0 : i32
      %dma_start3A_192 = arith.constant 0 : i32
      %dma_start3A_193 = tpu.memref_slice %arg8[%dma_start3A_191, %dma_start3A_192] : memref<10112x128xf32, #tpu.memory_space<vmem_shared>> -> memref<10112x128xf32, #tpu.memory_space<vmem_shared>>
      tpu.enqueue_indirect_dma source(%arg7 : memref<128x128xf32, #tpu.memory_space<vmem>>) target(%dma_start3A_193 : memref<10112x128xf32, #tpu.memory_space<vmem_shared>>) offsets(%dma_start3A_190 : memref<128xi32, #tpu.memory_space<vmem>>) semaphore(%arg10 : memref<!tpu.dma_semaphore, #tpu.memory_space<semaphore_mem>>) {add = true}
      %dma_start3A_194 = arith.constant 9 : i32
      %dma_start3A_195 = arith.constant 0 : i32
      %dma_start3A_196 = tpu.memref_slice %arg6[%dma_start3A_194, %dma_start3A_195] : memref<16x128xi32, #tpu.memory_space<vmem>> -> memref<1x128xi32, #tpu.memory_space<vmem>>
      %dma_start3A_197 = tpu.memref_squeeze %dma_start3A_196 : memref<1x128xi32, #tpu.memory_space<vmem>> -> memref<128xi32, #tpu.memory_space<vmem>>
      %dma_start3A_198 = arith.constant 0 : i32
      %dma_start3A_199 = arith.constant 0 : i32
      %dma_start3A_200 = tpu.memref_slice %arg8[%dma_start3A_198, %dma_start3A_199] : memref<10112x128xf32, #tpu.memory_space<vmem_shared>> -> memref<10112x128xf32, #tpu.memory_space<vmem_shared>>
      tpu.enqueue_indirect_dma source(%arg7 : memref<128x128xf32, #tpu.memory_space<vmem>>) target(%dma_start3A_200 : memref<10112x128xf32, #tpu.memory_space<vmem_shared>>) offsets(%dma_start3A_197 : memref<128xi32, #tpu.memory_space<vmem>>) semaphore(%arg10 : memref<!tpu.dma_semaphore, #tpu.memory_space<semaphore_mem>>) {add = true}
      %dma_start3A_201 = arith.constant 10 : i32
      %dma_start3A_202 = arith.constant 0 : i32
      %dma_start3A_203 = tpu.memref_slice %arg6[%dma_start3A_201, %dma_start3A_202] : memref<16x128xi32, #tpu.memory_space<vmem>> -> memref<1x128xi32, #tpu.memory_space<vmem>>
      %dma_start3A_204 = tpu.memref_squeeze %dma_start3A_203 : memref<1x128xi32, #tpu.memory_space<vmem>> -> memref<128xi32, #tpu.memory_space<vmem>>
      %dma_start3A_205 = arith.constant 0 : i32
      %dma_start3A_206 = arith.constant 0 : i32
      %dma_start3A_207 = tpu.memref_slice %arg8[%dma_start3A_205, %dma_start3A_206] : memref<10112x128xf32, #tpu.memory_space<vmem_shared>> -> memref<10112x128xf32, #tpu.memory_space<vmem_shared>>
      tpu.enqueue_indirect_dma source(%arg7 : memref<128x128xf32, #tpu.memory_space<vmem>>) target(%dma_start3A_207 : memref<10112x128xf32, #tpu.memory_space<vmem_shared>>) offsets(%dma_start3A_204 : memref<128xi32, #tpu.memory_space<vmem>>) semaphore(%arg10 : memref<!tpu.dma_semaphore, #tpu.memory_space<semaphore_mem>>) {add = true}
      %dma_start3A_208 = arith.constant 11 : i32
      %dma_start3A_209 = arith.constant 0 : i32
      %dma_start3A_210 = tpu.memref_slice %arg6[%dma_start3A_208, %dma_start3A_209] : memref<16x128xi32, #tpu.memory_space<vmem>> -> memref<1x128xi32, #tpu.memory_space<vmem>>
      %dma_start3A_211 = tpu.memref_squeeze %dma_start3A_210 : memref<1x128xi32, #tpu.memory_space<vmem>> -> memref<128xi32, #tpu.memory_space<vmem>>
      %dma_start3A_212 = arith.constant 0 : i32
      %dma_start3A_213 = arith.constant 0 : i32
      %dma_start3A_214 = tpu.memref_slice %arg8[%dma_start3A_212, %dma_start3A_213] : memref<10112x128xf32, #tpu.memory_space<vmem_shared>> -> memref<10112x128xf32, #tpu.memory_space<vmem_shared>>
      tpu.enqueue_indirect_dma source(%arg7 : memref<128x128xf32, #tpu.memory_space<vmem>>) target(%dma_start3A_214 : memref<10112x128xf32, #tpu.memory_space<vmem_shared>>) offsets(%dma_start3A_211 : memref<128xi32, #tpu.memory_space<vmem>>) semaphore(%arg10 : memref<!tpu.dma_semaphore, #tpu.memory_space<semaphore_mem>>) {add = true}
      %dma_start3A_215 = arith.constant 12 : i32
      %dma_start3A_216 = arith.constant 0 : i32
      %dma_start3A_217 = tpu.memref_slice %arg6[%dma_start3A_215, %dma_start3A_216] : memref<16x128xi32, #tpu.memory_space<vmem>> -> memref<1x128xi32, #tpu.memory_space<vmem>>
      %dma_start3A_218 = tpu.memref_squeeze %dma_start3A_217 : memref<1x128xi32, #tpu.memory_space<vmem>> -> memref<128xi32, #tpu.memory_space<vmem>>
      %dma_start3A_219 = arith.constant 0 : i32
      %dma_start3A_220 = arith.constant 0 : i32
      %dma_start3A_221 = tpu.memref_slice %arg8[%dma_start3A_219, %dma_start3A_220] : memref<10112x128xf32, #tpu.memory_space<vmem_shared>> -> memref<10112x128xf32, #tpu.memory_space<vmem_shared>>
      tpu.enqueue_indirect_dma source(%arg7 : memref<128x128xf32, #tpu.memory_space<vmem>>) target(%dma_start3A_221 : memref<10112x128xf32, #tpu.memory_space<vmem_shared>>) offsets(%dma_start3A_218 : memref<128xi32, #tpu.memory_space<vmem>>) semaphore(%arg10 : memref<!tpu.dma_semaphore, #tpu.memory_space<semaphore_mem>>) {add = true}
      %dma_start3A_222 = arith.constant 13 : i32
      %dma_start3A_223 = arith.constant 0 : i32
      %dma_start3A_224 = tpu.memref_slice %arg6[%dma_start3A_222, %dma_start3A_223] : memref<16x128xi32, #tpu.memory_space<vmem>> -> memref<1x128xi32, #tpu.memory_space<vmem>>
      %dma_start3A_225 = tpu.memref_squeeze %dma_start3A_224 : memref<1x128xi32, #tpu.memory_space<vmem>> -> memref<128xi32, #tpu.memory_space<vmem>>
      %dma_start3A_226 = arith.constant 0 : i32
      %dma_start3A_227 = arith.constant 0 : i32
      %dma_start3A_228 = tpu.memref_slice %arg8[%dma_start3A_226, %dma_start3A_227] : memref<10112x128xf32, #tpu.memory_space<vmem_shared>> -> memref<10112x128xf32, #tpu.memory_space<vmem_shared>>
      tpu.enqueue_indirect_dma source(%arg7 : memref<128x128xf32, #tpu.memory_space<vmem>>) target(%dma_start3A_228 : memref<10112x128xf32, #tpu.memory_space<vmem_shared>>) offsets(%dma_start3A_225 : memref<128xi32, #tpu.memory_space<vmem>>) semaphore(%arg10 : memref<!tpu.dma_semaphore, #tpu.memory_space<semaphore_mem>>) {add = true}
      %dma_start3A_229 = arith.constant 14 : i32
      %dma_start3A_230 = arith.constant 0 : i32
      %dma_start3A_231 = tpu.memref_slice %arg6[%dma_start3A_229, %dma_start3A_230] : memref<16x128xi32, #tpu.memory_space<vmem>> -> memref<1x128xi32, #tpu.memory_space<vmem>>
      %dma_start3A_232 = tpu.memref_squeeze %dma_start3A_231 : memref<1x128xi32, #tpu.memory_space<vmem>> -> memref<128xi32, #tpu.memory_space<vmem>>
      %dma_start3A_233 = arith.constant 0 : i32
      %dma_start3A_234 = arith.constant 0 : i32
      %dma_start3A_235 = tpu.memref_slice %arg8[%dma_start3A_233, %dma_start3A_234] : memref<10112x128xf32, #tpu.memory_space<vmem_shared>> -> memref<10112x128xf32, #tpu.memory_space<vmem_shared>>
      tpu.enqueue_indirect_dma source(%arg7 : memref<128x128xf32, #tpu.memory_space<vmem>>) target(%dma_start3A_235 : memref<10112x128xf32, #tpu.memory_space<vmem_shared>>) offsets(%dma_start3A_232 : memref<128xi32, #tpu.memory_space<vmem>>) semaphore(%arg10 : memref<!tpu.dma_semaphore, #tpu.memory_space<semaphore_mem>>) {add = true}
      %dma_start3A_236 = arith.constant 15 : i32
      %dma_start3A_237 = arith.constant 0 : i32
      %dma_start3A_238 = tpu.memref_slice %arg6[%dma_start3A_236, %dma_start3A_237] : memref<16x128xi32, #tpu.memory_space<vmem>> -> memref<1x128xi32, #tpu.memory_space<vmem>>
      %dma_start3A_239 = tpu.memref_squeeze %dma_start3A_238 : memref<1x128xi32, #tpu.memory_space<vmem>> -> memref<128xi32, #tpu.memory_space<vmem>>
      %dma_start3A_240 = arith.constant 0 : i32
      %dma_start3A_241 = arith.constant 0 : i32
      %dma_start3A_242 = tpu.memref_slice %arg8[%dma_start3A_240, %dma_start3A_241] : memref<10112x128xf32, #tpu.memory_space<vmem_shared>> -> memref<10112x128xf32, #tpu.memory_space<vmem_shared>>
      tpu.enqueue_indirect_dma source(%arg7 : memref<128x128xf32, #tpu.memory_space<vmem>>) target(%dma_start3A_242 : memref<10112x128xf32, #tpu.memory_space<vmem_shared>>) offsets(%dma_start3A_239 : memref<128xi32, #tpu.memory_space<vmem>>) semaphore(%arg10 : memref<!tpu.dma_semaphore, #tpu.memory_space<semaphore_mem>>) {add = true}
    }
    %scan3A_9 = arith.constant 5 : i32
    %dma_wait3A = arith.constant 0 : i32
    %dma_wait3A_10 = arith.constant 0 : i32
    %dma_wait3A_11 = tpu.memref_slice %arg3[%dma_wait3A, %dma_wait3A_10] : memref<632x128xf32, #tpu.memory_space<hbm>> -> memref<128x128xf32, #tpu.memory_space<hbm>>
    %dma_wait3A_12 = arith.constant 0 : i32
    %dma_wait3A_13 = arith.constant 0 : i32
    %dma_wait3A_14 = tpu.memref_slice %arg3[%dma_wait3A_12, %dma_wait3A_13] : memref<632x128xf32, #tpu.memory_space<hbm>> -> memref<128x128xf32, #tpu.memory_space<hbm>>
    tpu.wait_dma2 semaphore(%arg9 : memref<!tpu.dma_semaphore, #tpu.memory_space<semaphore_mem>>) src(%dma_wait3A_14 : memref<128x128xf32, #tpu.memory_space<hbm>>) dst(%arg7 : memref<128x128xf32, #tpu.memory_space<vmem>>)
    %dma_wait3A_15 = arith.constant 0 : i32
    %dma_wait3A_16 = arith.constant 0 : i32
    %dma_wait3A_17 = tpu.memref_slice %arg3[%dma_wait3A_15, %dma_wait3A_16] : memref<632x128xf32, #tpu.memory_space<hbm>> -> memref<128x128xf32, #tpu.memory_space<hbm>>
    %dma_wait3A_18 = arith.constant 0 : i32
    %dma_wait3A_19 = arith.constant 0 : i32
    %dma_wait3A_20 = tpu.memref_slice %arg3[%dma_wait3A_18, %dma_wait3A_19] : memref<632x128xf32, #tpu.memory_space<hbm>> -> memref<128x128xf32, #tpu.memory_space<hbm>>
    tpu.wait_dma2 semaphore(%arg9 : memref<!tpu.dma_semaphore, #tpu.memory_space<semaphore_mem>>) src(%dma_wait3A_20 : memref<128x128xf32, #tpu.memory_space<hbm>>) dst(%arg7 : memref<128x128xf32, #tpu.memory_space<vmem>>)
    %dma_wait3A_21 = arith.constant 0 : i32
    %dma_wait3A_22 = arith.constant 0 : i32
    %dma_wait3A_23 = tpu.memref_slice %arg3[%dma_wait3A_21, %dma_wait3A_22] : memref<632x128xf32, #tpu.memory_space<hbm>> -> memref<128x128xf32, #tpu.memory_space<hbm>>
    %dma_wait3A_24 = arith.constant 0 : i32
    %dma_wait3A_25 = arith.constant 0 : i32
    %dma_wait3A_26 = tpu.memref_slice %arg3[%dma_wait3A_24, %dma_wait3A_25] : memref<632x128xf32, #tpu.memory_space<hbm>> -> memref<128x128xf32, #tpu.memory_space<hbm>>
    tpu.wait_dma2 semaphore(%arg9 : memref<!tpu.dma_semaphore, #tpu.memory_space<semaphore_mem>>) src(%dma_wait3A_26 : memref<128x128xf32, #tpu.memory_space<hbm>>) dst(%arg7 : memref<128x128xf32, #tpu.memory_space<vmem>>)
    %dma_wait3A_27 = arith.constant 0 : i32
    %dma_wait3A_28 = arith.constant 0 : i32
    %dma_wait3A_29 = tpu.memref_slice %arg3[%dma_wait3A_27, %dma_wait3A_28] : memref<632x128xf32, #tpu.memory_space<hbm>> -> memref<128x128xf32, #tpu.memory_space<hbm>>
    %dma_wait3A_30 = arith.constant 0 : i32
    %dma_wait3A_31 = arith.constant 0 : i32
    %dma_wait3A_32 = tpu.memref_slice %arg3[%dma_wait3A_30, %dma_wait3A_31] : memref<632x128xf32, #tpu.memory_space<hbm>> -> memref<128x128xf32, #tpu.memory_space<hbm>>
    tpu.wait_dma2 semaphore(%arg9 : memref<!tpu.dma_semaphore, #tpu.memory_space<semaphore_mem>>) src(%dma_wait3A_32 : memref<128x128xf32, #tpu.memory_space<hbm>>) dst(%arg7 : memref<128x128xf32, #tpu.memory_space<vmem>>)
    %dma_wait3A_33 = arith.constant 0 : i32
    %dma_wait3A_34 = arith.constant 0 : i32
    %dma_wait3A_35 = tpu.memref_slice %arg3[%dma_wait3A_33, %dma_wait3A_34] : memref<632x128xf32, #tpu.memory_space<hbm>> -> memref<128x128xf32, #tpu.memory_space<hbm>>
    %dma_wait3A_36 = arith.constant 0 : i32
    %dma_wait3A_37 = arith.constant 0 : i32
    %dma_wait3A_38 = tpu.memref_slice %arg3[%dma_wait3A_36, %dma_wait3A_37] : memref<632x128xf32, #tpu.memory_space<hbm>> -> memref<128x128xf32, #tpu.memory_space<hbm>>
    tpu.wait_dma2 semaphore(%arg9 : memref<!tpu.dma_semaphore, #tpu.memory_space<semaphore_mem>>) src(%dma_wait3A_38 : memref<128x128xf32, #tpu.memory_space<hbm>>) dst(%arg7 : memref<128x128xf32, #tpu.memory_space<vmem>>)
    %dma_wait3A_39 = arith.constant 0 : i32
    %dma_wait3A_40 = arith.constant 0 : i32
    %dma_wait3A_41 = tpu.memref_slice %arg3[%dma_wait3A_39, %dma_wait3A_40] : memref<632x128xf32, #tpu.memory_space<hbm>> -> memref<128x128xf32, #tpu.memory_space<hbm>>
    %dma_wait3A_42 = arith.constant 0 : i32
    %dma_wait3A_43 = arith.constant 0 : i32
    %dma_wait3A_44 = tpu.memref_slice %arg3[%dma_wait3A_42, %dma_wait3A_43] : memref<632x128xf32, #tpu.memory_space<hbm>> -> memref<128x128xf32, #tpu.memory_space<hbm>>
    tpu.wait_dma2 semaphore(%arg9 : memref<!tpu.dma_semaphore, #tpu.memory_space<semaphore_mem>>) src(%dma_wait3A_44 : memref<128x128xf32, #tpu.memory_space<hbm>>) dst(%arg7 : memref<128x128xf32, #tpu.memory_space<vmem>>)
    %dma_wait3A_45 = arith.constant 0 : i32
    %dma_wait3A_46 = arith.constant 0 : i32
    %dma_wait3A_47 = tpu.memref_slice %arg3[%dma_wait3A_45, %dma_wait3A_46] : memref<632x128xf32, #tpu.memory_space<hbm>> -> memref<128x128xf32, #tpu.memory_space<hbm>>
    %dma_wait3A_48 = arith.constant 0 : i32
    %dma_wait3A_49 = arith.constant 0 : i32
    %dma_wait3A_50 = tpu.memref_slice %arg3[%dma_wait3A_48, %dma_wait3A_49] : memref<632x128xf32, #tpu.memory_space<hbm>> -> memref<128x128xf32, #tpu.memory_space<hbm>>
    tpu.wait_dma2 semaphore(%arg9 : memref<!tpu.dma_semaphore, #tpu.memory_space<semaphore_mem>>) src(%dma_wait3A_50 : memref<128x128xf32, #tpu.memory_space<hbm>>) dst(%arg7 : memref<128x128xf32, #tpu.memory_space<vmem>>)
    %dma_wait3A_51 = arith.constant 0 : i32
    %dma_wait3A_52 = arith.constant 0 : i32
    %dma_wait3A_53 = tpu.memref_slice %arg3[%dma_wait3A_51, %dma_wait3A_52] : memref<632x128xf32, #tpu.memory_space<hbm>> -> memref<128x128xf32, #tpu.memory_space<hbm>>
    %dma_wait3A_54 = arith.constant 0 : i32
    %dma_wait3A_55 = arith.constant 0 : i32
    %dma_wait3A_56 = tpu.memref_slice %arg3[%dma_wait3A_54, %dma_wait3A_55] : memref<632x128xf32, #tpu.memory_space<hbm>> -> memref<128x128xf32, #tpu.memory_space<hbm>>
    tpu.wait_dma2 semaphore(%arg9 : memref<!tpu.dma_semaphore, #tpu.memory_space<semaphore_mem>>) src(%dma_wait3A_56 : memref<128x128xf32, #tpu.memory_space<hbm>>) dst(%arg7 : memref<128x128xf32, #tpu.memory_space<vmem>>)
    %dma_wait3A_57 = arith.constant 0 : i32
    %dma_wait3A_58 = arith.constant 0 : i32
    %dma_wait3A_59 = tpu.memref_slice %arg3[%dma_wait3A_57, %dma_wait3A_58] : memref<632x128xf32, #tpu.memory_space<hbm>> -> memref<128x128xf32, #tpu.memory_space<hbm>>
    %dma_wait3A_60 = arith.constant 0 : i32
    %dma_wait3A_61 = arith.constant 0 : i32
    %dma_wait3A_62 = tpu.memref_slice %arg3[%dma_wait3A_60, %dma_wait3A_61] : memref<632x128xf32, #tpu.memory_space<hbm>> -> memref<128x128xf32, #tpu.memory_space<hbm>>
    tpu.wait_dma2 semaphore(%arg10 : memref<!tpu.dma_semaphore, #tpu.memory_space<semaphore_mem>>) src(%dma_wait3A_62 : memref<128x128xf32, #tpu.memory_space<hbm>>) dst(%arg7 : memref<128x128xf32, #tpu.memory_space<vmem>>)
    %dma_wait3A_63 = arith.constant 0 : i32
    %dma_wait3A_64 = arith.constant 0 : i32
    %dma_wait3A_65 = tpu.memref_slice %arg3[%dma_wait3A_63, %dma_wait3A_64] : memref<632x128xf32, #tpu.memory_space<hbm>> -> memref<128x128xf32, #tpu.memory_space<hbm>>
    %dma_wait3A_66 = arith.constant 0 : i32
    %dma_wait3A_67 = arith.constant 0 : i32
    %dma_wait3A_68 = tpu.memref_slice %arg3[%dma_wait3A_66, %dma_wait3A_67] : memref<632x128xf32, #tpu.memory_space<hbm>> -> memref<128x128xf32, #tpu.memory_space<hbm>>
    tpu.wait_dma2 semaphore(%arg10 : memref<!tpu.dma_semaphore, #tpu.memory_space<semaphore_mem>>) src(%dma_wait3A_68 : memref<128x128xf32, #tpu.memory_space<hbm>>) dst(%arg7 : memref<128x128xf32, #tpu.memory_space<vmem>>)
    %dma_wait3A_69 = arith.constant 0 : i32
    %dma_wait3A_70 = arith.constant 0 : i32
    %dma_wait3A_71 = tpu.memref_slice %arg3[%dma_wait3A_69, %dma_wait3A_70] : memref<632x128xf32, #tpu.memory_space<hbm>> -> memref<128x128xf32, #tpu.memory_space<hbm>>
    %dma_wait3A_72 = arith.constant 0 : i32
    %dma_wait3A_73 = arith.constant 0 : i32
    %dma_wait3A_74 = tpu.memref_slice %arg3[%dma_wait3A_72, %dma_wait3A_73] : memref<632x128xf32, #tpu.memory_space<hbm>> -> memref<128x128xf32, #tpu.memory_space<hbm>>
    tpu.wait_dma2 semaphore(%arg10 : memref<!tpu.dma_semaphore, #tpu.memory_space<semaphore_mem>>) src(%dma_wait3A_74 : memref<128x128xf32, #tpu.memory_space<hbm>>) dst(%arg7 : memref<128x128xf32, #tpu.memory_space<vmem>>)
    %dma_wait3A_75 = arith.constant 0 : i32
    %dma_wait3A_76 = arith.constant 0 : i32
    %dma_wait3A_77 = tpu.memref_slice %arg3[%dma_wait3A_75, %dma_wait3A_76] : memref<632x128xf32, #tpu.memory_space<hbm>> -> memref<128x128xf32, #tpu.memory_space<hbm>>
    %dma_wait3A_78 = arith.constant 0 : i32
    %dma_wait3A_79 = arith.constant 0 : i32
    %dma_wait3A_80 = tpu.memref_slice %arg3[%dma_wait3A_78, %dma_wait3A_79] : memref<632x128xf32, #tpu.memory_space<hbm>> -> memref<128x128xf32, #tpu.memory_space<hbm>>
    tpu.wait_dma2 semaphore(%arg10 : memref<!tpu.dma_semaphore, #tpu.memory_space<semaphore_mem>>) src(%dma_wait3A_80 : memref<128x128xf32, #tpu.memory_space<hbm>>) dst(%arg7 : memref<128x128xf32, #tpu.memory_space<vmem>>)
    %dma_wait3A_81 = arith.constant 0 : i32
    %dma_wait3A_82 = arith.constant 0 : i32
    %dma_wait3A_83 = tpu.memref_slice %arg3[%dma_wait3A_81, %dma_wait3A_82] : memref<632x128xf32, #tpu.memory_space<hbm>> -> memref<128x128xf32, #tpu.memory_space<hbm>>
    %dma_wait3A_84 = arith.constant 0 : i32
    %dma_wait3A_85 = arith.constant 0 : i32
    %dma_wait3A_86 = tpu.memref_slice %arg3[%dma_wait3A_84, %dma_wait3A_85] : memref<632x128xf32, #tpu.memory_space<hbm>> -> memref<128x128xf32, #tpu.memory_space<hbm>>
    tpu.wait_dma2 semaphore(%arg10 : memref<!tpu.dma_semaphore, #tpu.memory_space<semaphore_mem>>) src(%dma_wait3A_86 : memref<128x128xf32, #tpu.memory_space<hbm>>) dst(%arg7 : memref<128x128xf32, #tpu.memory_space<vmem>>)
    %dma_wait3A_87 = arith.constant 0 : i32
    %dma_wait3A_88 = arith.constant 0 : i32
    %dma_wait3A_89 = tpu.memref_slice %arg3[%dma_wait3A_87, %dma_wait3A_88] : memref<632x128xf32, #tpu.memory_space<hbm>> -> memref<128x128xf32, #tpu.memory_space<hbm>>
    %dma_wait3A_90 = arith.constant 0 : i32
    %dma_wait3A_91 = arith.constant 0 : i32
    %dma_wait3A_92 = tpu.memref_slice %arg3[%dma_wait3A_90, %dma_wait3A_91] : memref<632x128xf32, #tpu.memory_space<hbm>> -> memref<128x128xf32, #tpu.memory_space<hbm>>
    tpu.wait_dma2 semaphore(%arg10 : memref<!tpu.dma_semaphore, #tpu.memory_space<semaphore_mem>>) src(%dma_wait3A_92 : memref<128x128xf32, #tpu.memory_space<hbm>>) dst(%arg7 : memref<128x128xf32, #tpu.memory_space<vmem>>)
    %dma_wait3A_93 = arith.constant 0 : i32
    %dma_wait3A_94 = arith.constant 0 : i32
    %dma_wait3A_95 = tpu.memref_slice %arg3[%dma_wait3A_93, %dma_wait3A_94] : memref<632x128xf32, #tpu.memory_space<hbm>> -> memref<128x128xf32, #tpu.memory_space<hbm>>
    %dma_wait3A_96 = arith.constant 0 : i32
    %dma_wait3A_97 = arith.constant 0 : i32
    %dma_wait3A_98 = tpu.memref_slice %arg3[%dma_wait3A_96, %dma_wait3A_97] : memref<632x128xf32, #tpu.memory_space<hbm>> -> memref<128x128xf32, #tpu.memory_space<hbm>>
    tpu.wait_dma2 semaphore(%arg10 : memref<!tpu.dma_semaphore, #tpu.memory_space<semaphore_mem>>) src(%dma_wait3A_98 : memref<128x128xf32, #tpu.memory_space<hbm>>) dst(%arg7 : memref<128x128xf32, #tpu.memory_space<vmem>>)
    %dma_wait3A_99 = arith.constant 0 : i32
    %dma_wait3A_100 = arith.constant 0 : i32
    %dma_wait3A_101 = tpu.memref_slice %arg3[%dma_wait3A_99, %dma_wait3A_100] : memref<632x128xf32, #tpu.memory_space<hbm>> -> memref<128x128xf32, #tpu.memory_space<hbm>>
    %dma_wait3A_102 = arith.constant 0 : i32
    %dma_wait3A_103 = arith.constant 0 : i32
    %dma_wait3A_104 = tpu.memref_slice %arg3[%dma_wait3A_102, %dma_wait3A_103] : memref<632x128xf32, #tpu.memory_space<hbm>> -> memref<128x128xf32, #tpu.memory_space<hbm>>
    tpu.wait_dma2 semaphore(%arg10 : memref<!tpu.dma_semaphore, #tpu.memory_space<semaphore_mem>>) src(%dma_wait3A_104 : memref<128x128xf32, #tpu.memory_space<hbm>>) dst(%arg7 : memref<128x128xf32, #tpu.memory_space<vmem>>)
    %barrier3A_105 = arith.constant 0 : index
    tpu.barrier barrier_id(%barrier3A_105)
    %mul3A_106 = arith.constant 632 : i32
    %mul3A_107 = arith.muli %arg1, %mul3A_106 : i32
    %mul3A_108 = arith.constant 632 : i32
    %mul3A_109 = arith.muli %arg1, %mul3A_108 : i32
    "tpu.region"() ({
      %run_scoped3A = tpu.sem_alloc : memref<!tpu.dma_semaphore, #tpu.memory_space<semaphore_mem>>
      %dma_start3A = arith.constant 0 : i32
      %dma_start3A_110 = tpu.memref_slice %arg5[%arg0, %mul3A_109, %dma_start3A] : memref<2x10112x128xf32, #tpu.memory_space<hbm>> -> memref<1x632x128xf32, #tpu.memory_space<hbm>>
      %dma_start3A_111 = tpu.memref_squeeze %dma_start3A_110 : memref<1x632x128xf32, #tpu.memory_space<hbm>> -> memref<632x128xf32, #tpu.memory_space<hbm>>
      %dma_start3A_112 = arith.constant 0 : i32
      %dma_start3A_113 = tpu.memref_slice %arg8[%mul3A_107, %dma_start3A_112] : memref<10112x128xf32, #tpu.memory_space<vmem_shared>> -> memref<632x128xf32, #tpu.memory_space<vmem_shared>>
      tpu.enqueue_dma source(%dma_start3A_113 : memref<632x128xf32, #tpu.memory_space<vmem_shared>>) target(%dma_start3A_111 : memref<632x128xf32, #tpu.memory_space<hbm>>) target_semaphore(%run_scoped3A : memref<!tpu.dma_semaphore, #tpu.memory_space<semaphore_mem>>)
      %dma_wait3A_114 = arith.constant 0 : i32
      %dma_wait3A_115 = tpu.memref_slice %arg5[%arg0, %mul3A_109, %dma_wait3A_114] : memref<2x10112x128xf32, #tpu.memory_space<hbm>> -> memref<1x632x128xf32, #tpu.memory_space<hbm>>
      %dma_wait3A_116 = tpu.memref_squeeze %dma_wait3A_115 : memref<1x632x128xf32, #tpu.memory_space<hbm>> -> memref<632x128xf32, #tpu.memory_space<hbm>>
      %dma_wait3A_117 = arith.constant 0 : i32
      %dma_wait3A_118 = tpu.memref_slice %arg8[%mul3A_107, %dma_wait3A_117] : memref<10112x128xf32, #tpu.memory_space<vmem_shared>> -> memref<632x128xf32, #tpu.memory_space<vmem_shared>>
      tpu.wait_dma2 semaphore(%run_scoped3A : memref<!tpu.dma_semaphore, #tpu.memory_space<semaphore_mem>>) src(%dma_wait3A_118 : memref<632x128xf32, #tpu.memory_space<vmem_shared>>) dst(%dma_wait3A_116 : memref<632x128xf32, #tpu.memory_space<hbm>>)
      tpu.yield
    }) : () -> ()
    return
  }
}

#map = affine_map<(d0, d1) -> (0, 0)>
#map1 = affine_map<(d0, d1) -> (0, 0, 0)>
module attributes {stable_mosaic.version = 14 : i64} {
  func.func @_agg_body(%arg0: i32, %arg1: i32, %arg2: memref<10000x128xf32, #tpu.memory_space<hbm>>, %arg3: memref<2560x128xi32, #tpu.memory_space<hbm>>, %arg4: memref<2560x128xi32, #tpu.memory_space<hbm>>, %arg5: memref<632x128xf32, #tpu.memory_space<hbm>>, %arg6: memref<2x10112x128xf32, #tpu.memory_space<hbm>>, %arg7: memref<16x128xi32, #tpu.memory_space<vmem>>, %arg8: memref<16x128xi32, #tpu.memory_space<vmem>>, %arg9: memref<2x128x128xf32, #tpu.memory_space<vmem>>, %arg10: memref<10112x128xf32, #tpu.memory_space<vmem_shared>>, %arg11: memref<!tpu.dma_semaphore, #tpu.memory_space<semaphore_mem>>, %arg12: memref<!tpu.dma_semaphore, #tpu.memory_space<semaphore_mem>>, %arg13: memref<!tpu.dma_semaphore, #tpu.memory_space<semaphore_mem>>, %arg14: memref<!tpu.dma_semaphore, #tpu.memory_space<semaphore_mem>>) attributes {dimension_semantics = [#tpu.dimension_semantics<core_parallel>, #tpu.dimension_semantics<subcore_parallel>], iteration_bounds = array<i64: 2, 16>, scalar_prefetch = 0 : i64, scratch_operands = 8 : i64, tpu.core_type = #tpu.core_type<sc_vector_subcore>, window_params = [{transform_indices = #map}, {transform_indices = #map}, {transform_indices = #map}, {transform_indices = #map}, {transform_indices = #map1}]} {
    %mul3A = arith.constant 2 : i32
    %mul3A_0 = arith.muli %arg1, %mul3A : i32
    %add3A = arith.addi %mul3A_0, %arg0 : i32
    %mul3A_1 = arith.constant 632 : i32
    %mul3A_2 = arith.muli %arg1, %mul3A_1 : i32
    "tpu.region"() ({
      %run_scoped3A = tpu.sem_alloc : memref<!tpu.dma_semaphore, #tpu.memory_space<semaphore_mem>>
      %dma_start3A_116 = arith.constant 0 : i32
      %dma_start3A_117 = tpu.memref_slice %arg10[%mul3A_2, %dma_start3A_116] : memref<10112x128xf32, #tpu.memory_space<vmem_shared>> -> memref<632x128xf32, #tpu.memory_space<vmem_shared>>
      tpu.enqueue_dma source(%arg5 : memref<632x128xf32, #tpu.memory_space<hbm>>) target(%dma_start3A_117 : memref<632x128xf32, #tpu.memory_space<vmem_shared>>) target_semaphore(%run_scoped3A : memref<!tpu.dma_semaphore, #tpu.memory_space<semaphore_mem>>)
      %dma_wait3A_118 = arith.constant 0 : i32
      %dma_wait3A_119 = tpu.memref_slice %arg10[%mul3A_2, %dma_wait3A_118] : memref<10112x128xf32, #tpu.memory_space<vmem_shared>> -> memref<632x128xf32, #tpu.memory_space<vmem_shared>>
      tpu.wait_dma2 semaphore(%run_scoped3A : memref<!tpu.dma_semaphore, #tpu.memory_space<semaphore_mem>>) src(%arg5 : memref<632x128xf32, #tpu.memory_space<hbm>>) dst(%dma_wait3A_119 : memref<632x128xf32, #tpu.memory_space<vmem_shared>>)
      tpu.yield
    }) : () -> ()
    %barrier3A = arith.constant 0 : index
    tpu.barrier barrier_id(%barrier3A)
    %mul3A_3 = arith.constant 160 : i32
    %mul3A_4 = arith.muli %arg1, %mul3A_3 : i32
    %eq3A = arith.constant 0 : i32
    %eq3A_5 = arith.cmpi eq, %arg0, %eq3A : i32
    %jit3A = arith.constant 0 : i32
    %jit3A_6 = arith.constant 128 : i32
    %select_n3A = arith.select %eq3A_5, %jit3A, %jit3A_6 : i32
    %add3A_7 = arith.addi %mul3A_4, %select_n3A : i32
    %eq3A_8 = arith.constant 0 : i32
    %eq3A_9 = arith.cmpi eq, %arg0, %eq3A_8 : i32
    %jit3A_10 = arith.constant 128 : i32
    %jit3A_11 = arith.constant 32 : i32
    %select_n3A_12 = arith.select %eq3A_9, %jit3A_10, %jit3A_11 : i32
    %jit3A_13 = arith.constant 2 : i32
    %div3A = arith.divsi %select_n3A_12, %jit3A_13 : i32
    %sign3A = arith.constant 0 : i32
    %sign3A_14 = arith.cmpi sgt, %select_n3A_12, %sign3A : i32
    %sign3A_15 = arith.extui %sign3A_14 : i1 to i32
    %sign3A_16 = arith.constant 0 : i32
    %sign3A_17 = arith.cmpi slt, %select_n3A_12, %sign3A_16 : i32
    %sign3A_18 = arith.extui %sign3A_17 : i1 to i32
    %sign3A_19 = arith.subi %sign3A_15, %sign3A_18 : i32
    %sign3A_20 = arith.constant 0 : i32
    %sign3A_21 = arith.cmpi sgt, %jit3A_13, %sign3A_20 : i32
    %sign3A_22 = arith.extui %sign3A_21 : i1 to i32
    %sign3A_23 = arith.constant 0 : i32
    %sign3A_24 = arith.cmpi slt, %jit3A_13, %sign3A_23 : i32
    %sign3A_25 = arith.extui %sign3A_24 : i1 to i32
    %sign3A_26 = arith.subi %sign3A_22, %sign3A_25 : i32
    %ne3A = arith.cmpi ne, %sign3A_19, %sign3A_26 : i32
    %rem3A = arith.remsi %select_n3A_12, %jit3A_13 : i32
    %ne3A_27 = arith.constant 0 : i32
    %ne3A_28 = arith.cmpi ne, %rem3A, %ne3A_27 : i32
    %and3A = arith.andi %ne3A, %ne3A_28 : i1
    %sub3A = arith.constant 1 : i32
    %sub3A_29 = arith.subi %div3A, %sub3A : i32
    %select_n3A_30 = arith.select %and3A, %sub3A_29, %div3A : i32
    %while3A = arith.constant 0 : i32
    %while3A_31 = arith.constant 0 : i32
    %while3A_32 = arith.subi %select_n3A_30, %while3A_31 : i32
    %while3A_33 = arith.addi %while3A_31, %while3A_32 : i32
    %while3A_34 = arith.constant 1 : i32
    %while3A_35 = arith.divsi %while3A_32, %while3A_34 : i32
    %while3A_36 = arith.muli %while3A_35, %while3A_34 : i32
    %while3A_37 = arith.addi %while3A_31, %while3A_36 : i32
    %while3A_38 = arith.constant 1 : i32
    scf.for %while3A_116 = %while3A_31 to %while3A_37 step %while3A_38  : i32 {
      %jit3A_117 = arith.constant 8 : i32
      %eq3A_118 = arith.constant 0 : i32
      %eq3A_119 = arith.cmpi eq, %jit3A_117, %eq3A_118 : i32
      %jit3A_120 = arith.constant 1 : i32
      %select_n3A_121 = arith.select %eq3A_119, %jit3A_120, %jit3A_117 : i32
      %rem3A_122 = arith.remsi %while3A_116, %select_n3A_121 : i32
      %ne3A_123 = arith.constant 0 : i32
      %ne3A_124 = arith.cmpi ne, %rem3A_122, %ne3A_123 : i32
      %lt3A_125 = arith.constant 0 : i32
      %lt3A_126 = arith.cmpi slt, %rem3A_122, %lt3A_125 : i32
      %lt3A_127 = arith.constant 0 : i32
      %lt3A_128 = arith.cmpi slt, %select_n3A_121, %lt3A_127 : i32
      %ne3A_129 = arith.xori %lt3A_126, %lt3A_128 : i1
      %and3A_130 = arith.andi %ne3A_129, %ne3A_124 : i1
      %add3A_131 = arith.addi %rem3A_122, %select_n3A_121 : i32
      %select_n3A_132 = arith.select %and3A_130, %add3A_131, %rem3A_122 : i32
      %mul3A_133 = arith.constant 2 : i32
      %mul3A_134 = arith.muli %mul3A_133, %select_n3A_132 : i32
      %add3A_135 = arith.constant 0 : i32
      %add3A_136 = arith.addi %mul3A_134, %add3A_135 : i32
      %add3A_137 = arith.constant 15 : i32
      %add3A_138 = arith.addi %add3A_136, %add3A_137 : i32
      %jit3A_139 = arith.constant 16 : i32
      %eq3A_140 = arith.constant 0 : i32
      %eq3A_141 = arith.cmpi eq, %jit3A_139, %eq3A_140 : i32
      %jit3A_142 = arith.constant 1 : i32
      %select_n3A_143 = arith.select %eq3A_141, %jit3A_142, %jit3A_139 : i32
      %rem3A_144 = arith.remsi %add3A_138, %select_n3A_143 : i32
      %ne3A_145 = arith.constant 0 : i32
      %ne3A_146 = arith.cmpi ne, %rem3A_144, %ne3A_145 : i32
      %lt3A_147 = arith.constant 0 : i32
      %lt3A_148 = arith.cmpi slt, %rem3A_144, %lt3A_147 : i32
      %lt3A_149 = arith.constant 0 : i32
      %lt3A_150 = arith.cmpi slt, %select_n3A_143, %lt3A_149 : i32
      %ne3A_151 = arith.xori %lt3A_148, %lt3A_150 : i1
      %and3A_152 = arith.andi %ne3A_151, %ne3A_146 : i1
      %add3A_153 = arith.addi %rem3A_144, %select_n3A_143 : i32
      %select_n3A_154 = arith.select %and3A_152, %add3A_153, %rem3A_144 : i32
      %jit3A_155 = arith.constant 4 : i32
      %eq3A_156 = arith.constant 0 : i32
      %eq3A_157 = arith.cmpi eq, %jit3A_155, %eq3A_156 : i32
      %jit3A_158 = arith.constant 1 : i32
      %select_n3A_159 = arith.select %eq3A_157, %jit3A_158, %jit3A_155 : i32
      %rem3A_160 = arith.remsi %while3A_116, %select_n3A_159 : i32
      %ne3A_161 = arith.constant 0 : i32
      %ne3A_162 = arith.cmpi ne, %rem3A_160, %ne3A_161 : i32
      %lt3A_163 = arith.constant 0 : i32
      %lt3A_164 = arith.cmpi slt, %rem3A_160, %lt3A_163 : i32
      %lt3A_165 = arith.constant 0 : i32
      %lt3A_166 = arith.cmpi slt, %select_n3A_159, %lt3A_165 : i32
      %ne3A_167 = arith.xori %lt3A_164, %lt3A_166 : i1
      %and3A_168 = arith.andi %ne3A_167, %ne3A_162 : i1
      %add3A_169 = arith.addi %rem3A_160, %select_n3A_159 : i32
      %select_n3A_170 = arith.select %and3A_168, %add3A_169, %rem3A_160 : i32
      %eq3A_171 = arith.constant 0 : i32
      %eq3A_172 = arith.cmpi eq, %select_n3A_170, %eq3A_171 : i32
      %convert_element_type3A = arith.extui %eq3A_172 : i1 to i32
      %cond3A = arith.constant 0 : i32
      %cond3A_173 = arith.cmpi ne, %convert_element_type3A, %cond3A : i32
      scf.if %cond3A_173 {
        %jit3A_296 = arith.constant 4 : i32
        %div3A_297 = arith.divsi %while3A_116, %jit3A_296 : i32
        %sign3A_298 = arith.constant 0 : i32
        %sign3A_299 = arith.cmpi sgt, %while3A_116, %sign3A_298 : i32
        %sign3A_300 = arith.extui %sign3A_299 : i1 to i32
        %sign3A_301 = arith.constant 0 : i32
        %sign3A_302 = arith.cmpi slt, %while3A_116, %sign3A_301 : i32
        %sign3A_303 = arith.extui %sign3A_302 : i1 to i32
        %sign3A_304 = arith.subi %sign3A_300, %sign3A_303 : i32
        %sign3A_305 = arith.constant 0 : i32
        %sign3A_306 = arith.cmpi sgt, %jit3A_296, %sign3A_305 : i32
        %sign3A_307 = arith.extui %sign3A_306 : i1 to i32
        %sign3A_308 = arith.constant 0 : i32
        %sign3A_309 = arith.cmpi slt, %jit3A_296, %sign3A_308 : i32
        %sign3A_310 = arith.extui %sign3A_309 : i1 to i32
        %sign3A_311 = arith.subi %sign3A_307, %sign3A_310 : i32
        %ne3A_312 = arith.cmpi ne, %sign3A_304, %sign3A_311 : i32
        %rem3A_313 = arith.remsi %while3A_116, %jit3A_296 : i32
        %ne3A_314 = arith.constant 0 : i32
        %ne3A_315 = arith.cmpi ne, %rem3A_313, %ne3A_314 : i32
        %and3A_316 = arith.andi %ne3A_312, %ne3A_315 : i1
        %sub3A_317 = arith.constant 1 : i32
        %sub3A_318 = arith.subi %div3A_297, %sub3A_317 : i32
        %select_n3A_319 = arith.select %and3A_316, %sub3A_318, %div3A_297 : i32
        %mul3A_320 = arith.constant 8 : i32
        %mul3A_321 = arith.muli %select_n3A_319, %mul3A_320 : i32
        %add3A_322 = arith.addi %add3A_7, %mul3A_321 : i32
        %jit3A_323 = arith.constant 4 : i32
        %div3A_324 = arith.divsi %while3A_116, %jit3A_323 : i32
        %sign3A_325 = arith.constant 0 : i32
        %sign3A_326 = arith.cmpi sgt, %while3A_116, %sign3A_325 : i32
        %sign3A_327 = arith.extui %sign3A_326 : i1 to i32
        %sign3A_328 = arith.constant 0 : i32
        %sign3A_329 = arith.cmpi slt, %while3A_116, %sign3A_328 : i32
        %sign3A_330 = arith.extui %sign3A_329 : i1 to i32
        %sign3A_331 = arith.subi %sign3A_327, %sign3A_330 : i32
        %sign3A_332 = arith.constant 0 : i32
        %sign3A_333 = arith.cmpi sgt, %jit3A_323, %sign3A_332 : i32
        %sign3A_334 = arith.extui %sign3A_333 : i1 to i32
        %sign3A_335 = arith.constant 0 : i32
        %sign3A_336 = arith.cmpi slt, %jit3A_323, %sign3A_335 : i32
        %sign3A_337 = arith.extui %sign3A_336 : i1 to i32
        %sign3A_338 = arith.subi %sign3A_334, %sign3A_337 : i32
        %ne3A_339 = arith.cmpi ne, %sign3A_331, %sign3A_338 : i32
        %rem3A_340 = arith.remsi %while3A_116, %jit3A_323 : i32
        %ne3A_341 = arith.constant 0 : i32
        %ne3A_342 = arith.cmpi ne, %rem3A_340, %ne3A_341 : i32
        %and3A_343 = arith.andi %ne3A_339, %ne3A_342 : i1
        %sub3A_344 = arith.constant 1 : i32
        %sub3A_345 = arith.subi %div3A_324, %sub3A_344 : i32
        %select_n3A_346 = arith.select %and3A_343, %sub3A_345, %div3A_324 : i32
        %jit3A_347 = arith.constant 2 : i32
        %eq3A_348 = arith.constant 0 : i32
        %eq3A_349 = arith.cmpi eq, %jit3A_347, %eq3A_348 : i32
        %jit3A_350 = arith.constant 1 : i32
        %select_n3A_351 = arith.select %eq3A_349, %jit3A_350, %jit3A_347 : i32
        %rem3A_352 = arith.remsi %select_n3A_346, %select_n3A_351 : i32
        %ne3A_353 = arith.constant 0 : i32
        %ne3A_354 = arith.cmpi ne, %rem3A_352, %ne3A_353 : i32
        %lt3A_355 = arith.constant 0 : i32
        %lt3A_356 = arith.cmpi slt, %rem3A_352, %lt3A_355 : i32
        %lt3A_357 = arith.constant 0 : i32
        %lt3A_358 = arith.cmpi slt, %select_n3A_351, %lt3A_357 : i32
        %ne3A_359 = arith.xori %lt3A_356, %lt3A_358 : i1
        %and3A_360 = arith.andi %ne3A_359, %ne3A_354 : i1
        %add3A_361 = arith.addi %rem3A_352, %select_n3A_351 : i32
        %select_n3A_362 = arith.select %and3A_360, %add3A_361, %rem3A_352 : i32
        %mul3A_363 = arith.constant 8 : i32
        %mul3A_364 = arith.muli %select_n3A_362, %mul3A_363 : i32
        "tpu.region"() ({
          %run_scoped3A = tpu.sem_alloc : memref<!tpu.dma_semaphore, #tpu.memory_space<semaphore_mem>>
          %dma_start3A_365 = arith.constant 0 : i32
          %dma_start3A_366 = tpu.memref_slice %arg7[%mul3A_364, %dma_start3A_365] : memref<16x128xi32, #tpu.memory_space<vmem>> -> memref<8x128xi32, #tpu.memory_space<vmem>>
          %dma_start3A_367 = arith.constant 0 : i32
          %dma_start3A_368 = tpu.memref_slice %arg3[%add3A_322, %dma_start3A_367] : memref<2560x128xi32, #tpu.memory_space<hbm>> -> memref<8x128xi32, #tpu.memory_space<hbm>>
          %dma_start3A_369 = arith.constant 0 : i32
          %dma_start3A_370 = tpu.memref_slice %arg7[%mul3A_364, %dma_start3A_369] : memref<16x128xi32, #tpu.memory_space<vmem>> -> memref<8x128xi32, #tpu.memory_space<vmem>>
          %dma_start3A_371 = arith.constant 0 : i32
          %dma_start3A_372 = tpu.memref_slice %arg3[%add3A_322, %dma_start3A_371] : memref<2560x128xi32, #tpu.memory_space<hbm>> -> memref<8x128xi32, #tpu.memory_space<hbm>>
          tpu.enqueue_dma source(%dma_start3A_372 : memref<8x128xi32, #tpu.memory_space<hbm>>) target(%dma_start3A_370 : memref<8x128xi32, #tpu.memory_space<vmem>>) target_semaphore(%run_scoped3A : memref<!tpu.dma_semaphore, #tpu.memory_space<semaphore_mem>>)
          %dma_wait3A_373 = arith.constant 0 : i32
          %dma_wait3A_374 = tpu.memref_slice %arg7[%mul3A_364, %dma_wait3A_373] : memref<16x128xi32, #tpu.memory_space<vmem>> -> memref<8x128xi32, #tpu.memory_space<vmem>>
          %dma_wait3A_375 = arith.constant 0 : i32
          %dma_wait3A_376 = tpu.memref_slice %arg3[%add3A_322, %dma_wait3A_375] : memref<2560x128xi32, #tpu.memory_space<hbm>> -> memref<8x128xi32, #tpu.memory_space<hbm>>
          %dma_wait3A_377 = arith.constant 0 : i32
          %dma_wait3A_378 = tpu.memref_slice %arg7[%mul3A_364, %dma_wait3A_377] : memref<16x128xi32, #tpu.memory_space<vmem>> -> memref<8x128xi32, #tpu.memory_space<vmem>>
          %dma_wait3A_379 = arith.constant 0 : i32
          %dma_wait3A_380 = tpu.memref_slice %arg3[%add3A_322, %dma_wait3A_379] : memref<2560x128xi32, #tpu.memory_space<hbm>> -> memref<8x128xi32, #tpu.memory_space<hbm>>
          tpu.wait_dma2 semaphore(%run_scoped3A : memref<!tpu.dma_semaphore, #tpu.memory_space<semaphore_mem>>) src(%dma_wait3A_380 : memref<8x128xi32, #tpu.memory_space<hbm>>) dst(%dma_wait3A_378 : memref<8x128xi32, #tpu.memory_space<vmem>>)
          tpu.yield
        }) : () -> ()
        "tpu.region"() ({
          %run_scoped3A = tpu.sem_alloc : memref<!tpu.dma_semaphore, #tpu.memory_space<semaphore_mem>>
          %dma_start3A_365 = arith.constant 0 : i32
          %dma_start3A_366 = tpu.memref_slice %arg8[%mul3A_364, %dma_start3A_365] : memref<16x128xi32, #tpu.memory_space<vmem>> -> memref<8x128xi32, #tpu.memory_space<vmem>>
          %dma_start3A_367 = arith.constant 0 : i32
          %dma_start3A_368 = tpu.memref_slice %arg4[%add3A_322, %dma_start3A_367] : memref<2560x128xi32, #tpu.memory_space<hbm>> -> memref<8x128xi32, #tpu.memory_space<hbm>>
          %dma_start3A_369 = arith.constant 0 : i32
          %dma_start3A_370 = tpu.memref_slice %arg8[%mul3A_364, %dma_start3A_369] : memref<16x128xi32, #tpu.memory_space<vmem>> -> memref<8x128xi32, #tpu.memory_space<vmem>>
          %dma_start3A_371 = arith.constant 0 : i32
          %dma_start3A_372 = tpu.memref_slice %arg4[%add3A_322, %dma_start3A_371] : memref<2560x128xi32, #tpu.memory_space<hbm>> -> memref<8x128xi32, #tpu.memory_space<hbm>>
          tpu.enqueue_dma source(%dma_start3A_372 : memref<8x128xi32, #tpu.memory_space<hbm>>) target(%dma_start3A_370 : memref<8x128xi32, #tpu.memory_space<vmem>>) target_semaphore(%run_scoped3A : memref<!tpu.dma_semaphore, #tpu.memory_space<semaphore_mem>>)
          %dma_wait3A_373 = arith.constant 0 : i32
          %dma_wait3A_374 = tpu.memref_slice %arg8[%mul3A_364, %dma_wait3A_373] : memref<16x128xi32, #tpu.memory_space<vmem>> -> memref<8x128xi32, #tpu.memory_space<vmem>>
          %dma_wait3A_375 = arith.constant 0 : i32
          %dma_wait3A_376 = tpu.memref_slice %arg4[%add3A_322, %dma_wait3A_375] : memref<2560x128xi32, #tpu.memory_space<hbm>> -> memref<8x128xi32, #tpu.memory_space<hbm>>
          %dma_wait3A_377 = arith.constant 0 : i32
          %dma_wait3A_378 = tpu.memref_slice %arg8[%mul3A_364, %dma_wait3A_377] : memref<16x128xi32, #tpu.memory_space<vmem>> -> memref<8x128xi32, #tpu.memory_space<vmem>>
          %dma_wait3A_379 = arith.constant 0 : i32
          %dma_wait3A_380 = tpu.memref_slice %arg4[%add3A_322, %dma_wait3A_379] : memref<2560x128xi32, #tpu.memory_space<hbm>> -> memref<8x128xi32, #tpu.memory_space<hbm>>
          tpu.wait_dma2 semaphore(%run_scoped3A : memref<!tpu.dma_semaphore, #tpu.memory_space<semaphore_mem>>) src(%dma_wait3A_380 : memref<8x128xi32, #tpu.memory_space<hbm>>) dst(%dma_wait3A_378 : memref<8x128xi32, #tpu.memory_space<vmem>>)
          tpu.yield
        }) : () -> ()
      } else {
      }
      %gt3A = arith.constant 0 : i32
      %gt3A_174 = arith.cmpi sgt, %while3A_116, %gt3A : i32
      %convert_element_type3A_175 = arith.extui %gt3A_174 : i1 to i32
      %cond3A_176 = arith.constant 0 : i32
      %cond3A_177 = arith.cmpi ne, %convert_element_type3A_175, %cond3A_176 : i32
      scf.if %cond3A_177 {
        %dma_wait3A_296 = arith.constant 0 : i32
        %dma_wait3A_297 = arith.constant 0 : i32
        %dma_wait3A_298 = arith.constant 0 : i32
        %dma_wait3A_299 = tpu.memref_slice %arg9[%dma_wait3A_296, %dma_wait3A_297, %dma_wait3A_298] : memref<2x128x128xf32, #tpu.memory_space<vmem>> -> memref<1x128x128xf32, #tpu.memory_space<vmem>>
        %dma_wait3A_300 = tpu.memref_squeeze %dma_wait3A_299 : memref<1x128x128xf32, #tpu.memory_space<vmem>> -> memref<128x128xf32, #tpu.memory_space<vmem>>
        %dma_wait3A_301 = arith.constant 0 : i32
        %dma_wait3A_302 = arith.constant 0 : i32
        %dma_wait3A_303 = tpu.memref_slice %arg2[%dma_wait3A_301, %dma_wait3A_302] : memref<10000x128xf32, #tpu.memory_space<hbm>> -> memref<128x128xf32, #tpu.memory_space<hbm>>
        %dma_wait3A_304 = arith.constant 0 : i32
        %dma_wait3A_305 = arith.constant 0 : i32
        %dma_wait3A_306 = tpu.memref_slice %arg9[%dma_wait3A_296, %dma_wait3A_304, %dma_wait3A_305] : memref<2x128x128xf32, #tpu.memory_space<vmem>> -> memref<1x128x128xf32, #tpu.memory_space<vmem>>
        %dma_wait3A_307 = tpu.memref_squeeze %dma_wait3A_306 : memref<1x128x128xf32, #tpu.memory_space<vmem>> -> memref<128x128xf32, #tpu.memory_space<vmem>>
        %dma_wait3A_308 = arith.constant 0 : i32
        %dma_wait3A_309 = arith.constant 0 : i32
        %dma_wait3A_310 = tpu.memref_slice %arg2[%dma_wait3A_308, %dma_wait3A_309] : memref<10000x128xf32, #tpu.memory_space<hbm>> -> memref<128x128xf32, #tpu.memory_space<hbm>>
        tpu.wait_dma2 semaphore(%arg13 : memref<!tpu.dma_semaphore, #tpu.memory_space<semaphore_mem>>) src(%dma_wait3A_310 : memref<128x128xf32, #tpu.memory_space<hbm>>) dst(%dma_wait3A_307 : memref<128x128xf32, #tpu.memory_space<vmem>>)
      } else {
      }
      %dma_start3A_178 = arith.constant 0 : i32
      %dma_start3A_179 = arith.constant 0 : i32
      %dma_start3A_180 = arith.constant 0 : i32
      %dma_start3A_181 = tpu.memref_slice %arg9[%dma_start3A_178, %dma_start3A_179, %dma_start3A_180] : memref<2x128x128xf32, #tpu.memory_space<vmem>> -> memref<1x64x128xf32, #tpu.memory_space<vmem>>
      %dma_start3A_182 = tpu.memref_squeeze %dma_start3A_181 : memref<1x64x128xf32, #tpu.memory_space<vmem>> -> memref<64x128xf32, #tpu.memory_space<vmem>>
      %dma_start3A_183 = arith.constant 0 : i32
      %dma_start3A_184 = tpu.memref_slice %arg7[%add3A_136, %dma_start3A_183] : memref<16x128xi32, #tpu.memory_space<vmem>> -> memref<1x64xi32, #tpu.memory_space<vmem>>
      %dma_start3A_185 = tpu.memref_squeeze %dma_start3A_184 : memref<1x64xi32, #tpu.memory_space<vmem>> -> memref<64xi32, #tpu.memory_space<vmem>>
      %dma_start3A_186 = arith.constant 0 : i32
      %dma_start3A_187 = arith.constant 0 : i32
      %dma_start3A_188 = tpu.memref_slice %arg2[%dma_start3A_186, %dma_start3A_187] : memref<10000x128xf32, #tpu.memory_space<hbm>> -> memref<10000x128xf32, #tpu.memory_space<hbm>>
      tpu.enqueue_indirect_dma source(%dma_start3A_188 : memref<10000x128xf32, #tpu.memory_space<hbm>>) target(%dma_start3A_182 : memref<64x128xf32, #tpu.memory_space<vmem>>) offsets(%dma_start3A_185 : memref<64xi32, #tpu.memory_space<vmem>>) semaphore(%arg11 : memref<!tpu.dma_semaphore, #tpu.memory_space<semaphore_mem>>)
      %dma_start3A_189 = arith.constant 0 : i32
      %dma_start3A_190 = arith.constant 64 : i32
      %dma_start3A_191 = arith.constant 0 : i32
      %dma_start3A_192 = tpu.memref_slice %arg9[%dma_start3A_189, %dma_start3A_190, %dma_start3A_191] : memref<2x128x128xf32, #tpu.memory_space<vmem>> -> memref<1x64x128xf32, #tpu.memory_space<vmem>>
      %dma_start3A_193 = tpu.memref_squeeze %dma_start3A_192 : memref<1x64x128xf32, #tpu.memory_space<vmem>> -> memref<64x128xf32, #tpu.memory_space<vmem>>
      %dma_start3A_194 = arith.constant 64 : i32
      %dma_start3A_195 = tpu.memref_slice %arg7[%add3A_136, %dma_start3A_194] : memref<16x128xi32, #tpu.memory_space<vmem>> -> memref<1x64xi32, #tpu.memory_space<vmem>>
      %dma_start3A_196 = tpu.memref_squeeze %dma_start3A_195 : memref<1x64xi32, #tpu.memory_space<vmem>> -> memref<64xi32, #tpu.memory_space<vmem>>
      %dma_start3A_197 = arith.constant 0 : i32
      %dma_start3A_198 = arith.constant 0 : i32
      %dma_start3A_199 = tpu.memref_slice %arg2[%dma_start3A_197, %dma_start3A_198] : memref<10000x128xf32, #tpu.memory_space<hbm>> -> memref<10000x128xf32, #tpu.memory_space<hbm>>
      tpu.enqueue_indirect_dma source(%dma_start3A_199 : memref<10000x128xf32, #tpu.memory_space<hbm>>) target(%dma_start3A_193 : memref<64x128xf32, #tpu.memory_space<vmem>>) offsets(%dma_start3A_196 : memref<64xi32, #tpu.memory_space<vmem>>) semaphore(%arg11 : memref<!tpu.dma_semaphore, #tpu.memory_space<semaphore_mem>>)
      %gt3A_200 = arith.constant 0 : i32
      %gt3A_201 = arith.cmpi sgt, %while3A_116, %gt3A_200 : i32
      %convert_element_type3A_202 = arith.extui %gt3A_201 : i1 to i32
      %cond3A_203 = arith.constant 0 : i32
      %cond3A_204 = arith.cmpi ne, %convert_element_type3A_202, %cond3A_203 : i32
      scf.if %cond3A_204 {
        %dma_wait3A_296 = arith.constant 1 : i32
        %dma_wait3A_297 = arith.constant 0 : i32
        %dma_wait3A_298 = arith.constant 0 : i32
        %dma_wait3A_299 = tpu.memref_slice %arg9[%dma_wait3A_296, %dma_wait3A_297, %dma_wait3A_298] : memref<2x128x128xf32, #tpu.memory_space<vmem>> -> memref<1x128x128xf32, #tpu.memory_space<vmem>>
        %dma_wait3A_300 = tpu.memref_squeeze %dma_wait3A_299 : memref<1x128x128xf32, #tpu.memory_space<vmem>> -> memref<128x128xf32, #tpu.memory_space<vmem>>
        %dma_wait3A_301 = arith.constant 0 : i32
        %dma_wait3A_302 = arith.constant 0 : i32
        %dma_wait3A_303 = tpu.memref_slice %arg2[%dma_wait3A_301, %dma_wait3A_302] : memref<10000x128xf32, #tpu.memory_space<hbm>> -> memref<128x128xf32, #tpu.memory_space<hbm>>
        %dma_wait3A_304 = arith.constant 0 : i32
        %dma_wait3A_305 = arith.constant 0 : i32
        %dma_wait3A_306 = tpu.memref_slice %arg9[%dma_wait3A_296, %dma_wait3A_304, %dma_wait3A_305] : memref<2x128x128xf32, #tpu.memory_space<vmem>> -> memref<1x128x128xf32, #tpu.memory_space<vmem>>
        %dma_wait3A_307 = tpu.memref_squeeze %dma_wait3A_306 : memref<1x128x128xf32, #tpu.memory_space<vmem>> -> memref<128x128xf32, #tpu.memory_space<vmem>>
        %dma_wait3A_308 = arith.constant 0 : i32
        %dma_wait3A_309 = arith.constant 0 : i32
        %dma_wait3A_310 = tpu.memref_slice %arg2[%dma_wait3A_308, %dma_wait3A_309] : memref<10000x128xf32, #tpu.memory_space<hbm>> -> memref<128x128xf32, #tpu.memory_space<hbm>>
        tpu.wait_dma2 semaphore(%arg12 : memref<!tpu.dma_semaphore, #tpu.memory_space<semaphore_mem>>) src(%dma_wait3A_310 : memref<128x128xf32, #tpu.memory_space<hbm>>) dst(%dma_wait3A_307 : memref<128x128xf32, #tpu.memory_space<vmem>>)
        %dma_start3A_311 = arith.constant 1 : i32
        %dma_start3A_312 = arith.constant 0 : i32
        %dma_start3A_313 = arith.constant 0 : i32
        %dma_start3A_314 = tpu.memref_slice %arg9[%dma_start3A_311, %dma_start3A_312, %dma_start3A_313] : memref<2x128x128xf32, #tpu.memory_space<vmem>> -> memref<1x128x128xf32, #tpu.memory_space<vmem>>
        %dma_start3A_315 = tpu.memref_squeeze %dma_start3A_314 : memref<1x128x128xf32, #tpu.memory_space<vmem>> -> memref<128x128xf32, #tpu.memory_space<vmem>>
        %dma_start3A_316 = arith.constant 0 : i32
        %dma_start3A_317 = tpu.memref_slice %arg8[%select_n3A_154, %dma_start3A_316] : memref<16x128xi32, #tpu.memory_space<vmem>> -> memref<1x128xi32, #tpu.memory_space<vmem>>
        %dma_start3A_318 = tpu.memref_squeeze %dma_start3A_317 : memref<1x128xi32, #tpu.memory_space<vmem>> -> memref<128xi32, #tpu.memory_space<vmem>>
        %dma_start3A_319 = arith.constant 0 : i32
        %dma_start3A_320 = arith.constant 0 : i32
        %dma_start3A_321 = tpu.memref_slice %arg10[%dma_start3A_319, %dma_start3A_320] : memref<10112x128xf32, #tpu.memory_space<vmem_shared>> -> memref<10112x128xf32, #tpu.memory_space<vmem_shared>>
        tpu.enqueue_indirect_dma source(%dma_start3A_315 : memref<128x128xf32, #tpu.memory_space<vmem>>) target(%dma_start3A_321 : memref<10112x128xf32, #tpu.memory_space<vmem_shared>>) offsets(%dma_start3A_318 : memref<128xi32, #tpu.memory_space<vmem>>) semaphore(%arg14 : memref<!tpu.dma_semaphore, #tpu.memory_space<semaphore_mem>>) {add = true}
      } else {
      }
      %jit3A_205 = arith.constant 8 : i32
      %eq3A_206 = arith.constant 0 : i32
      %eq3A_207 = arith.cmpi eq, %jit3A_205, %eq3A_206 : i32
      %jit3A_208 = arith.constant 1 : i32
      %select_n3A_209 = arith.select %eq3A_207, %jit3A_208, %jit3A_205 : i32
      %rem3A_210 = arith.remsi %while3A_116, %select_n3A_209 : i32
      %ne3A_211 = arith.constant 0 : i32
      %ne3A_212 = arith.cmpi ne, %rem3A_210, %ne3A_211 : i32
      %lt3A_213 = arith.constant 0 : i32
      %lt3A_214 = arith.cmpi slt, %rem3A_210, %lt3A_213 : i32
      %lt3A_215 = arith.constant 0 : i32
      %lt3A_216 = arith.cmpi slt, %select_n3A_209, %lt3A_215 : i32
      %ne3A_217 = arith.xori %lt3A_214, %lt3A_216 : i1
      %and3A_218 = arith.andi %ne3A_217, %ne3A_212 : i1
      %add3A_219 = arith.addi %rem3A_210, %select_n3A_209 : i32
      %select_n3A_220 = arith.select %and3A_218, %add3A_219, %rem3A_210 : i32
      %mul3A_221 = arith.constant 2 : i32
      %mul3A_222 = arith.muli %mul3A_221, %select_n3A_220 : i32
      %add3A_223 = arith.constant 1 : i32
      %add3A_224 = arith.addi %mul3A_222, %add3A_223 : i32
      %add3A_225 = arith.constant 15 : i32
      %add3A_226 = arith.addi %add3A_224, %add3A_225 : i32
      %jit3A_227 = arith.constant 16 : i32
      %eq3A_228 = arith.constant 0 : i32
      %eq3A_229 = arith.cmpi eq, %jit3A_227, %eq3A_228 : i32
      %jit3A_230 = arith.constant 1 : i32
      %select_n3A_231 = arith.select %eq3A_229, %jit3A_230, %jit3A_227 : i32
      %rem3A_232 = arith.remsi %add3A_226, %select_n3A_231 : i32
      %ne3A_233 = arith.constant 0 : i32
      %ne3A_234 = arith.cmpi ne, %rem3A_232, %ne3A_233 : i32
      %lt3A_235 = arith.constant 0 : i32
      %lt3A_236 = arith.cmpi slt, %rem3A_232, %lt3A_235 : i32
      %lt3A_237 = arith.constant 0 : i32
      %lt3A_238 = arith.cmpi slt, %select_n3A_231, %lt3A_237 : i32
      %ne3A_239 = arith.xori %lt3A_236, %lt3A_238 : i1
      %and3A_240 = arith.andi %ne3A_239, %ne3A_234 : i1
      %add3A_241 = arith.addi %rem3A_232, %select_n3A_231 : i32
      %select_n3A_242 = arith.select %and3A_240, %add3A_241, %rem3A_232 : i32
      %gt3A_243 = arith.constant 0 : i32
      %gt3A_244 = arith.cmpi sgt, %while3A_116, %gt3A_243 : i32
      %convert_element_type3A_245 = arith.extui %gt3A_244 : i1 to i32
      %cond3A_246 = arith.constant 0 : i32
      %cond3A_247 = arith.cmpi ne, %convert_element_type3A_245, %cond3A_246 : i32
      scf.if %cond3A_247 {
        %dma_wait3A_296 = arith.constant 1 : i32
        %dma_wait3A_297 = arith.constant 0 : i32
        %dma_wait3A_298 = arith.constant 0 : i32
        %dma_wait3A_299 = tpu.memref_slice %arg9[%dma_wait3A_296, %dma_wait3A_297, %dma_wait3A_298] : memref<2x128x128xf32, #tpu.memory_space<vmem>> -> memref<1x128x128xf32, #tpu.memory_space<vmem>>
        %dma_wait3A_300 = tpu.memref_squeeze %dma_wait3A_299 : memref<1x128x128xf32, #tpu.memory_space<vmem>> -> memref<128x128xf32, #tpu.memory_space<vmem>>
        %dma_wait3A_301 = arith.constant 0 : i32
        %dma_wait3A_302 = arith.constant 0 : i32
        %dma_wait3A_303 = tpu.memref_slice %arg2[%dma_wait3A_301, %dma_wait3A_302] : memref<10000x128xf32, #tpu.memory_space<hbm>> -> memref<128x128xf32, #tpu.memory_space<hbm>>
        %dma_wait3A_304 = arith.constant 0 : i32
        %dma_wait3A_305 = arith.constant 0 : i32
        %dma_wait3A_306 = tpu.memref_slice %arg9[%dma_wait3A_296, %dma_wait3A_304, %dma_wait3A_305] : memref<2x128x128xf32, #tpu.memory_space<vmem>> -> memref<1x128x128xf32, #tpu.memory_space<vmem>>
        %dma_wait3A_307 = tpu.memref_squeeze %dma_wait3A_306 : memref<1x128x128xf32, #tpu.memory_space<vmem>> -> memref<128x128xf32, #tpu.memory_space<vmem>>
        %dma_wait3A_308 = arith.constant 0 : i32
        %dma_wait3A_309 = arith.constant 0 : i32
        %dma_wait3A_310 = tpu.memref_slice %arg2[%dma_wait3A_308, %dma_wait3A_309] : memref<10000x128xf32, #tpu.memory_space<hbm>> -> memref<128x128xf32, #tpu.memory_space<hbm>>
        tpu.wait_dma2 semaphore(%arg14 : memref<!tpu.dma_semaphore, #tpu.memory_space<semaphore_mem>>) src(%dma_wait3A_310 : memref<128x128xf32, #tpu.memory_space<hbm>>) dst(%dma_wait3A_307 : memref<128x128xf32, #tpu.memory_space<vmem>>)
      } else {
      }
      %dma_start3A_248 = arith.constant 1 : i32
      %dma_start3A_249 = arith.constant 0 : i32
      %dma_start3A_250 = arith.constant 0 : i32
      %dma_start3A_251 = tpu.memref_slice %arg9[%dma_start3A_248, %dma_start3A_249, %dma_start3A_250] : memref<2x128x128xf32, #tpu.memory_space<vmem>> -> memref<1x64x128xf32, #tpu.memory_space<vmem>>
      %dma_start3A_252 = tpu.memref_squeeze %dma_start3A_251 : memref<1x64x128xf32, #tpu.memory_space<vmem>> -> memref<64x128xf32, #tpu.memory_space<vmem>>
      %dma_start3A_253 = arith.constant 0 : i32
      %dma_start3A_254 = tpu.memref_slice %arg7[%add3A_224, %dma_start3A_253] : memref<16x128xi32, #tpu.memory_space<vmem>> -> memref<1x64xi32, #tpu.memory_space<vmem>>
      %dma_start3A_255 = tpu.memref_squeeze %dma_start3A_254 : memref<1x64xi32, #tpu.memory_space<vmem>> -> memref<64xi32, #tpu.memory_space<vmem>>
      %dma_start3A_256 = arith.constant 0 : i32
      %dma_start3A_257 = arith.constant 0 : i32
      %dma_start3A_258 = tpu.memref_slice %arg2[%dma_start3A_256, %dma_start3A_257] : memref<10000x128xf32, #tpu.memory_space<hbm>> -> memref<10000x128xf32, #tpu.memory_space<hbm>>
      tpu.enqueue_indirect_dma source(%dma_start3A_258 : memref<10000x128xf32, #tpu.memory_space<hbm>>) target(%dma_start3A_252 : memref<64x128xf32, #tpu.memory_space<vmem>>) offsets(%dma_start3A_255 : memref<64xi32, #tpu.memory_space<vmem>>) semaphore(%arg12 : memref<!tpu.dma_semaphore, #tpu.memory_space<semaphore_mem>>)
      %dma_start3A_259 = arith.constant 1 : i32
      %dma_start3A_260 = arith.constant 64 : i32
      %dma_start3A_261 = arith.constant 0 : i32
      %dma_start3A_262 = tpu.memref_slice %arg9[%dma_start3A_259, %dma_start3A_260, %dma_start3A_261] : memref<2x128x128xf32, #tpu.memory_space<vmem>> -> memref<1x64x128xf32, #tpu.memory_space<vmem>>
      %dma_start3A_263 = tpu.memref_squeeze %dma_start3A_262 : memref<1x64x128xf32, #tpu.memory_space<vmem>> -> memref<64x128xf32, #tpu.memory_space<vmem>>
      %dma_start3A_264 = arith.constant 64 : i32
      %dma_start3A_265 = tpu.memref_slice %arg7[%add3A_224, %dma_start3A_264] : memref<16x128xi32, #tpu.memory_space<vmem>> -> memref<1x64xi32, #tpu.memory_space<vmem>>
      %dma_start3A_266 = tpu.memref_squeeze %dma_start3A_265 : memref<1x64xi32, #tpu.memory_space<vmem>> -> memref<64xi32, #tpu.memory_space<vmem>>
      %dma_start3A_267 = arith.constant 0 : i32
      %dma_start3A_268 = arith.constant 0 : i32
      %dma_start3A_269 = tpu.memref_slice %arg2[%dma_start3A_267, %dma_start3A_268] : memref<10000x128xf32, #tpu.memory_space<hbm>> -> memref<10000x128xf32, #tpu.memory_space<hbm>>
      tpu.enqueue_indirect_dma source(%dma_start3A_269 : memref<10000x128xf32, #tpu.memory_space<hbm>>) target(%dma_start3A_263 : memref<64x128xf32, #tpu.memory_space<vmem>>) offsets(%dma_start3A_266 : memref<64xi32, #tpu.memory_space<vmem>>) semaphore(%arg12 : memref<!tpu.dma_semaphore, #tpu.memory_space<semaphore_mem>>)
      %dma_wait3A_270 = arith.constant 0 : i32
      %dma_wait3A_271 = arith.constant 0 : i32
      %dma_wait3A_272 = arith.constant 0 : i32
      %dma_wait3A_273 = tpu.memref_slice %arg9[%dma_wait3A_270, %dma_wait3A_271, %dma_wait3A_272] : memref<2x128x128xf32, #tpu.memory_space<vmem>> -> memref<1x128x128xf32, #tpu.memory_space<vmem>>
      %dma_wait3A_274 = tpu.memref_squeeze %dma_wait3A_273 : memref<1x128x128xf32, #tpu.memory_space<vmem>> -> memref<128x128xf32, #tpu.memory_space<vmem>>
      %dma_wait3A_275 = arith.constant 0 : i32
      %dma_wait3A_276 = arith.constant 0 : i32
      %dma_wait3A_277 = tpu.memref_slice %arg2[%dma_wait3A_275, %dma_wait3A_276] : memref<10000x128xf32, #tpu.memory_space<hbm>> -> memref<128x128xf32, #tpu.memory_space<hbm>>
      %dma_wait3A_278 = arith.constant 0 : i32
      %dma_wait3A_279 = arith.constant 0 : i32
      %dma_wait3A_280 = tpu.memref_slice %arg9[%dma_wait3A_270, %dma_wait3A_278, %dma_wait3A_279] : memref<2x128x128xf32, #tpu.memory_space<vmem>> -> memref<1x128x128xf32, #tpu.memory_space<vmem>>
      %dma_wait3A_281 = tpu.memref_squeeze %dma_wait3A_280 : memref<1x128x128xf32, #tpu.memory_space<vmem>> -> memref<128x128xf32, #tpu.memory_space<vmem>>
      %dma_wait3A_282 = arith.constant 0 : i32
      %dma_wait3A_283 = arith.constant 0 : i32
      %dma_wait3A_284 = tpu.memref_slice %arg2[%dma_wait3A_282, %dma_wait3A_283] : memref<10000x128xf32, #tpu.memory_space<hbm>> -> memref<128x128xf32, #tpu.memory_space<hbm>>
      tpu.wait_dma2 semaphore(%arg11 : memref<!tpu.dma_semaphore, #tpu.memory_space<semaphore_mem>>) src(%dma_wait3A_284 : memref<128x128xf32, #tpu.memory_space<hbm>>) dst(%dma_wait3A_281 : memref<128x128xf32, #tpu.memory_space<vmem>>)
      %dma_start3A_285 = arith.constant 0 : i32
      %dma_start3A_286 = arith.constant 0 : i32
      %dma_start3A_287 = arith.constant 0 : i32
      %dma_start3A_288 = tpu.memref_slice %arg9[%dma_start3A_285, %dma_start3A_286, %dma_start3A_287] : memref<2x128x128xf32, #tpu.memory_space<vmem>> -> memref<1x128x128xf32, #tpu.memory_space<vmem>>
      %dma_start3A_289 = tpu.memref_squeeze %dma_start3A_288 : memref<1x128x128xf32, #tpu.memory_space<vmem>> -> memref<128x128xf32, #tpu.memory_space<vmem>>
      %dma_start3A_290 = arith.constant 0 : i32
      %dma_start3A_291 = tpu.memref_slice %arg8[%select_n3A_242, %dma_start3A_290] : memref<16x128xi32, #tpu.memory_space<vmem>> -> memref<1x128xi32, #tpu.memory_space<vmem>>
      %dma_start3A_292 = tpu.memref_squeeze %dma_start3A_291 : memref<1x128xi32, #tpu.memory_space<vmem>> -> memref<128xi32, #tpu.memory_space<vmem>>
      %dma_start3A_293 = arith.constant 0 : i32
      %dma_start3A_294 = arith.constant 0 : i32
      %dma_start3A_295 = tpu.memref_slice %arg10[%dma_start3A_293, %dma_start3A_294] : memref<10112x128xf32, #tpu.memory_space<vmem_shared>> -> memref<10112x128xf32, #tpu.memory_space<vmem_shared>>
      tpu.enqueue_indirect_dma source(%dma_start3A_289 : memref<128x128xf32, #tpu.memory_space<vmem>>) target(%dma_start3A_295 : memref<10112x128xf32, #tpu.memory_space<vmem_shared>>) offsets(%dma_start3A_292 : memref<128xi32, #tpu.memory_space<vmem>>) semaphore(%arg13 : memref<!tpu.dma_semaphore, #tpu.memory_space<semaphore_mem>>) {add = true}
    }
    %while3A_39 = arith.constant 1 : i32
    scf.for %while3A_116 = %while3A_37 to %while3A_33 step %while3A_39  : i32 {
      %jit3A_117 = arith.constant 8 : i32
      %eq3A_118 = arith.constant 0 : i32
      %eq3A_119 = arith.cmpi eq, %jit3A_117, %eq3A_118 : i32
      %jit3A_120 = arith.constant 1 : i32
      %select_n3A_121 = arith.select %eq3A_119, %jit3A_120, %jit3A_117 : i32
      %rem3A_122 = arith.remsi %while3A_116, %select_n3A_121 : i32
      %ne3A_123 = arith.constant 0 : i32
      %ne3A_124 = arith.cmpi ne, %rem3A_122, %ne3A_123 : i32
      %lt3A_125 = arith.constant 0 : i32
      %lt3A_126 = arith.cmpi slt, %rem3A_122, %lt3A_125 : i32
      %lt3A_127 = arith.constant 0 : i32
      %lt3A_128 = arith.cmpi slt, %select_n3A_121, %lt3A_127 : i32
      %ne3A_129 = arith.xori %lt3A_126, %lt3A_128 : i1
      %and3A_130 = arith.andi %ne3A_129, %ne3A_124 : i1
      %add3A_131 = arith.addi %rem3A_122, %select_n3A_121 : i32
      %select_n3A_132 = arith.select %and3A_130, %add3A_131, %rem3A_122 : i32
      %mul3A_133 = arith.constant 2 : i32
      %mul3A_134 = arith.muli %mul3A_133, %select_n3A_132 : i32
      %add3A_135 = arith.constant 0 : i32
      %add3A_136 = arith.addi %mul3A_134, %add3A_135 : i32
      %add3A_137 = arith.constant 15 : i32
      %add3A_138 = arith.addi %add3A_136, %add3A_137 : i32
      %jit3A_139 = arith.constant 16 : i32
      %eq3A_140 = arith.constant 0 : i32
      %eq3A_141 = arith.cmpi eq, %jit3A_139, %eq3A_140 : i32
      %jit3A_142 = arith.constant 1 : i32
      %select_n3A_143 = arith.select %eq3A_141, %jit3A_142, %jit3A_139 : i32
      %rem3A_144 = arith.remsi %add3A_138, %select_n3A_143 : i32
      %ne3A_145 = arith.constant 0 : i32
      %ne3A_146 = arith.cmpi ne, %rem3A_144, %ne3A_145 : i32
      %lt3A_147 = arith.constant 0 : i32
      %lt3A_148 = arith.cmpi slt, %rem3A_144, %lt3A_147 : i32
      %lt3A_149 = arith.constant 0 : i32
      %lt3A_150 = arith.cmpi slt, %select_n3A_143, %lt3A_149 : i32
      %ne3A_151 = arith.xori %lt3A_148, %lt3A_150 : i1
      %and3A_152 = arith.andi %ne3A_151, %ne3A_146 : i1
      %add3A_153 = arith.addi %rem3A_144, %select_n3A_143 : i32
      %select_n3A_154 = arith.select %and3A_152, %add3A_153, %rem3A_144 : i32
      %jit3A_155 = arith.constant 4 : i32
      %eq3A_156 = arith.constant 0 : i32
      %eq3A_157 = arith.cmpi eq, %jit3A_155, %eq3A_156 : i32
      %jit3A_158 = arith.constant 1 : i32
      %select_n3A_159 = arith.select %eq3A_157, %jit3A_158, %jit3A_155 : i32
      %rem3A_160 = arith.remsi %while3A_116, %select_n3A_159 : i32
      %ne3A_161 = arith.constant 0 : i32
      %ne3A_162 = arith.cmpi ne, %rem3A_160, %ne3A_161 : i32
      %lt3A_163 = arith.constant 0 : i32
      %lt3A_164 = arith.cmpi slt, %rem3A_160, %lt3A_163 : i32
      %lt3A_165 = arith.constant 0 : i32
      %lt3A_166 = arith.cmpi slt, %select_n3A_159, %lt3A_165 : i32
      %ne3A_167 = arith.xori %lt3A_164, %lt3A_166 : i1
      %and3A_168 = arith.andi %ne3A_167, %ne3A_162 : i1
      %add3A_169 = arith.addi %rem3A_160, %select_n3A_159 : i32
      %select_n3A_170 = arith.select %and3A_168, %add3A_169, %rem3A_160 : i32
      %eq3A_171 = arith.constant 0 : i32
      %eq3A_172 = arith.cmpi eq, %select_n3A_170, %eq3A_171 : i32
      %convert_element_type3A = arith.extui %eq3A_172 : i1 to i32
      %cond3A = arith.constant 0 : i32
      %cond3A_173 = arith.cmpi ne, %convert_element_type3A, %cond3A : i32
      scf.if %cond3A_173 {
        %jit3A_296 = arith.constant 4 : i32
        %div3A_297 = arith.divsi %while3A_116, %jit3A_296 : i32
        %sign3A_298 = arith.constant 0 : i32
        %sign3A_299 = arith.cmpi sgt, %while3A_116, %sign3A_298 : i32
        %sign3A_300 = arith.extui %sign3A_299 : i1 to i32
        %sign3A_301 = arith.constant 0 : i32
        %sign3A_302 = arith.cmpi slt, %while3A_116, %sign3A_301 : i32
        %sign3A_303 = arith.extui %sign3A_302 : i1 to i32
        %sign3A_304 = arith.subi %sign3A_300, %sign3A_303 : i32
        %sign3A_305 = arith.constant 0 : i32
        %sign3A_306 = arith.cmpi sgt, %jit3A_296, %sign3A_305 : i32
        %sign3A_307 = arith.extui %sign3A_306 : i1 to i32
        %sign3A_308 = arith.constant 0 : i32
        %sign3A_309 = arith.cmpi slt, %jit3A_296, %sign3A_308 : i32
        %sign3A_310 = arith.extui %sign3A_309 : i1 to i32
        %sign3A_311 = arith.subi %sign3A_307, %sign3A_310 : i32
        %ne3A_312 = arith.cmpi ne, %sign3A_304, %sign3A_311 : i32
        %rem3A_313 = arith.remsi %while3A_116, %jit3A_296 : i32
        %ne3A_314 = arith.constant 0 : i32
        %ne3A_315 = arith.cmpi ne, %rem3A_313, %ne3A_314 : i32
        %and3A_316 = arith.andi %ne3A_312, %ne3A_315 : i1
        %sub3A_317 = arith.constant 1 : i32
        %sub3A_318 = arith.subi %div3A_297, %sub3A_317 : i32
        %select_n3A_319 = arith.select %and3A_316, %sub3A_318, %div3A_297 : i32
        %mul3A_320 = arith.constant 8 : i32
        %mul3A_321 = arith.muli %select_n3A_319, %mul3A_320 : i32
        %add3A_322 = arith.addi %add3A_7, %mul3A_321 : i32
        %jit3A_323 = arith.constant 4 : i32
        %div3A_324 = arith.divsi %while3A_116, %jit3A_323 : i32
        %sign3A_325 = arith.constant 0 : i32
        %sign3A_326 = arith.cmpi sgt, %while3A_116, %sign3A_325 : i32
        %sign3A_327 = arith.extui %sign3A_326 : i1 to i32
        %sign3A_328 = arith.constant 0 : i32
        %sign3A_329 = arith.cmpi slt, %while3A_116, %sign3A_328 : i32
        %sign3A_330 = arith.extui %sign3A_329 : i1 to i32
        %sign3A_331 = arith.subi %sign3A_327, %sign3A_330 : i32
        %sign3A_332 = arith.constant 0 : i32
        %sign3A_333 = arith.cmpi sgt, %jit3A_323, %sign3A_332 : i32
        %sign3A_334 = arith.extui %sign3A_333 : i1 to i32
        %sign3A_335 = arith.constant 0 : i32
        %sign3A_336 = arith.cmpi slt, %jit3A_323, %sign3A_335 : i32
        %sign3A_337 = arith.extui %sign3A_336 : i1 to i32
        %sign3A_338 = arith.subi %sign3A_334, %sign3A_337 : i32
        %ne3A_339 = arith.cmpi ne, %sign3A_331, %sign3A_338 : i32
        %rem3A_340 = arith.remsi %while3A_116, %jit3A_323 : i32
        %ne3A_341 = arith.constant 0 : i32
        %ne3A_342 = arith.cmpi ne, %rem3A_340, %ne3A_341 : i32
        %and3A_343 = arith.andi %ne3A_339, %ne3A_342 : i1
        %sub3A_344 = arith.constant 1 : i32
        %sub3A_345 = arith.subi %div3A_324, %sub3A_344 : i32
        %select_n3A_346 = arith.select %and3A_343, %sub3A_345, %div3A_324 : i32
        %jit3A_347 = arith.constant 2 : i32
        %eq3A_348 = arith.constant 0 : i32
        %eq3A_349 = arith.cmpi eq, %jit3A_347, %eq3A_348 : i32
        %jit3A_350 = arith.constant 1 : i32
        %select_n3A_351 = arith.select %eq3A_349, %jit3A_350, %jit3A_347 : i32
        %rem3A_352 = arith.remsi %select_n3A_346, %select_n3A_351 : i32
        %ne3A_353 = arith.constant 0 : i32
        %ne3A_354 = arith.cmpi ne, %rem3A_352, %ne3A_353 : i32
        %lt3A_355 = arith.constant 0 : i32
        %lt3A_356 = arith.cmpi slt, %rem3A_352, %lt3A_355 : i32
        %lt3A_357 = arith.constant 0 : i32
        %lt3A_358 = arith.cmpi slt, %select_n3A_351, %lt3A_357 : i32
        %ne3A_359 = arith.xori %lt3A_356, %lt3A_358 : i1
        %and3A_360 = arith.andi %ne3A_359, %ne3A_354 : i1
        %add3A_361 = arith.addi %rem3A_352, %select_n3A_351 : i32
        %select_n3A_362 = arith.select %and3A_360, %add3A_361, %rem3A_352 : i32
        %mul3A_363 = arith.constant 8 : i32
        %mul3A_364 = arith.muli %select_n3A_362, %mul3A_363 : i32
        "tpu.region"() ({
          %run_scoped3A = tpu.sem_alloc : memref<!tpu.dma_semaphore, #tpu.memory_space<semaphore_mem>>
          %dma_start3A_365 = arith.constant 0 : i32
          %dma_start3A_366 = tpu.memref_slice %arg7[%mul3A_364, %dma_start3A_365] : memref<16x128xi32, #tpu.memory_space<vmem>> -> memref<8x128xi32, #tpu.memory_space<vmem>>
          %dma_start3A_367 = arith.constant 0 : i32
          %dma_start3A_368 = tpu.memref_slice %arg3[%add3A_322, %dma_start3A_367] : memref<2560x128xi32, #tpu.memory_space<hbm>> -> memref<8x128xi32, #tpu.memory_space<hbm>>
          %dma_start3A_369 = arith.constant 0 : i32
          %dma_start3A_370 = tpu.memref_slice %arg7[%mul3A_364, %dma_start3A_369] : memref<16x128xi32, #tpu.memory_space<vmem>> -> memref<8x128xi32, #tpu.memory_space<vmem>>
          %dma_start3A_371 = arith.constant 0 : i32
          %dma_start3A_372 = tpu.memref_slice %arg3[%add3A_322, %dma_start3A_371] : memref<2560x128xi32, #tpu.memory_space<hbm>> -> memref<8x128xi32, #tpu.memory_space<hbm>>
          tpu.enqueue_dma source(%dma_start3A_372 : memref<8x128xi32, #tpu.memory_space<hbm>>) target(%dma_start3A_370 : memref<8x128xi32, #tpu.memory_space<vmem>>) target_semaphore(%run_scoped3A : memref<!tpu.dma_semaphore, #tpu.memory_space<semaphore_mem>>)
          %dma_wait3A_373 = arith.constant 0 : i32
          %dma_wait3A_374 = tpu.memref_slice %arg7[%mul3A_364, %dma_wait3A_373] : memref<16x128xi32, #tpu.memory_space<vmem>> -> memref<8x128xi32, #tpu.memory_space<vmem>>
          %dma_wait3A_375 = arith.constant 0 : i32
          %dma_wait3A_376 = tpu.memref_slice %arg3[%add3A_322, %dma_wait3A_375] : memref<2560x128xi32, #tpu.memory_space<hbm>> -> memref<8x128xi32, #tpu.memory_space<hbm>>
          %dma_wait3A_377 = arith.constant 0 : i32
          %dma_wait3A_378 = tpu.memref_slice %arg7[%mul3A_364, %dma_wait3A_377] : memref<16x128xi32, #tpu.memory_space<vmem>> -> memref<8x128xi32, #tpu.memory_space<vmem>>
          %dma_wait3A_379 = arith.constant 0 : i32
          %dma_wait3A_380 = tpu.memref_slice %arg3[%add3A_322, %dma_wait3A_379] : memref<2560x128xi32, #tpu.memory_space<hbm>> -> memref<8x128xi32, #tpu.memory_space<hbm>>
          tpu.wait_dma2 semaphore(%run_scoped3A : memref<!tpu.dma_semaphore, #tpu.memory_space<semaphore_mem>>) src(%dma_wait3A_380 : memref<8x128xi32, #tpu.memory_space<hbm>>) dst(%dma_wait3A_378 : memref<8x128xi32, #tpu.memory_space<vmem>>)
          tpu.yield
        }) : () -> ()
        "tpu.region"() ({
          %run_scoped3A = tpu.sem_alloc : memref<!tpu.dma_semaphore, #tpu.memory_space<semaphore_mem>>
          %dma_start3A_365 = arith.constant 0 : i32
          %dma_start3A_366 = tpu.memref_slice %arg8[%mul3A_364, %dma_start3A_365] : memref<16x128xi32, #tpu.memory_space<vmem>> -> memref<8x128xi32, #tpu.memory_space<vmem>>
          %dma_start3A_367 = arith.constant 0 : i32
          %dma_start3A_368 = tpu.memref_slice %arg4[%add3A_322, %dma_start3A_367] : memref<2560x128xi32, #tpu.memory_space<hbm>> -> memref<8x128xi32, #tpu.memory_space<hbm>>
          %dma_start3A_369 = arith.constant 0 : i32
          %dma_start3A_370 = tpu.memref_slice %arg8[%mul3A_364, %dma_start3A_369] : memref<16x128xi32, #tpu.memory_space<vmem>> -> memref<8x128xi32, #tpu.memory_space<vmem>>
          %dma_start3A_371 = arith.constant 0 : i32
          %dma_start3A_372 = tpu.memref_slice %arg4[%add3A_322, %dma_start3A_371] : memref<2560x128xi32, #tpu.memory_space<hbm>> -> memref<8x128xi32, #tpu.memory_space<hbm>>
          tpu.enqueue_dma source(%dma_start3A_372 : memref<8x128xi32, #tpu.memory_space<hbm>>) target(%dma_start3A_370 : memref<8x128xi32, #tpu.memory_space<vmem>>) target_semaphore(%run_scoped3A : memref<!tpu.dma_semaphore, #tpu.memory_space<semaphore_mem>>)
          %dma_wait3A_373 = arith.constant 0 : i32
          %dma_wait3A_374 = tpu.memref_slice %arg8[%mul3A_364, %dma_wait3A_373] : memref<16x128xi32, #tpu.memory_space<vmem>> -> memref<8x128xi32, #tpu.memory_space<vmem>>
          %dma_wait3A_375 = arith.constant 0 : i32
          %dma_wait3A_376 = tpu.memref_slice %arg4[%add3A_322, %dma_wait3A_375] : memref<2560x128xi32, #tpu.memory_space<hbm>> -> memref<8x128xi32, #tpu.memory_space<hbm>>
          %dma_wait3A_377 = arith.constant 0 : i32
          %dma_wait3A_378 = tpu.memref_slice %arg8[%mul3A_364, %dma_wait3A_377] : memref<16x128xi32, #tpu.memory_space<vmem>> -> memref<8x128xi32, #tpu.memory_space<vmem>>
          %dma_wait3A_379 = arith.constant 0 : i32
          %dma_wait3A_380 = tpu.memref_slice %arg4[%add3A_322, %dma_wait3A_379] : memref<2560x128xi32, #tpu.memory_space<hbm>> -> memref<8x128xi32, #tpu.memory_space<hbm>>
          tpu.wait_dma2 semaphore(%run_scoped3A : memref<!tpu.dma_semaphore, #tpu.memory_space<semaphore_mem>>) src(%dma_wait3A_380 : memref<8x128xi32, #tpu.memory_space<hbm>>) dst(%dma_wait3A_378 : memref<8x128xi32, #tpu.memory_space<vmem>>)
          tpu.yield
        }) : () -> ()
      } else {
      }
      %gt3A = arith.constant 0 : i32
      %gt3A_174 = arith.cmpi sgt, %while3A_116, %gt3A : i32
      %convert_element_type3A_175 = arith.extui %gt3A_174 : i1 to i32
      %cond3A_176 = arith.constant 0 : i32
      %cond3A_177 = arith.cmpi ne, %convert_element_type3A_175, %cond3A_176 : i32
      scf.if %cond3A_177 {
        %dma_wait3A_296 = arith.constant 0 : i32
        %dma_wait3A_297 = arith.constant 0 : i32
        %dma_wait3A_298 = arith.constant 0 : i32
        %dma_wait3A_299 = tpu.memref_slice %arg9[%dma_wait3A_296, %dma_wait3A_297, %dma_wait3A_298] : memref<2x128x128xf32, #tpu.memory_space<vmem>> -> memref<1x128x128xf32, #tpu.memory_space<vmem>>
        %dma_wait3A_300 = tpu.memref_squeeze %dma_wait3A_299 : memref<1x128x128xf32, #tpu.memory_space<vmem>> -> memref<128x128xf32, #tpu.memory_space<vmem>>
        %dma_wait3A_301 = arith.constant 0 : i32
        %dma_wait3A_302 = arith.constant 0 : i32
        %dma_wait3A_303 = tpu.memref_slice %arg2[%dma_wait3A_301, %dma_wait3A_302] : memref<10000x128xf32, #tpu.memory_space<hbm>> -> memref<128x128xf32, #tpu.memory_space<hbm>>
        %dma_wait3A_304 = arith.constant 0 : i32
        %dma_wait3A_305 = arith.constant 0 : i32
        %dma_wait3A_306 = tpu.memref_slice %arg9[%dma_wait3A_296, %dma_wait3A_304, %dma_wait3A_305] : memref<2x128x128xf32, #tpu.memory_space<vmem>> -> memref<1x128x128xf32, #tpu.memory_space<vmem>>
        %dma_wait3A_307 = tpu.memref_squeeze %dma_wait3A_306 : memref<1x128x128xf32, #tpu.memory_space<vmem>> -> memref<128x128xf32, #tpu.memory_space<vmem>>
        %dma_wait3A_308 = arith.constant 0 : i32
        %dma_wait3A_309 = arith.constant 0 : i32
        %dma_wait3A_310 = tpu.memref_slice %arg2[%dma_wait3A_308, %dma_wait3A_309] : memref<10000x128xf32, #tpu.memory_space<hbm>> -> memref<128x128xf32, #tpu.memory_space<hbm>>
        tpu.wait_dma2 semaphore(%arg13 : memref<!tpu.dma_semaphore, #tpu.memory_space<semaphore_mem>>) src(%dma_wait3A_310 : memref<128x128xf32, #tpu.memory_space<hbm>>) dst(%dma_wait3A_307 : memref<128x128xf32, #tpu.memory_space<vmem>>)
      } else {
      }
      %dma_start3A_178 = arith.constant 0 : i32
      %dma_start3A_179 = arith.constant 0 : i32
      %dma_start3A_180 = arith.constant 0 : i32
      %dma_start3A_181 = tpu.memref_slice %arg9[%dma_start3A_178, %dma_start3A_179, %dma_start3A_180] : memref<2x128x128xf32, #tpu.memory_space<vmem>> -> memref<1x64x128xf32, #tpu.memory_space<vmem>>
      %dma_start3A_182 = tpu.memref_squeeze %dma_start3A_181 : memref<1x64x128xf32, #tpu.memory_space<vmem>> -> memref<64x128xf32, #tpu.memory_space<vmem>>
      %dma_start3A_183 = arith.constant 0 : i32
      %dma_start3A_184 = tpu.memref_slice %arg7[%add3A_136, %dma_start3A_183] : memref<16x128xi32, #tpu.memory_space<vmem>> -> memref<1x64xi32, #tpu.memory_space<vmem>>
      %dma_start3A_185 = tpu.memref_squeeze %dma_start3A_184 : memref<1x64xi32, #tpu.memory_space<vmem>> -> memref<64xi32, #tpu.memory_space<vmem>>
      %dma_start3A_186 = arith.constant 0 : i32
      %dma_start3A_187 = arith.constant 0 : i32
      %dma_start3A_188 = tpu.memref_slice %arg2[%dma_start3A_186, %dma_start3A_187] : memref<10000x128xf32, #tpu.memory_space<hbm>> -> memref<10000x128xf32, #tpu.memory_space<hbm>>
      tpu.enqueue_indirect_dma source(%dma_start3A_188 : memref<10000x128xf32, #tpu.memory_space<hbm>>) target(%dma_start3A_182 : memref<64x128xf32, #tpu.memory_space<vmem>>) offsets(%dma_start3A_185 : memref<64xi32, #tpu.memory_space<vmem>>) semaphore(%arg11 : memref<!tpu.dma_semaphore, #tpu.memory_space<semaphore_mem>>)
      %dma_start3A_189 = arith.constant 0 : i32
      %dma_start3A_190 = arith.constant 64 : i32
      %dma_start3A_191 = arith.constant 0 : i32
      %dma_start3A_192 = tpu.memref_slice %arg9[%dma_start3A_189, %dma_start3A_190, %dma_start3A_191] : memref<2x128x128xf32, #tpu.memory_space<vmem>> -> memref<1x64x128xf32, #tpu.memory_space<vmem>>
      %dma_start3A_193 = tpu.memref_squeeze %dma_start3A_192 : memref<1x64x128xf32, #tpu.memory_space<vmem>> -> memref<64x128xf32, #tpu.memory_space<vmem>>
      %dma_start3A_194 = arith.constant 64 : i32
      %dma_start3A_195 = tpu.memref_slice %arg7[%add3A_136, %dma_start3A_194] : memref<16x128xi32, #tpu.memory_space<vmem>> -> memref<1x64xi32, #tpu.memory_space<vmem>>
      %dma_start3A_196 = tpu.memref_squeeze %dma_start3A_195 : memref<1x64xi32, #tpu.memory_space<vmem>> -> memref<64xi32, #tpu.memory_space<vmem>>
      %dma_start3A_197 = arith.constant 0 : i32
      %dma_start3A_198 = arith.constant 0 : i32
      %dma_start3A_199 = tpu.memref_slice %arg2[%dma_start3A_197, %dma_start3A_198] : memref<10000x128xf32, #tpu.memory_space<hbm>> -> memref<10000x128xf32, #tpu.memory_space<hbm>>
      tpu.enqueue_indirect_dma source(%dma_start3A_199 : memref<10000x128xf32, #tpu.memory_space<hbm>>) target(%dma_start3A_193 : memref<64x128xf32, #tpu.memory_space<vmem>>) offsets(%dma_start3A_196 : memref<64xi32, #tpu.memory_space<vmem>>) semaphore(%arg11 : memref<!tpu.dma_semaphore, #tpu.memory_space<semaphore_mem>>)
      %gt3A_200 = arith.constant 0 : i32
      %gt3A_201 = arith.cmpi sgt, %while3A_116, %gt3A_200 : i32
      %convert_element_type3A_202 = arith.extui %gt3A_201 : i1 to i32
      %cond3A_203 = arith.constant 0 : i32
      %cond3A_204 = arith.cmpi ne, %convert_element_type3A_202, %cond3A_203 : i32
      scf.if %cond3A_204 {
        %dma_wait3A_296 = arith.constant 1 : i32
        %dma_wait3A_297 = arith.constant 0 : i32
        %dma_wait3A_298 = arith.constant 0 : i32
        %dma_wait3A_299 = tpu.memref_slice %arg9[%dma_wait3A_296, %dma_wait3A_297, %dma_wait3A_298] : memref<2x128x128xf32, #tpu.memory_space<vmem>> -> memref<1x128x128xf32, #tpu.memory_space<vmem>>
        %dma_wait3A_300 = tpu.memref_squeeze %dma_wait3A_299 : memref<1x128x128xf32, #tpu.memory_space<vmem>> -> memref<128x128xf32, #tpu.memory_space<vmem>>
        %dma_wait3A_301 = arith.constant 0 : i32
        %dma_wait3A_302 = arith.constant 0 : i32
        %dma_wait3A_303 = tpu.memref_slice %arg2[%dma_wait3A_301, %dma_wait3A_302] : memref<10000x128xf32, #tpu.memory_space<hbm>> -> memref<128x128xf32, #tpu.memory_space<hbm>>
        %dma_wait3A_304 = arith.constant 0 : i32
        %dma_wait3A_305 = arith.constant 0 : i32
        %dma_wait3A_306 = tpu.memref_slice %arg9[%dma_wait3A_296, %dma_wait3A_304, %dma_wait3A_305] : memref<2x128x128xf32, #tpu.memory_space<vmem>> -> memref<1x128x128xf32, #tpu.memory_space<vmem>>
        %dma_wait3A_307 = tpu.memref_squeeze %dma_wait3A_306 : memref<1x128x128xf32, #tpu.memory_space<vmem>> -> memref<128x128xf32, #tpu.memory_space<vmem>>
        %dma_wait3A_308 = arith.constant 0 : i32
        %dma_wait3A_309 = arith.constant 0 : i32
        %dma_wait3A_310 = tpu.memref_slice %arg2[%dma_wait3A_308, %dma_wait3A_309] : memref<10000x128xf32, #tpu.memory_space<hbm>> -> memref<128x128xf32, #tpu.memory_space<hbm>>
        tpu.wait_dma2 semaphore(%arg12 : memref<!tpu.dma_semaphore, #tpu.memory_space<semaphore_mem>>) src(%dma_wait3A_310 : memref<128x128xf32, #tpu.memory_space<hbm>>) dst(%dma_wait3A_307 : memref<128x128xf32, #tpu.memory_space<vmem>>)
        %dma_start3A_311 = arith.constant 1 : i32
        %dma_start3A_312 = arith.constant 0 : i32
        %dma_start3A_313 = arith.constant 0 : i32
        %dma_start3A_314 = tpu.memref_slice %arg9[%dma_start3A_311, %dma_start3A_312, %dma_start3A_313] : memref<2x128x128xf32, #tpu.memory_space<vmem>> -> memref<1x128x128xf32, #tpu.memory_space<vmem>>
        %dma_start3A_315 = tpu.memref_squeeze %dma_start3A_314 : memref<1x128x128xf32, #tpu.memory_space<vmem>> -> memref<128x128xf32, #tpu.memory_space<vmem>>
        %dma_start3A_316 = arith.constant 0 : i32
        %dma_start3A_317 = tpu.memref_slice %arg8[%select_n3A_154, %dma_start3A_316] : memref<16x128xi32, #tpu.memory_space<vmem>> -> memref<1x128xi32, #tpu.memory_space<vmem>>
        %dma_start3A_318 = tpu.memref_squeeze %dma_start3A_317 : memref<1x128xi32, #tpu.memory_space<vmem>> -> memref<128xi32, #tpu.memory_space<vmem>>
        %dma_start3A_319 = arith.constant 0 : i32
        %dma_start3A_320 = arith.constant 0 : i32
        %dma_start3A_321 = tpu.memref_slice %arg10[%dma_start3A_319, %dma_start3A_320] : memref<10112x128xf32, #tpu.memory_space<vmem_shared>> -> memref<10112x128xf32, #tpu.memory_space<vmem_shared>>
        tpu.enqueue_indirect_dma source(%dma_start3A_315 : memref<128x128xf32, #tpu.memory_space<vmem>>) target(%dma_start3A_321 : memref<10112x128xf32, #tpu.memory_space<vmem_shared>>) offsets(%dma_start3A_318 : memref<128xi32, #tpu.memory_space<vmem>>) semaphore(%arg14 : memref<!tpu.dma_semaphore, #tpu.memory_space<semaphore_mem>>) {add = true}
      } else {
      }
      %jit3A_205 = arith.constant 8 : i32
      %eq3A_206 = arith.constant 0 : i32
      %eq3A_207 = arith.cmpi eq, %jit3A_205, %eq3A_206 : i32
      %jit3A_208 = arith.constant 1 : i32
      %select_n3A_209 = arith.select %eq3A_207, %jit3A_208, %jit3A_205 : i32
      %rem3A_210 = arith.remsi %while3A_116, %select_n3A_209 : i32
      %ne3A_211 = arith.constant 0 : i32
      %ne3A_212 = arith.cmpi ne, %rem3A_210, %ne3A_211 : i32
      %lt3A_213 = arith.constant 0 : i32
      %lt3A_214 = arith.cmpi slt, %rem3A_210, %lt3A_213 : i32
      %lt3A_215 = arith.constant 0 : i32
      %lt3A_216 = arith.cmpi slt, %select_n3A_209, %lt3A_215 : i32
      %ne3A_217 = arith.xori %lt3A_214, %lt3A_216 : i1
      %and3A_218 = arith.andi %ne3A_217, %ne3A_212 : i1
      %add3A_219 = arith.addi %rem3A_210, %select_n3A_209 : i32
      %select_n3A_220 = arith.select %and3A_218, %add3A_219, %rem3A_210 : i32
      %mul3A_221 = arith.constant 2 : i32
      %mul3A_222 = arith.muli %mul3A_221, %select_n3A_220 : i32
      %add3A_223 = arith.constant 1 : i32
      %add3A_224 = arith.addi %mul3A_222, %add3A_223 : i32
      %add3A_225 = arith.constant 15 : i32
      %add3A_226 = arith.addi %add3A_224, %add3A_225 : i32
      %jit3A_227 = arith.constant 16 : i32
      %eq3A_228 = arith.constant 0 : i32
      %eq3A_229 = arith.cmpi eq, %jit3A_227, %eq3A_228 : i32
      %jit3A_230 = arith.constant 1 : i32
      %select_n3A_231 = arith.select %eq3A_229, %jit3A_230, %jit3A_227 : i32
      %rem3A_232 = arith.remsi %add3A_226, %select_n3A_231 : i32
      %ne3A_233 = arith.constant 0 : i32
      %ne3A_234 = arith.cmpi ne, %rem3A_232, %ne3A_233 : i32
      %lt3A_235 = arith.constant 0 : i32
      %lt3A_236 = arith.cmpi slt, %rem3A_232, %lt3A_235 : i32
      %lt3A_237 = arith.constant 0 : i32
      %lt3A_238 = arith.cmpi slt, %select_n3A_231, %lt3A_237 : i32
      %ne3A_239 = arith.xori %lt3A_236, %lt3A_238 : i1
      %and3A_240 = arith.andi %ne3A_239, %ne3A_234 : i1
      %add3A_241 = arith.addi %rem3A_232, %select_n3A_231 : i32
      %select_n3A_242 = arith.select %and3A_240, %add3A_241, %rem3A_232 : i32
      %gt3A_243 = arith.constant 0 : i32
      %gt3A_244 = arith.cmpi sgt, %while3A_116, %gt3A_243 : i32
      %convert_element_type3A_245 = arith.extui %gt3A_244 : i1 to i32
      %cond3A_246 = arith.constant 0 : i32
      %cond3A_247 = arith.cmpi ne, %convert_element_type3A_245, %cond3A_246 : i32
      scf.if %cond3A_247 {
        %dma_wait3A_296 = arith.constant 1 : i32
        %dma_wait3A_297 = arith.constant 0 : i32
        %dma_wait3A_298 = arith.constant 0 : i32
        %dma_wait3A_299 = tpu.memref_slice %arg9[%dma_wait3A_296, %dma_wait3A_297, %dma_wait3A_298] : memref<2x128x128xf32, #tpu.memory_space<vmem>> -> memref<1x128x128xf32, #tpu.memory_space<vmem>>
        %dma_wait3A_300 = tpu.memref_squeeze %dma_wait3A_299 : memref<1x128x128xf32, #tpu.memory_space<vmem>> -> memref<128x128xf32, #tpu.memory_space<vmem>>
        %dma_wait3A_301 = arith.constant 0 : i32
        %dma_wait3A_302 = arith.constant 0 : i32
        %dma_wait3A_303 = tpu.memref_slice %arg2[%dma_wait3A_301, %dma_wait3A_302] : memref<10000x128xf32, #tpu.memory_space<hbm>> -> memref<128x128xf32, #tpu.memory_space<hbm>>
        %dma_wait3A_304 = arith.constant 0 : i32
        %dma_wait3A_305 = arith.constant 0 : i32
        %dma_wait3A_306 = tpu.memref_slice %arg9[%dma_wait3A_296, %dma_wait3A_304, %dma_wait3A_305] : memref<2x128x128xf32, #tpu.memory_space<vmem>> -> memref<1x128x128xf32, #tpu.memory_space<vmem>>
        %dma_wait3A_307 = tpu.memref_squeeze %dma_wait3A_306 : memref<1x128x128xf32, #tpu.memory_space<vmem>> -> memref<128x128xf32, #tpu.memory_space<vmem>>
        %dma_wait3A_308 = arith.constant 0 : i32
        %dma_wait3A_309 = arith.constant 0 : i32
        %dma_wait3A_310 = tpu.memref_slice %arg2[%dma_wait3A_308, %dma_wait3A_309] : memref<10000x128xf32, #tpu.memory_space<hbm>> -> memref<128x128xf32, #tpu.memory_space<hbm>>
        tpu.wait_dma2 semaphore(%arg14 : memref<!tpu.dma_semaphore, #tpu.memory_space<semaphore_mem>>) src(%dma_wait3A_310 : memref<128x128xf32, #tpu.memory_space<hbm>>) dst(%dma_wait3A_307 : memref<128x128xf32, #tpu.memory_space<vmem>>)
      } else {
      }
      %dma_start3A_248 = arith.constant 1 : i32
      %dma_start3A_249 = arith.constant 0 : i32
      %dma_start3A_250 = arith.constant 0 : i32
      %dma_start3A_251 = tpu.memref_slice %arg9[%dma_start3A_248, %dma_start3A_249, %dma_start3A_250] : memref<2x128x128xf32, #tpu.memory_space<vmem>> -> memref<1x64x128xf32, #tpu.memory_space<vmem>>
      %dma_start3A_252 = tpu.memref_squeeze %dma_start3A_251 : memref<1x64x128xf32, #tpu.memory_space<vmem>> -> memref<64x128xf32, #tpu.memory_space<vmem>>
      %dma_start3A_253 = arith.constant 0 : i32
      %dma_start3A_254 = tpu.memref_slice %arg7[%add3A_224, %dma_start3A_253] : memref<16x128xi32, #tpu.memory_space<vmem>> -> memref<1x64xi32, #tpu.memory_space<vmem>>
      %dma_start3A_255 = tpu.memref_squeeze %dma_start3A_254 : memref<1x64xi32, #tpu.memory_space<vmem>> -> memref<64xi32, #tpu.memory_space<vmem>>
      %dma_start3A_256 = arith.constant 0 : i32
      %dma_start3A_257 = arith.constant 0 : i32
      %dma_start3A_258 = tpu.memref_slice %arg2[%dma_start3A_256, %dma_start3A_257] : memref<10000x128xf32, #tpu.memory_space<hbm>> -> memref<10000x128xf32, #tpu.memory_space<hbm>>
      tpu.enqueue_indirect_dma source(%dma_start3A_258 : memref<10000x128xf32, #tpu.memory_space<hbm>>) target(%dma_start3A_252 : memref<64x128xf32, #tpu.memory_space<vmem>>) offsets(%dma_start3A_255 : memref<64xi32, #tpu.memory_space<vmem>>) semaphore(%arg12 : memref<!tpu.dma_semaphore, #tpu.memory_space<semaphore_mem>>)
      %dma_start3A_259 = arith.constant 1 : i32
      %dma_start3A_260 = arith.constant 64 : i32
      %dma_start3A_261 = arith.constant 0 : i32
      %dma_start3A_262 = tpu.memref_slice %arg9[%dma_start3A_259, %dma_start3A_260, %dma_start3A_261] : memref<2x128x128xf32, #tpu.memory_space<vmem>> -> memref<1x64x128xf32, #tpu.memory_space<vmem>>
      %dma_start3A_263 = tpu.memref_squeeze %dma_start3A_262 : memref<1x64x128xf32, #tpu.memory_space<vmem>> -> memref<64x128xf32, #tpu.memory_space<vmem>>
      %dma_start3A_264 = arith.constant 64 : i32
      %dma_start3A_265 = tpu.memref_slice %arg7[%add3A_224, %dma_start3A_264] : memref<16x128xi32, #tpu.memory_space<vmem>> -> memref<1x64xi32, #tpu.memory_space<vmem>>
      %dma_start3A_266 = tpu.memref_squeeze %dma_start3A_265 : memref<1x64xi32, #tpu.memory_space<vmem>> -> memref<64xi32, #tpu.memory_space<vmem>>
      %dma_start3A_267 = arith.constant 0 : i32
      %dma_start3A_268 = arith.constant 0 : i32
      %dma_start3A_269 = tpu.memref_slice %arg2[%dma_start3A_267, %dma_start3A_268] : memref<10000x128xf32, #tpu.memory_space<hbm>> -> memref<10000x128xf32, #tpu.memory_space<hbm>>
      tpu.enqueue_indirect_dma source(%dma_start3A_269 : memref<10000x128xf32, #tpu.memory_space<hbm>>) target(%dma_start3A_263 : memref<64x128xf32, #tpu.memory_space<vmem>>) offsets(%dma_start3A_266 : memref<64xi32, #tpu.memory_space<vmem>>) semaphore(%arg12 : memref<!tpu.dma_semaphore, #tpu.memory_space<semaphore_mem>>)
      %dma_wait3A_270 = arith.constant 0 : i32
      %dma_wait3A_271 = arith.constant 0 : i32
      %dma_wait3A_272 = arith.constant 0 : i32
      %dma_wait3A_273 = tpu.memref_slice %arg9[%dma_wait3A_270, %dma_wait3A_271, %dma_wait3A_272] : memref<2x128x128xf32, #tpu.memory_space<vmem>> -> memref<1x128x128xf32, #tpu.memory_space<vmem>>
      %dma_wait3A_274 = tpu.memref_squeeze %dma_wait3A_273 : memref<1x128x128xf32, #tpu.memory_space<vmem>> -> memref<128x128xf32, #tpu.memory_space<vmem>>
      %dma_wait3A_275 = arith.constant 0 : i32
      %dma_wait3A_276 = arith.constant 0 : i32
      %dma_wait3A_277 = tpu.memref_slice %arg2[%dma_wait3A_275, %dma_wait3A_276] : memref<10000x128xf32, #tpu.memory_space<hbm>> -> memref<128x128xf32, #tpu.memory_space<hbm>>
      %dma_wait3A_278 = arith.constant 0 : i32
      %dma_wait3A_279 = arith.constant 0 : i32
      %dma_wait3A_280 = tpu.memref_slice %arg9[%dma_wait3A_270, %dma_wait3A_278, %dma_wait3A_279] : memref<2x128x128xf32, #tpu.memory_space<vmem>> -> memref<1x128x128xf32, #tpu.memory_space<vmem>>
      %dma_wait3A_281 = tpu.memref_squeeze %dma_wait3A_280 : memref<1x128x128xf32, #tpu.memory_space<vmem>> -> memref<128x128xf32, #tpu.memory_space<vmem>>
      %dma_wait3A_282 = arith.constant 0 : i32
      %dma_wait3A_283 = arith.constant 0 : i32
      %dma_wait3A_284 = tpu.memref_slice %arg2[%dma_wait3A_282, %dma_wait3A_283] : memref<10000x128xf32, #tpu.memory_space<hbm>> -> memref<128x128xf32, #tpu.memory_space<hbm>>
      tpu.wait_dma2 semaphore(%arg11 : memref<!tpu.dma_semaphore, #tpu.memory_space<semaphore_mem>>) src(%dma_wait3A_284 : memref<128x128xf32, #tpu.memory_space<hbm>>) dst(%dma_wait3A_281 : memref<128x128xf32, #tpu.memory_space<vmem>>)
      %dma_start3A_285 = arith.constant 0 : i32
      %dma_start3A_286 = arith.constant 0 : i32
      %dma_start3A_287 = arith.constant 0 : i32
      %dma_start3A_288 = tpu.memref_slice %arg9[%dma_start3A_285, %dma_start3A_286, %dma_start3A_287] : memref<2x128x128xf32, #tpu.memory_space<vmem>> -> memref<1x128x128xf32, #tpu.memory_space<vmem>>
      %dma_start3A_289 = tpu.memref_squeeze %dma_start3A_288 : memref<1x128x128xf32, #tpu.memory_space<vmem>> -> memref<128x128xf32, #tpu.memory_space<vmem>>
      %dma_start3A_290 = arith.constant 0 : i32
      %dma_start3A_291 = tpu.memref_slice %arg8[%select_n3A_242, %dma_start3A_290] : memref<16x128xi32, #tpu.memory_space<vmem>> -> memref<1x128xi32, #tpu.memory_space<vmem>>
      %dma_start3A_292 = tpu.memref_squeeze %dma_start3A_291 : memref<1x128xi32, #tpu.memory_space<vmem>> -> memref<128xi32, #tpu.memory_space<vmem>>
      %dma_start3A_293 = arith.constant 0 : i32
      %dma_start3A_294 = arith.constant 0 : i32
      %dma_start3A_295 = tpu.memref_slice %arg10[%dma_start3A_293, %dma_start3A_294] : memref<10112x128xf32, #tpu.memory_space<vmem_shared>> -> memref<10112x128xf32, #tpu.memory_space<vmem_shared>>
      tpu.enqueue_indirect_dma source(%dma_start3A_289 : memref<128x128xf32, #tpu.memory_space<vmem>>) target(%dma_start3A_295 : memref<10112x128xf32, #tpu.memory_space<vmem_shared>>) offsets(%dma_start3A_292 : memref<128xi32, #tpu.memory_space<vmem>>) semaphore(%arg13 : memref<!tpu.dma_semaphore, #tpu.memory_space<semaphore_mem>>) {add = true}
    }
    %dma_wait3A = arith.constant 1 : i32
    %dma_wait3A_40 = arith.constant 0 : i32
    %dma_wait3A_41 = arith.constant 0 : i32
    %dma_wait3A_42 = tpu.memref_slice %arg9[%dma_wait3A, %dma_wait3A_40, %dma_wait3A_41] : memref<2x128x128xf32, #tpu.memory_space<vmem>> -> memref<1x128x128xf32, #tpu.memory_space<vmem>>
    %dma_wait3A_43 = tpu.memref_squeeze %dma_wait3A_42 : memref<1x128x128xf32, #tpu.memory_space<vmem>> -> memref<128x128xf32, #tpu.memory_space<vmem>>
    %dma_wait3A_44 = arith.constant 0 : i32
    %dma_wait3A_45 = arith.constant 0 : i32
    %dma_wait3A_46 = tpu.memref_slice %arg2[%dma_wait3A_44, %dma_wait3A_45] : memref<10000x128xf32, #tpu.memory_space<hbm>> -> memref<128x128xf32, #tpu.memory_space<hbm>>
    %dma_wait3A_47 = arith.constant 0 : i32
    %dma_wait3A_48 = arith.constant 0 : i32
    %dma_wait3A_49 = tpu.memref_slice %arg9[%dma_wait3A, %dma_wait3A_47, %dma_wait3A_48] : memref<2x128x128xf32, #tpu.memory_space<vmem>> -> memref<1x128x128xf32, #tpu.memory_space<vmem>>
    %dma_wait3A_50 = tpu.memref_squeeze %dma_wait3A_49 : memref<1x128x128xf32, #tpu.memory_space<vmem>> -> memref<128x128xf32, #tpu.memory_space<vmem>>
    %dma_wait3A_51 = arith.constant 0 : i32
    %dma_wait3A_52 = arith.constant 0 : i32
    %dma_wait3A_53 = tpu.memref_slice %arg2[%dma_wait3A_51, %dma_wait3A_52] : memref<10000x128xf32, #tpu.memory_space<hbm>> -> memref<128x128xf32, #tpu.memory_space<hbm>>
    tpu.wait_dma2 semaphore(%arg12 : memref<!tpu.dma_semaphore, #tpu.memory_space<semaphore_mem>>) src(%dma_wait3A_53 : memref<128x128xf32, #tpu.memory_space<hbm>>) dst(%dma_wait3A_50 : memref<128x128xf32, #tpu.memory_space<vmem>>)
    %sub3A_54 = arith.constant 1 : i32
    %sub3A_55 = arith.subi %select_n3A_12, %sub3A_54 : i32
    %jit3A_56 = arith.constant 16 : i32
    %eq3A_57 = arith.constant 0 : i32
    %eq3A_58 = arith.cmpi eq, %jit3A_56, %eq3A_57 : i32
    %jit3A_59 = arith.constant 1 : i32
    %select_n3A_60 = arith.select %eq3A_58, %jit3A_59, %jit3A_56 : i32
    %rem3A_61 = arith.remsi %sub3A_55, %select_n3A_60 : i32
    %ne3A_62 = arith.constant 0 : i32
    %ne3A_63 = arith.cmpi ne, %rem3A_61, %ne3A_62 : i32
    %lt3A = arith.constant 0 : i32
    %lt3A_64 = arith.cmpi slt, %rem3A_61, %lt3A : i32
    %lt3A_65 = arith.constant 0 : i32
    %lt3A_66 = arith.cmpi slt, %select_n3A_60, %lt3A_65 : i32
    %ne3A_67 = arith.xori %lt3A_64, %lt3A_66 : i1
    %and3A_68 = arith.andi %ne3A_67, %ne3A_63 : i1
    %add3A_69 = arith.addi %rem3A_61, %select_n3A_60 : i32
    %select_n3A_70 = arith.select %and3A_68, %add3A_69, %rem3A_61 : i32
    %dma_start3A = arith.constant 1 : i32
    %dma_start3A_71 = arith.constant 0 : i32
    %dma_start3A_72 = arith.constant 0 : i32
    %dma_start3A_73 = tpu.memref_slice %arg9[%dma_start3A, %dma_start3A_71, %dma_start3A_72] : memref<2x128x128xf32, #tpu.memory_space<vmem>> -> memref<1x128x128xf32, #tpu.memory_space<vmem>>
    %dma_start3A_74 = tpu.memref_squeeze %dma_start3A_73 : memref<1x128x128xf32, #tpu.memory_space<vmem>> -> memref<128x128xf32, #tpu.memory_space<vmem>>
    %dma_start3A_75 = arith.constant 0 : i32
    %dma_start3A_76 = tpu.memref_slice %arg8[%select_n3A_70, %dma_start3A_75] : memref<16x128xi32, #tpu.memory_space<vmem>> -> memref<1x128xi32, #tpu.memory_space<vmem>>
    %dma_start3A_77 = tpu.memref_squeeze %dma_start3A_76 : memref<1x128xi32, #tpu.memory_space<vmem>> -> memref<128xi32, #tpu.memory_space<vmem>>
    %dma_start3A_78 = arith.constant 0 : i32
    %dma_start3A_79 = arith.constant 0 : i32
    %dma_start3A_80 = tpu.memref_slice %arg10[%dma_start3A_78, %dma_start3A_79] : memref<10112x128xf32, #tpu.memory_space<vmem_shared>> -> memref<10112x128xf32, #tpu.memory_space<vmem_shared>>
    tpu.enqueue_indirect_dma source(%dma_start3A_74 : memref<128x128xf32, #tpu.memory_space<vmem>>) target(%dma_start3A_80 : memref<10112x128xf32, #tpu.memory_space<vmem_shared>>) offsets(%dma_start3A_77 : memref<128xi32, #tpu.memory_space<vmem>>) semaphore(%arg14 : memref<!tpu.dma_semaphore, #tpu.memory_space<semaphore_mem>>) {add = true}
    %dma_wait3A_81 = arith.constant 0 : i32
    %dma_wait3A_82 = arith.constant 0 : i32
    %dma_wait3A_83 = arith.constant 0 : i32
    %dma_wait3A_84 = tpu.memref_slice %arg9[%dma_wait3A_81, %dma_wait3A_82, %dma_wait3A_83] : memref<2x128x128xf32, #tpu.memory_space<vmem>> -> memref<1x128x128xf32, #tpu.memory_space<vmem>>
    %dma_wait3A_85 = tpu.memref_squeeze %dma_wait3A_84 : memref<1x128x128xf32, #tpu.memory_space<vmem>> -> memref<128x128xf32, #tpu.memory_space<vmem>>
    %dma_wait3A_86 = arith.constant 0 : i32
    %dma_wait3A_87 = arith.constant 0 : i32
    %dma_wait3A_88 = tpu.memref_slice %arg2[%dma_wait3A_86, %dma_wait3A_87] : memref<10000x128xf32, #tpu.memory_space<hbm>> -> memref<128x128xf32, #tpu.memory_space<hbm>>
    %dma_wait3A_89 = arith.constant 0 : i32
    %dma_wait3A_90 = arith.constant 0 : i32
    %dma_wait3A_91 = tpu.memref_slice %arg9[%dma_wait3A_81, %dma_wait3A_89, %dma_wait3A_90] : memref<2x128x128xf32, #tpu.memory_space<vmem>> -> memref<1x128x128xf32, #tpu.memory_space<vmem>>
    %dma_wait3A_92 = tpu.memref_squeeze %dma_wait3A_91 : memref<1x128x128xf32, #tpu.memory_space<vmem>> -> memref<128x128xf32, #tpu.memory_space<vmem>>
    %dma_wait3A_93 = arith.constant 0 : i32
    %dma_wait3A_94 = arith.constant 0 : i32
    %dma_wait3A_95 = tpu.memref_slice %arg2[%dma_wait3A_93, %dma_wait3A_94] : memref<10000x128xf32, #tpu.memory_space<hbm>> -> memref<128x128xf32, #tpu.memory_space<hbm>>
    tpu.wait_dma2 semaphore(%arg13 : memref<!tpu.dma_semaphore, #tpu.memory_space<semaphore_mem>>) src(%dma_wait3A_95 : memref<128x128xf32, #tpu.memory_space<hbm>>) dst(%dma_wait3A_92 : memref<128x128xf32, #tpu.memory_space<vmem>>)
    %dma_wait3A_96 = arith.constant 1 : i32
    %dma_wait3A_97 = arith.constant 0 : i32
    %dma_wait3A_98 = arith.constant 0 : i32
    %dma_wait3A_99 = tpu.memref_slice %arg9[%dma_wait3A_96, %dma_wait3A_97, %dma_wait3A_98] : memref<2x128x128xf32, #tpu.memory_space<vmem>> -> memref<1x128x128xf32, #tpu.memory_space<vmem>>
    %dma_wait3A_100 = tpu.memref_squeeze %dma_wait3A_99 : memref<1x128x128xf32, #tpu.memory_space<vmem>> -> memref<128x128xf32, #tpu.memory_space<vmem>>
    %dma_wait3A_101 = arith.constant 0 : i32
    %dma_wait3A_102 = arith.constant 0 : i32
    %dma_wait3A_103 = tpu.memref_slice %arg2[%dma_wait3A_101, %dma_wait3A_102] : memref<10000x128xf32, #tpu.memory_space<hbm>> -> memref<128x128xf32, #tpu.memory_space<hbm>>
    %dma_wait3A_104 = arith.constant 0 : i32
    %dma_wait3A_105 = arith.constant 0 : i32
    %dma_wait3A_106 = tpu.memref_slice %arg9[%dma_wait3A_96, %dma_wait3A_104, %dma_wait3A_105] : memref<2x128x128xf32, #tpu.memory_space<vmem>> -> memref<1x128x128xf32, #tpu.memory_space<vmem>>
    %dma_wait3A_107 = tpu.memref_squeeze %dma_wait3A_106 : memref<1x128x128xf32, #tpu.memory_space<vmem>> -> memref<128x128xf32, #tpu.memory_space<vmem>>
    %dma_wait3A_108 = arith.constant 0 : i32
    %dma_wait3A_109 = arith.constant 0 : i32
    %dma_wait3A_110 = tpu.memref_slice %arg2[%dma_wait3A_108, %dma_wait3A_109] : memref<10000x128xf32, #tpu.memory_space<hbm>> -> memref<128x128xf32, #tpu.memory_space<hbm>>
    tpu.wait_dma2 semaphore(%arg14 : memref<!tpu.dma_semaphore, #tpu.memory_space<semaphore_mem>>) src(%dma_wait3A_110 : memref<128x128xf32, #tpu.memory_space<hbm>>) dst(%dma_wait3A_107 : memref<128x128xf32, #tpu.memory_space<vmem>>)
    %barrier3A_111 = arith.constant 0 : index
    tpu.barrier barrier_id(%barrier3A_111)
    %mul3A_112 = arith.constant 632 : i32
    %mul3A_113 = arith.muli %arg1, %mul3A_112 : i32
    %mul3A_114 = arith.constant 632 : i32
    %mul3A_115 = arith.muli %arg1, %mul3A_114 : i32
    "tpu.region"() ({
      %run_scoped3A = tpu.sem_alloc : memref<!tpu.dma_semaphore, #tpu.memory_space<semaphore_mem>>
      %dma_start3A_116 = arith.constant 0 : i32
      %dma_start3A_117 = tpu.memref_slice %arg6[%arg0, %mul3A_115, %dma_start3A_116] : memref<2x10112x128xf32, #tpu.memory_space<hbm>> -> memref<1x632x128xf32, #tpu.memory_space<hbm>>
      %dma_start3A_118 = tpu.memref_squeeze %dma_start3A_117 : memref<1x632x128xf32, #tpu.memory_space<hbm>> -> memref<632x128xf32, #tpu.memory_space<hbm>>
      %dma_start3A_119 = arith.constant 0 : i32
      %dma_start3A_120 = tpu.memref_slice %arg10[%mul3A_113, %dma_start3A_119] : memref<10112x128xf32, #tpu.memory_space<vmem_shared>> -> memref<632x128xf32, #tpu.memory_space<vmem_shared>>
      tpu.enqueue_dma source(%dma_start3A_120 : memref<632x128xf32, #tpu.memory_space<vmem_shared>>) target(%dma_start3A_118 : memref<632x128xf32, #tpu.memory_space<hbm>>) target_semaphore(%run_scoped3A : memref<!tpu.dma_semaphore, #tpu.memory_space<semaphore_mem>>)
      %dma_wait3A_121 = arith.constant 0 : i32
      %dma_wait3A_122 = tpu.memref_slice %arg6[%arg0, %mul3A_115, %dma_wait3A_121] : memref<2x10112x128xf32, #tpu.memory_space<hbm>> -> memref<1x632x128xf32, #tpu.memory_space<hbm>>
      %dma_wait3A_123 = tpu.memref_squeeze %dma_wait3A_122 : memref<1x632x128xf32, #tpu.memory_space<hbm>> -> memref<632x128xf32, #tpu.memory_space<hbm>>
      %dma_wait3A_124 = arith.constant 0 : i32
      %dma_wait3A_125 = tpu.memref_slice %arg10[%mul3A_113, %dma_wait3A_124] : memref<10112x128xf32, #tpu.memory_space<vmem_shared>> -> memref<632x128xf32, #tpu.memory_space<vmem_shared>>
      tpu.wait_dma2 semaphore(%run_scoped3A : memref<!tpu.dma_semaphore, #tpu.memory_space<semaphore_mem>>) src(%dma_wait3A_125 : memref<632x128xf32, #tpu.memory_space<vmem_shared>>) dst(%dma_wait3A_123 : memref<632x128xf32, #tpu.memory_space<hbm>>)
      tpu.yield
    }) : () -> ()
    return
  }
}

#map = affine_map<(d0, d1) -> (0, 0)>
#map1 = affine_map<(d0, d1) -> (0, 0, 0)>
module attributes {stable_mosaic.version = 14 : i64} {
  func.func @_agg_body(%arg0: i32, %arg1: i32, %arg2: memref<10000x128xf32, #tpu.memory_space<hbm>>, %arg3: memref<2560x128xi32, #tpu.memory_space<hbm>>, %arg4: memref<2560x128xi32, #tpu.memory_space<hbm>>, %arg5: memref<632x128xf32, #tpu.memory_space<hbm>>, %arg6: memref<2x10112x128xf32, #tpu.memory_space<hbm>>, %arg7: memref<16x128xi32, #tpu.memory_space<vmem>>, %arg8: memref<16x128xi32, #tpu.memory_space<vmem>>, %arg9: memref<2x128x128xf32, #tpu.memory_space<vmem>>, %arg10: memref<10112x128xf32, #tpu.memory_space<vmem_shared>>, %arg11: memref<!tpu.dma_semaphore, #tpu.memory_space<semaphore_mem>>, %arg12: memref<!tpu.dma_semaphore, #tpu.memory_space<semaphore_mem>>, %arg13: memref<!tpu.dma_semaphore, #tpu.memory_space<semaphore_mem>>, %arg14: memref<!tpu.dma_semaphore, #tpu.memory_space<semaphore_mem>>) attributes {dimension_semantics = [#tpu.dimension_semantics<core_parallel>, #tpu.dimension_semantics<subcore_parallel>], iteration_bounds = array<i64: 2, 16>, scalar_prefetch = 0 : i64, scratch_operands = 8 : i64, tpu.core_type = #tpu.core_type<sc_vector_subcore>, window_params = [{transform_indices = #map}, {transform_indices = #map}, {transform_indices = #map}, {transform_indices = #map}, {transform_indices = #map1}]} {
    %mul3A = arith.constant 2 : i32
    %mul3A_0 = arith.muli %arg1, %mul3A : i32
    %add3A = arith.addi %mul3A_0, %arg0 : i32
    %mul3A_1 = arith.constant 632 : i32
    %mul3A_2 = arith.muli %arg1, %mul3A_1 : i32
    "tpu.region"() ({
      %run_scoped3A = tpu.sem_alloc : memref<!tpu.dma_semaphore, #tpu.memory_space<semaphore_mem>>
      %dma_start3A_116 = arith.constant 0 : i32
      %dma_start3A_117 = tpu.memref_slice %arg10[%mul3A_2, %dma_start3A_116] : memref<10112x128xf32, #tpu.memory_space<vmem_shared>> -> memref<632x128xf32, #tpu.memory_space<vmem_shared>>
      tpu.enqueue_dma source(%arg5 : memref<632x128xf32, #tpu.memory_space<hbm>>) target(%dma_start3A_117 : memref<632x128xf32, #tpu.memory_space<vmem_shared>>) target_semaphore(%run_scoped3A : memref<!tpu.dma_semaphore, #tpu.memory_space<semaphore_mem>>)
      %dma_wait3A_118 = arith.constant 0 : i32
      %dma_wait3A_119 = tpu.memref_slice %arg10[%mul3A_2, %dma_wait3A_118] : memref<10112x128xf32, #tpu.memory_space<vmem_shared>> -> memref<632x128xf32, #tpu.memory_space<vmem_shared>>
      tpu.wait_dma2 semaphore(%run_scoped3A : memref<!tpu.dma_semaphore, #tpu.memory_space<semaphore_mem>>) src(%arg5 : memref<632x128xf32, #tpu.memory_space<hbm>>) dst(%dma_wait3A_119 : memref<632x128xf32, #tpu.memory_space<vmem_shared>>)
      tpu.yield
    }) : () -> ()
    %barrier3A = arith.constant 0 : index
    tpu.barrier barrier_id(%barrier3A)
    %mul3A_3 = arith.constant 160 : i32
    %mul3A_4 = arith.muli %arg1, %mul3A_3 : i32
    %eq3A = arith.constant 0 : i32
    %eq3A_5 = arith.cmpi eq, %arg0, %eq3A : i32
    %jit3A = arith.constant 0 : i32
    %jit3A_6 = arith.constant 128 : i32
    %select_n3A = arith.select %eq3A_5, %jit3A, %jit3A_6 : i32
    %add3A_7 = arith.addi %mul3A_4, %select_n3A : i32
    %eq3A_8 = arith.constant 0 : i32
    %eq3A_9 = arith.cmpi eq, %arg0, %eq3A_8 : i32
    %jit3A_10 = arith.constant 128 : i32
    %jit3A_11 = arith.constant 32 : i32
    %select_n3A_12 = arith.select %eq3A_9, %jit3A_10, %jit3A_11 : i32
    %jit3A_13 = arith.constant 2 : i32
    %div3A = arith.divsi %select_n3A_12, %jit3A_13 : i32
    %sign3A = arith.constant 0 : i32
    %sign3A_14 = arith.cmpi sgt, %select_n3A_12, %sign3A : i32
    %sign3A_15 = arith.extui %sign3A_14 : i1 to i32
    %sign3A_16 = arith.constant 0 : i32
    %sign3A_17 = arith.cmpi slt, %select_n3A_12, %sign3A_16 : i32
    %sign3A_18 = arith.extui %sign3A_17 : i1 to i32
    %sign3A_19 = arith.subi %sign3A_15, %sign3A_18 : i32
    %sign3A_20 = arith.constant 0 : i32
    %sign3A_21 = arith.cmpi sgt, %jit3A_13, %sign3A_20 : i32
    %sign3A_22 = arith.extui %sign3A_21 : i1 to i32
    %sign3A_23 = arith.constant 0 : i32
    %sign3A_24 = arith.cmpi slt, %jit3A_13, %sign3A_23 : i32
    %sign3A_25 = arith.extui %sign3A_24 : i1 to i32
    %sign3A_26 = arith.subi %sign3A_22, %sign3A_25 : i32
    %ne3A = arith.cmpi ne, %sign3A_19, %sign3A_26 : i32
    %rem3A = arith.remsi %select_n3A_12, %jit3A_13 : i32
    %ne3A_27 = arith.constant 0 : i32
    %ne3A_28 = arith.cmpi ne, %rem3A, %ne3A_27 : i32
    %and3A = arith.andi %ne3A, %ne3A_28 : i1
    %sub3A = arith.constant 1 : i32
    %sub3A_29 = arith.subi %div3A, %sub3A : i32
    %select_n3A_30 = arith.select %and3A, %sub3A_29, %div3A : i32
    %while3A = arith.constant 0 : i32
    %while3A_31 = arith.constant 0 : i32
    %while3A_32 = arith.subi %select_n3A_30, %while3A_31 : i32
    %while3A_33 = arith.addi %while3A_31, %while3A_32 : i32
    %while3A_34 = arith.constant 1 : i32
    %while3A_35 = arith.divsi %while3A_32, %while3A_34 : i32
    %while3A_36 = arith.muli %while3A_35, %while3A_34 : i32
    %while3A_37 = arith.addi %while3A_31, %while3A_36 : i32
    %while3A_38 = arith.constant 1 : i32
    scf.for %while3A_116 = %while3A_31 to %while3A_37 step %while3A_38  : i32 {
      %jit3A_117 = arith.constant 8 : i32
      %eq3A_118 = arith.constant 0 : i32
      %eq3A_119 = arith.cmpi eq, %jit3A_117, %eq3A_118 : i32
      %jit3A_120 = arith.constant 1 : i32
      %select_n3A_121 = arith.select %eq3A_119, %jit3A_120, %jit3A_117 : i32
      %rem3A_122 = arith.remsi %while3A_116, %select_n3A_121 : i32
      %ne3A_123 = arith.constant 0 : i32
      %ne3A_124 = arith.cmpi ne, %rem3A_122, %ne3A_123 : i32
      %lt3A_125 = arith.constant 0 : i32
      %lt3A_126 = arith.cmpi slt, %rem3A_122, %lt3A_125 : i32
      %lt3A_127 = arith.constant 0 : i32
      %lt3A_128 = arith.cmpi slt, %select_n3A_121, %lt3A_127 : i32
      %ne3A_129 = arith.xori %lt3A_126, %lt3A_128 : i1
      %and3A_130 = arith.andi %ne3A_129, %ne3A_124 : i1
      %add3A_131 = arith.addi %rem3A_122, %select_n3A_121 : i32
      %select_n3A_132 = arith.select %and3A_130, %add3A_131, %rem3A_122 : i32
      %mul3A_133 = arith.constant 2 : i32
      %mul3A_134 = arith.muli %mul3A_133, %select_n3A_132 : i32
      %add3A_135 = arith.constant 0 : i32
      %add3A_136 = arith.addi %mul3A_134, %add3A_135 : i32
      %add3A_137 = arith.constant 15 : i32
      %add3A_138 = arith.addi %add3A_136, %add3A_137 : i32
      %jit3A_139 = arith.constant 16 : i32
      %eq3A_140 = arith.constant 0 : i32
      %eq3A_141 = arith.cmpi eq, %jit3A_139, %eq3A_140 : i32
      %jit3A_142 = arith.constant 1 : i32
      %select_n3A_143 = arith.select %eq3A_141, %jit3A_142, %jit3A_139 : i32
      %rem3A_144 = arith.remsi %add3A_138, %select_n3A_143 : i32
      %ne3A_145 = arith.constant 0 : i32
      %ne3A_146 = arith.cmpi ne, %rem3A_144, %ne3A_145 : i32
      %lt3A_147 = arith.constant 0 : i32
      %lt3A_148 = arith.cmpi slt, %rem3A_144, %lt3A_147 : i32
      %lt3A_149 = arith.constant 0 : i32
      %lt3A_150 = arith.cmpi slt, %select_n3A_143, %lt3A_149 : i32
      %ne3A_151 = arith.xori %lt3A_148, %lt3A_150 : i1
      %and3A_152 = arith.andi %ne3A_151, %ne3A_146 : i1
      %add3A_153 = arith.addi %rem3A_144, %select_n3A_143 : i32
      %select_n3A_154 = arith.select %and3A_152, %add3A_153, %rem3A_144 : i32
      %jit3A_155 = arith.constant 4 : i32
      %eq3A_156 = arith.constant 0 : i32
      %eq3A_157 = arith.cmpi eq, %jit3A_155, %eq3A_156 : i32
      %jit3A_158 = arith.constant 1 : i32
      %select_n3A_159 = arith.select %eq3A_157, %jit3A_158, %jit3A_155 : i32
      %rem3A_160 = arith.remsi %while3A_116, %select_n3A_159 : i32
      %ne3A_161 = arith.constant 0 : i32
      %ne3A_162 = arith.cmpi ne, %rem3A_160, %ne3A_161 : i32
      %lt3A_163 = arith.constant 0 : i32
      %lt3A_164 = arith.cmpi slt, %rem3A_160, %lt3A_163 : i32
      %lt3A_165 = arith.constant 0 : i32
      %lt3A_166 = arith.cmpi slt, %select_n3A_159, %lt3A_165 : i32
      %ne3A_167 = arith.xori %lt3A_164, %lt3A_166 : i1
      %and3A_168 = arith.andi %ne3A_167, %ne3A_162 : i1
      %add3A_169 = arith.addi %rem3A_160, %select_n3A_159 : i32
      %select_n3A_170 = arith.select %and3A_168, %add3A_169, %rem3A_160 : i32
      %eq3A_171 = arith.constant 0 : i32
      %eq3A_172 = arith.cmpi eq, %select_n3A_170, %eq3A_171 : i32
      %convert_element_type3A = arith.extui %eq3A_172 : i1 to i32
      %cond3A = arith.constant 0 : i32
      %cond3A_173 = arith.cmpi ne, %convert_element_type3A, %cond3A : i32
      scf.if %cond3A_173 {
        %jit3A_296 = arith.constant 4 : i32
        %div3A_297 = arith.divsi %while3A_116, %jit3A_296 : i32
        %sign3A_298 = arith.constant 0 : i32
        %sign3A_299 = arith.cmpi sgt, %while3A_116, %sign3A_298 : i32
        %sign3A_300 = arith.extui %sign3A_299 : i1 to i32
        %sign3A_301 = arith.constant 0 : i32
        %sign3A_302 = arith.cmpi slt, %while3A_116, %sign3A_301 : i32
        %sign3A_303 = arith.extui %sign3A_302 : i1 to i32
        %sign3A_304 = arith.subi %sign3A_300, %sign3A_303 : i32
        %sign3A_305 = arith.constant 0 : i32
        %sign3A_306 = arith.cmpi sgt, %jit3A_296, %sign3A_305 : i32
        %sign3A_307 = arith.extui %sign3A_306 : i1 to i32
        %sign3A_308 = arith.constant 0 : i32
        %sign3A_309 = arith.cmpi slt, %jit3A_296, %sign3A_308 : i32
        %sign3A_310 = arith.extui %sign3A_309 : i1 to i32
        %sign3A_311 = arith.subi %sign3A_307, %sign3A_310 : i32
        %ne3A_312 = arith.cmpi ne, %sign3A_304, %sign3A_311 : i32
        %rem3A_313 = arith.remsi %while3A_116, %jit3A_296 : i32
        %ne3A_314 = arith.constant 0 : i32
        %ne3A_315 = arith.cmpi ne, %rem3A_313, %ne3A_314 : i32
        %and3A_316 = arith.andi %ne3A_312, %ne3A_315 : i1
        %sub3A_317 = arith.constant 1 : i32
        %sub3A_318 = arith.subi %div3A_297, %sub3A_317 : i32
        %select_n3A_319 = arith.select %and3A_316, %sub3A_318, %div3A_297 : i32
        %mul3A_320 = arith.constant 8 : i32
        %mul3A_321 = arith.muli %select_n3A_319, %mul3A_320 : i32
        %add3A_322 = arith.addi %add3A_7, %mul3A_321 : i32
        %jit3A_323 = arith.constant 4 : i32
        %div3A_324 = arith.divsi %while3A_116, %jit3A_323 : i32
        %sign3A_325 = arith.constant 0 : i32
        %sign3A_326 = arith.cmpi sgt, %while3A_116, %sign3A_325 : i32
        %sign3A_327 = arith.extui %sign3A_326 : i1 to i32
        %sign3A_328 = arith.constant 0 : i32
        %sign3A_329 = arith.cmpi slt, %while3A_116, %sign3A_328 : i32
        %sign3A_330 = arith.extui %sign3A_329 : i1 to i32
        %sign3A_331 = arith.subi %sign3A_327, %sign3A_330 : i32
        %sign3A_332 = arith.constant 0 : i32
        %sign3A_333 = arith.cmpi sgt, %jit3A_323, %sign3A_332 : i32
        %sign3A_334 = arith.extui %sign3A_333 : i1 to i32
        %sign3A_335 = arith.constant 0 : i32
        %sign3A_336 = arith.cmpi slt, %jit3A_323, %sign3A_335 : i32
        %sign3A_337 = arith.extui %sign3A_336 : i1 to i32
        %sign3A_338 = arith.subi %sign3A_334, %sign3A_337 : i32
        %ne3A_339 = arith.cmpi ne, %sign3A_331, %sign3A_338 : i32
        %rem3A_340 = arith.remsi %while3A_116, %jit3A_323 : i32
        %ne3A_341 = arith.constant 0 : i32
        %ne3A_342 = arith.cmpi ne, %rem3A_340, %ne3A_341 : i32
        %and3A_343 = arith.andi %ne3A_339, %ne3A_342 : i1
        %sub3A_344 = arith.constant 1 : i32
        %sub3A_345 = arith.subi %div3A_324, %sub3A_344 : i32
        %select_n3A_346 = arith.select %and3A_343, %sub3A_345, %div3A_324 : i32
        %jit3A_347 = arith.constant 2 : i32
        %eq3A_348 = arith.constant 0 : i32
        %eq3A_349 = arith.cmpi eq, %jit3A_347, %eq3A_348 : i32
        %jit3A_350 = arith.constant 1 : i32
        %select_n3A_351 = arith.select %eq3A_349, %jit3A_350, %jit3A_347 : i32
        %rem3A_352 = arith.remsi %select_n3A_346, %select_n3A_351 : i32
        %ne3A_353 = arith.constant 0 : i32
        %ne3A_354 = arith.cmpi ne, %rem3A_352, %ne3A_353 : i32
        %lt3A_355 = arith.constant 0 : i32
        %lt3A_356 = arith.cmpi slt, %rem3A_352, %lt3A_355 : i32
        %lt3A_357 = arith.constant 0 : i32
        %lt3A_358 = arith.cmpi slt, %select_n3A_351, %lt3A_357 : i32
        %ne3A_359 = arith.xori %lt3A_356, %lt3A_358 : i1
        %and3A_360 = arith.andi %ne3A_359, %ne3A_354 : i1
        %add3A_361 = arith.addi %rem3A_352, %select_n3A_351 : i32
        %select_n3A_362 = arith.select %and3A_360, %add3A_361, %rem3A_352 : i32
        %mul3A_363 = arith.constant 8 : i32
        %mul3A_364 = arith.muli %select_n3A_362, %mul3A_363 : i32
        "tpu.region"() ({
          %run_scoped3A = tpu.sem_alloc : memref<!tpu.dma_semaphore, #tpu.memory_space<semaphore_mem>>
          %dma_start3A_365 = arith.constant 0 : i32
          %dma_start3A_366 = tpu.memref_slice %arg7[%mul3A_364, %dma_start3A_365] : memref<16x128xi32, #tpu.memory_space<vmem>> -> memref<8x128xi32, #tpu.memory_space<vmem>>
          %dma_start3A_367 = arith.constant 0 : i32
          %dma_start3A_368 = tpu.memref_slice %arg3[%add3A_322, %dma_start3A_367] : memref<2560x128xi32, #tpu.memory_space<hbm>> -> memref<8x128xi32, #tpu.memory_space<hbm>>
          %dma_start3A_369 = arith.constant 0 : i32
          %dma_start3A_370 = tpu.memref_slice %arg7[%mul3A_364, %dma_start3A_369] : memref<16x128xi32, #tpu.memory_space<vmem>> -> memref<8x128xi32, #tpu.memory_space<vmem>>
          %dma_start3A_371 = arith.constant 0 : i32
          %dma_start3A_372 = tpu.memref_slice %arg3[%add3A_322, %dma_start3A_371] : memref<2560x128xi32, #tpu.memory_space<hbm>> -> memref<8x128xi32, #tpu.memory_space<hbm>>
          tpu.enqueue_dma source(%dma_start3A_372 : memref<8x128xi32, #tpu.memory_space<hbm>>) target(%dma_start3A_370 : memref<8x128xi32, #tpu.memory_space<vmem>>) target_semaphore(%run_scoped3A : memref<!tpu.dma_semaphore, #tpu.memory_space<semaphore_mem>>)
          %dma_wait3A_373 = arith.constant 0 : i32
          %dma_wait3A_374 = tpu.memref_slice %arg7[%mul3A_364, %dma_wait3A_373] : memref<16x128xi32, #tpu.memory_space<vmem>> -> memref<8x128xi32, #tpu.memory_space<vmem>>
          %dma_wait3A_375 = arith.constant 0 : i32
          %dma_wait3A_376 = tpu.memref_slice %arg3[%add3A_322, %dma_wait3A_375] : memref<2560x128xi32, #tpu.memory_space<hbm>> -> memref<8x128xi32, #tpu.memory_space<hbm>>
          %dma_wait3A_377 = arith.constant 0 : i32
          %dma_wait3A_378 = tpu.memref_slice %arg7[%mul3A_364, %dma_wait3A_377] : memref<16x128xi32, #tpu.memory_space<vmem>> -> memref<8x128xi32, #tpu.memory_space<vmem>>
          %dma_wait3A_379 = arith.constant 0 : i32
          %dma_wait3A_380 = tpu.memref_slice %arg3[%add3A_322, %dma_wait3A_379] : memref<2560x128xi32, #tpu.memory_space<hbm>> -> memref<8x128xi32, #tpu.memory_space<hbm>>
          tpu.wait_dma2 semaphore(%run_scoped3A : memref<!tpu.dma_semaphore, #tpu.memory_space<semaphore_mem>>) src(%dma_wait3A_380 : memref<8x128xi32, #tpu.memory_space<hbm>>) dst(%dma_wait3A_378 : memref<8x128xi32, #tpu.memory_space<vmem>>)
          tpu.yield
        }) : () -> ()
        "tpu.region"() ({
          %run_scoped3A = tpu.sem_alloc : memref<!tpu.dma_semaphore, #tpu.memory_space<semaphore_mem>>
          %dma_start3A_365 = arith.constant 0 : i32
          %dma_start3A_366 = tpu.memref_slice %arg8[%mul3A_364, %dma_start3A_365] : memref<16x128xi32, #tpu.memory_space<vmem>> -> memref<8x128xi32, #tpu.memory_space<vmem>>
          %dma_start3A_367 = arith.constant 0 : i32
          %dma_start3A_368 = tpu.memref_slice %arg4[%add3A_322, %dma_start3A_367] : memref<2560x128xi32, #tpu.memory_space<hbm>> -> memref<8x128xi32, #tpu.memory_space<hbm>>
          %dma_start3A_369 = arith.constant 0 : i32
          %dma_start3A_370 = tpu.memref_slice %arg8[%mul3A_364, %dma_start3A_369] : memref<16x128xi32, #tpu.memory_space<vmem>> -> memref<8x128xi32, #tpu.memory_space<vmem>>
          %dma_start3A_371 = arith.constant 0 : i32
          %dma_start3A_372 = tpu.memref_slice %arg4[%add3A_322, %dma_start3A_371] : memref<2560x128xi32, #tpu.memory_space<hbm>> -> memref<8x128xi32, #tpu.memory_space<hbm>>
          tpu.enqueue_dma source(%dma_start3A_372 : memref<8x128xi32, #tpu.memory_space<hbm>>) target(%dma_start3A_370 : memref<8x128xi32, #tpu.memory_space<vmem>>) target_semaphore(%run_scoped3A : memref<!tpu.dma_semaphore, #tpu.memory_space<semaphore_mem>>)
          %dma_wait3A_373 = arith.constant 0 : i32
          %dma_wait3A_374 = tpu.memref_slice %arg8[%mul3A_364, %dma_wait3A_373] : memref<16x128xi32, #tpu.memory_space<vmem>> -> memref<8x128xi32, #tpu.memory_space<vmem>>
          %dma_wait3A_375 = arith.constant 0 : i32
          %dma_wait3A_376 = tpu.memref_slice %arg4[%add3A_322, %dma_wait3A_375] : memref<2560x128xi32, #tpu.memory_space<hbm>> -> memref<8x128xi32, #tpu.memory_space<hbm>>
          %dma_wait3A_377 = arith.constant 0 : i32
          %dma_wait3A_378 = tpu.memref_slice %arg8[%mul3A_364, %dma_wait3A_377] : memref<16x128xi32, #tpu.memory_space<vmem>> -> memref<8x128xi32, #tpu.memory_space<vmem>>
          %dma_wait3A_379 = arith.constant 0 : i32
          %dma_wait3A_380 = tpu.memref_slice %arg4[%add3A_322, %dma_wait3A_379] : memref<2560x128xi32, #tpu.memory_space<hbm>> -> memref<8x128xi32, #tpu.memory_space<hbm>>
          tpu.wait_dma2 semaphore(%run_scoped3A : memref<!tpu.dma_semaphore, #tpu.memory_space<semaphore_mem>>) src(%dma_wait3A_380 : memref<8x128xi32, #tpu.memory_space<hbm>>) dst(%dma_wait3A_378 : memref<8x128xi32, #tpu.memory_space<vmem>>)
          tpu.yield
        }) : () -> ()
      } else {
      }
      %gt3A = arith.constant 0 : i32
      %gt3A_174 = arith.cmpi sgt, %while3A_116, %gt3A : i32
      %convert_element_type3A_175 = arith.extui %gt3A_174 : i1 to i32
      %cond3A_176 = arith.constant 0 : i32
      %cond3A_177 = arith.cmpi ne, %convert_element_type3A_175, %cond3A_176 : i32
      scf.if %cond3A_177 {
        %dma_wait3A_296 = arith.constant 0 : i32
        %dma_wait3A_297 = arith.constant 0 : i32
        %dma_wait3A_298 = arith.constant 0 : i32
        %dma_wait3A_299 = tpu.memref_slice %arg9[%dma_wait3A_296, %dma_wait3A_297, %dma_wait3A_298] : memref<2x128x128xf32, #tpu.memory_space<vmem>> -> memref<1x128x128xf32, #tpu.memory_space<vmem>>
        %dma_wait3A_300 = tpu.memref_squeeze %dma_wait3A_299 : memref<1x128x128xf32, #tpu.memory_space<vmem>> -> memref<128x128xf32, #tpu.memory_space<vmem>>
        %dma_wait3A_301 = arith.constant 0 : i32
        %dma_wait3A_302 = arith.constant 0 : i32
        %dma_wait3A_303 = tpu.memref_slice %arg2[%dma_wait3A_301, %dma_wait3A_302] : memref<10000x128xf32, #tpu.memory_space<hbm>> -> memref<128x128xf32, #tpu.memory_space<hbm>>
        %dma_wait3A_304 = arith.constant 0 : i32
        %dma_wait3A_305 = arith.constant 0 : i32
        %dma_wait3A_306 = tpu.memref_slice %arg9[%dma_wait3A_296, %dma_wait3A_304, %dma_wait3A_305] : memref<2x128x128xf32, #tpu.memory_space<vmem>> -> memref<1x128x128xf32, #tpu.memory_space<vmem>>
        %dma_wait3A_307 = tpu.memref_squeeze %dma_wait3A_306 : memref<1x128x128xf32, #tpu.memory_space<vmem>> -> memref<128x128xf32, #tpu.memory_space<vmem>>
        %dma_wait3A_308 = arith.constant 0 : i32
        %dma_wait3A_309 = arith.constant 0 : i32
        %dma_wait3A_310 = tpu.memref_slice %arg2[%dma_wait3A_308, %dma_wait3A_309] : memref<10000x128xf32, #tpu.memory_space<hbm>> -> memref<128x128xf32, #tpu.memory_space<hbm>>
        tpu.wait_dma2 semaphore(%arg13 : memref<!tpu.dma_semaphore, #tpu.memory_space<semaphore_mem>>) src(%dma_wait3A_310 : memref<128x128xf32, #tpu.memory_space<hbm>>) dst(%dma_wait3A_307 : memref<128x128xf32, #tpu.memory_space<vmem>>)
      } else {
      }
      %dma_start3A_178 = arith.constant 0 : i32
      %dma_start3A_179 = arith.constant 0 : i32
      %dma_start3A_180 = arith.constant 0 : i32
      %dma_start3A_181 = tpu.memref_slice %arg9[%dma_start3A_178, %dma_start3A_179, %dma_start3A_180] : memref<2x128x128xf32, #tpu.memory_space<vmem>> -> memref<1x64x128xf32, #tpu.memory_space<vmem>>
      %dma_start3A_182 = tpu.memref_squeeze %dma_start3A_181 : memref<1x64x128xf32, #tpu.memory_space<vmem>> -> memref<64x128xf32, #tpu.memory_space<vmem>>
      %dma_start3A_183 = arith.constant 0 : i32
      %dma_start3A_184 = tpu.memref_slice %arg7[%add3A_136, %dma_start3A_183] : memref<16x128xi32, #tpu.memory_space<vmem>> -> memref<1x64xi32, #tpu.memory_space<vmem>>
      %dma_start3A_185 = tpu.memref_squeeze %dma_start3A_184 : memref<1x64xi32, #tpu.memory_space<vmem>> -> memref<64xi32, #tpu.memory_space<vmem>>
      %dma_start3A_186 = arith.constant 0 : i32
      %dma_start3A_187 = arith.constant 0 : i32
      %dma_start3A_188 = tpu.memref_slice %arg2[%dma_start3A_186, %dma_start3A_187] : memref<10000x128xf32, #tpu.memory_space<hbm>> -> memref<10000x128xf32, #tpu.memory_space<hbm>>
      tpu.enqueue_indirect_dma source(%dma_start3A_188 : memref<10000x128xf32, #tpu.memory_space<hbm>>) target(%dma_start3A_182 : memref<64x128xf32, #tpu.memory_space<vmem>>) offsets(%dma_start3A_185 : memref<64xi32, #tpu.memory_space<vmem>>) semaphore(%arg11 : memref<!tpu.dma_semaphore, #tpu.memory_space<semaphore_mem>>)
      %dma_start3A_189 = arith.constant 0 : i32
      %dma_start3A_190 = arith.constant 64 : i32
      %dma_start3A_191 = arith.constant 0 : i32
      %dma_start3A_192 = tpu.memref_slice %arg9[%dma_start3A_189, %dma_start3A_190, %dma_start3A_191] : memref<2x128x128xf32, #tpu.memory_space<vmem>> -> memref<1x64x128xf32, #tpu.memory_space<vmem>>
      %dma_start3A_193 = tpu.memref_squeeze %dma_start3A_192 : memref<1x64x128xf32, #tpu.memory_space<vmem>> -> memref<64x128xf32, #tpu.memory_space<vmem>>
      %dma_start3A_194 = arith.constant 64 : i32
      %dma_start3A_195 = tpu.memref_slice %arg7[%add3A_136, %dma_start3A_194] : memref<16x128xi32, #tpu.memory_space<vmem>> -> memref<1x64xi32, #tpu.memory_space<vmem>>
      %dma_start3A_196 = tpu.memref_squeeze %dma_start3A_195 : memref<1x64xi32, #tpu.memory_space<vmem>> -> memref<64xi32, #tpu.memory_space<vmem>>
      %dma_start3A_197 = arith.constant 0 : i32
      %dma_start3A_198 = arith.constant 0 : i32
      %dma_start3A_199 = tpu.memref_slice %arg2[%dma_start3A_197, %dma_start3A_198] : memref<10000x128xf32, #tpu.memory_space<hbm>> -> memref<10000x128xf32, #tpu.memory_space<hbm>>
      tpu.enqueue_indirect_dma source(%dma_start3A_199 : memref<10000x128xf32, #tpu.memory_space<hbm>>) target(%dma_start3A_193 : memref<64x128xf32, #tpu.memory_space<vmem>>) offsets(%dma_start3A_196 : memref<64xi32, #tpu.memory_space<vmem>>) semaphore(%arg11 : memref<!tpu.dma_semaphore, #tpu.memory_space<semaphore_mem>>)
      %gt3A_200 = arith.constant 0 : i32
      %gt3A_201 = arith.cmpi sgt, %while3A_116, %gt3A_200 : i32
      %convert_element_type3A_202 = arith.extui %gt3A_201 : i1 to i32
      %cond3A_203 = arith.constant 0 : i32
      %cond3A_204 = arith.cmpi ne, %convert_element_type3A_202, %cond3A_203 : i32
      scf.if %cond3A_204 {
        %dma_wait3A_296 = arith.constant 1 : i32
        %dma_wait3A_297 = arith.constant 0 : i32
        %dma_wait3A_298 = arith.constant 0 : i32
        %dma_wait3A_299 = tpu.memref_slice %arg9[%dma_wait3A_296, %dma_wait3A_297, %dma_wait3A_298] : memref<2x128x128xf32, #tpu.memory_space<vmem>> -> memref<1x128x128xf32, #tpu.memory_space<vmem>>
        %dma_wait3A_300 = tpu.memref_squeeze %dma_wait3A_299 : memref<1x128x128xf32, #tpu.memory_space<vmem>> -> memref<128x128xf32, #tpu.memory_space<vmem>>
        %dma_wait3A_301 = arith.constant 0 : i32
        %dma_wait3A_302 = arith.constant 0 : i32
        %dma_wait3A_303 = tpu.memref_slice %arg2[%dma_wait3A_301, %dma_wait3A_302] : memref<10000x128xf32, #tpu.memory_space<hbm>> -> memref<128x128xf32, #tpu.memory_space<hbm>>
        %dma_wait3A_304 = arith.constant 0 : i32
        %dma_wait3A_305 = arith.constant 0 : i32
        %dma_wait3A_306 = tpu.memref_slice %arg9[%dma_wait3A_296, %dma_wait3A_304, %dma_wait3A_305] : memref<2x128x128xf32, #tpu.memory_space<vmem>> -> memref<1x128x128xf32, #tpu.memory_space<vmem>>
        %dma_wait3A_307 = tpu.memref_squeeze %dma_wait3A_306 : memref<1x128x128xf32, #tpu.memory_space<vmem>> -> memref<128x128xf32, #tpu.memory_space<vmem>>
        %dma_wait3A_308 = arith.constant 0 : i32
        %dma_wait3A_309 = arith.constant 0 : i32
        %dma_wait3A_310 = tpu.memref_slice %arg2[%dma_wait3A_308, %dma_wait3A_309] : memref<10000x128xf32, #tpu.memory_space<hbm>> -> memref<128x128xf32, #tpu.memory_space<hbm>>
        tpu.wait_dma2 semaphore(%arg12 : memref<!tpu.dma_semaphore, #tpu.memory_space<semaphore_mem>>) src(%dma_wait3A_310 : memref<128x128xf32, #tpu.memory_space<hbm>>) dst(%dma_wait3A_307 : memref<128x128xf32, #tpu.memory_space<vmem>>)
        %dma_start3A_311 = arith.constant 1 : i32
        %dma_start3A_312 = arith.constant 0 : i32
        %dma_start3A_313 = arith.constant 0 : i32
        %dma_start3A_314 = tpu.memref_slice %arg9[%dma_start3A_311, %dma_start3A_312, %dma_start3A_313] : memref<2x128x128xf32, #tpu.memory_space<vmem>> -> memref<1x128x128xf32, #tpu.memory_space<vmem>>
        %dma_start3A_315 = tpu.memref_squeeze %dma_start3A_314 : memref<1x128x128xf32, #tpu.memory_space<vmem>> -> memref<128x128xf32, #tpu.memory_space<vmem>>
        %dma_start3A_316 = arith.constant 0 : i32
        %dma_start3A_317 = tpu.memref_slice %arg8[%select_n3A_154, %dma_start3A_316] : memref<16x128xi32, #tpu.memory_space<vmem>> -> memref<1x128xi32, #tpu.memory_space<vmem>>
        %dma_start3A_318 = tpu.memref_squeeze %dma_start3A_317 : memref<1x128xi32, #tpu.memory_space<vmem>> -> memref<128xi32, #tpu.memory_space<vmem>>
        %dma_start3A_319 = arith.constant 0 : i32
        %dma_start3A_320 = arith.constant 0 : i32
        %dma_start3A_321 = tpu.memref_slice %arg10[%dma_start3A_319, %dma_start3A_320] : memref<10112x128xf32, #tpu.memory_space<vmem_shared>> -> memref<10112x128xf32, #tpu.memory_space<vmem_shared>>
        tpu.enqueue_indirect_dma source(%dma_start3A_315 : memref<128x128xf32, #tpu.memory_space<vmem>>) target(%dma_start3A_321 : memref<10112x128xf32, #tpu.memory_space<vmem_shared>>) offsets(%dma_start3A_318 : memref<128xi32, #tpu.memory_space<vmem>>) semaphore(%arg14 : memref<!tpu.dma_semaphore, #tpu.memory_space<semaphore_mem>>) {add = true}
      } else {
      }
      %jit3A_205 = arith.constant 8 : i32
      %eq3A_206 = arith.constant 0 : i32
      %eq3A_207 = arith.cmpi eq, %jit3A_205, %eq3A_206 : i32
      %jit3A_208 = arith.constant 1 : i32
      %select_n3A_209 = arith.select %eq3A_207, %jit3A_208, %jit3A_205 : i32
      %rem3A_210 = arith.remsi %while3A_116, %select_n3A_209 : i32
      %ne3A_211 = arith.constant 0 : i32
      %ne3A_212 = arith.cmpi ne, %rem3A_210, %ne3A_211 : i32
      %lt3A_213 = arith.constant 0 : i32
      %lt3A_214 = arith.cmpi slt, %rem3A_210, %lt3A_213 : i32
      %lt3A_215 = arith.constant 0 : i32
      %lt3A_216 = arith.cmpi slt, %select_n3A_209, %lt3A_215 : i32
      %ne3A_217 = arith.xori %lt3A_214, %lt3A_216 : i1
      %and3A_218 = arith.andi %ne3A_217, %ne3A_212 : i1
      %add3A_219 = arith.addi %rem3A_210, %select_n3A_209 : i32
      %select_n3A_220 = arith.select %and3A_218, %add3A_219, %rem3A_210 : i32
      %mul3A_221 = arith.constant 2 : i32
      %mul3A_222 = arith.muli %mul3A_221, %select_n3A_220 : i32
      %add3A_223 = arith.constant 1 : i32
      %add3A_224 = arith.addi %mul3A_222, %add3A_223 : i32
      %add3A_225 = arith.constant 15 : i32
      %add3A_226 = arith.addi %add3A_224, %add3A_225 : i32
      %jit3A_227 = arith.constant 16 : i32
      %eq3A_228 = arith.constant 0 : i32
      %eq3A_229 = arith.cmpi eq, %jit3A_227, %eq3A_228 : i32
      %jit3A_230 = arith.constant 1 : i32
      %select_n3A_231 = arith.select %eq3A_229, %jit3A_230, %jit3A_227 : i32
      %rem3A_232 = arith.remsi %add3A_226, %select_n3A_231 : i32
      %ne3A_233 = arith.constant 0 : i32
      %ne3A_234 = arith.cmpi ne, %rem3A_232, %ne3A_233 : i32
      %lt3A_235 = arith.constant 0 : i32
      %lt3A_236 = arith.cmpi slt, %rem3A_232, %lt3A_235 : i32
      %lt3A_237 = arith.constant 0 : i32
      %lt3A_238 = arith.cmpi slt, %select_n3A_231, %lt3A_237 : i32
      %ne3A_239 = arith.xori %lt3A_236, %lt3A_238 : i1
      %and3A_240 = arith.andi %ne3A_239, %ne3A_234 : i1
      %add3A_241 = arith.addi %rem3A_232, %select_n3A_231 : i32
      %select_n3A_242 = arith.select %and3A_240, %add3A_241, %rem3A_232 : i32
      %gt3A_243 = arith.constant 0 : i32
      %gt3A_244 = arith.cmpi sgt, %while3A_116, %gt3A_243 : i32
      %convert_element_type3A_245 = arith.extui %gt3A_244 : i1 to i32
      %cond3A_246 = arith.constant 0 : i32
      %cond3A_247 = arith.cmpi ne, %convert_element_type3A_245, %cond3A_246 : i32
      scf.if %cond3A_247 {
        %dma_wait3A_296 = arith.constant 1 : i32
        %dma_wait3A_297 = arith.constant 0 : i32
        %dma_wait3A_298 = arith.constant 0 : i32
        %dma_wait3A_299 = tpu.memref_slice %arg9[%dma_wait3A_296, %dma_wait3A_297, %dma_wait3A_298] : memref<2x128x128xf32, #tpu.memory_space<vmem>> -> memref<1x128x128xf32, #tpu.memory_space<vmem>>
        %dma_wait3A_300 = tpu.memref_squeeze %dma_wait3A_299 : memref<1x128x128xf32, #tpu.memory_space<vmem>> -> memref<128x128xf32, #tpu.memory_space<vmem>>
        %dma_wait3A_301 = arith.constant 0 : i32
        %dma_wait3A_302 = arith.constant 0 : i32
        %dma_wait3A_303 = tpu.memref_slice %arg2[%dma_wait3A_301, %dma_wait3A_302] : memref<10000x128xf32, #tpu.memory_space<hbm>> -> memref<128x128xf32, #tpu.memory_space<hbm>>
        %dma_wait3A_304 = arith.constant 0 : i32
        %dma_wait3A_305 = arith.constant 0 : i32
        %dma_wait3A_306 = tpu.memref_slice %arg9[%dma_wait3A_296, %dma_wait3A_304, %dma_wait3A_305] : memref<2x128x128xf32, #tpu.memory_space<vmem>> -> memref<1x128x128xf32, #tpu.memory_space<vmem>>
        %dma_wait3A_307 = tpu.memref_squeeze %dma_wait3A_306 : memref<1x128x128xf32, #tpu.memory_space<vmem>> -> memref<128x128xf32, #tpu.memory_space<vmem>>
        %dma_wait3A_308 = arith.constant 0 : i32
        %dma_wait3A_309 = arith.constant 0 : i32
        %dma_wait3A_310 = tpu.memref_slice %arg2[%dma_wait3A_308, %dma_wait3A_309] : memref<10000x128xf32, #tpu.memory_space<hbm>> -> memref<128x128xf32, #tpu.memory_space<hbm>>
        tpu.wait_dma2 semaphore(%arg14 : memref<!tpu.dma_semaphore, #tpu.memory_space<semaphore_mem>>) src(%dma_wait3A_310 : memref<128x128xf32, #tpu.memory_space<hbm>>) dst(%dma_wait3A_307 : memref<128x128xf32, #tpu.memory_space<vmem>>)
      } else {
      }
      %dma_start3A_248 = arith.constant 1 : i32
      %dma_start3A_249 = arith.constant 0 : i32
      %dma_start3A_250 = arith.constant 0 : i32
      %dma_start3A_251 = tpu.memref_slice %arg9[%dma_start3A_248, %dma_start3A_249, %dma_start3A_250] : memref<2x128x128xf32, #tpu.memory_space<vmem>> -> memref<1x64x128xf32, #tpu.memory_space<vmem>>
      %dma_start3A_252 = tpu.memref_squeeze %dma_start3A_251 : memref<1x64x128xf32, #tpu.memory_space<vmem>> -> memref<64x128xf32, #tpu.memory_space<vmem>>
      %dma_start3A_253 = arith.constant 0 : i32
      %dma_start3A_254 = tpu.memref_slice %arg7[%add3A_224, %dma_start3A_253] : memref<16x128xi32, #tpu.memory_space<vmem>> -> memref<1x64xi32, #tpu.memory_space<vmem>>
      %dma_start3A_255 = tpu.memref_squeeze %dma_start3A_254 : memref<1x64xi32, #tpu.memory_space<vmem>> -> memref<64xi32, #tpu.memory_space<vmem>>
      %dma_start3A_256 = arith.constant 0 : i32
      %dma_start3A_257 = arith.constant 0 : i32
      %dma_start3A_258 = tpu.memref_slice %arg2[%dma_start3A_256, %dma_start3A_257] : memref<10000x128xf32, #tpu.memory_space<hbm>> -> memref<10000x128xf32, #tpu.memory_space<hbm>>
      tpu.enqueue_indirect_dma source(%dma_start3A_258 : memref<10000x128xf32, #tpu.memory_space<hbm>>) target(%dma_start3A_252 : memref<64x128xf32, #tpu.memory_space<vmem>>) offsets(%dma_start3A_255 : memref<64xi32, #tpu.memory_space<vmem>>) semaphore(%arg12 : memref<!tpu.dma_semaphore, #tpu.memory_space<semaphore_mem>>)
      %dma_start3A_259 = arith.constant 1 : i32
      %dma_start3A_260 = arith.constant 64 : i32
      %dma_start3A_261 = arith.constant 0 : i32
      %dma_start3A_262 = tpu.memref_slice %arg9[%dma_start3A_259, %dma_start3A_260, %dma_start3A_261] : memref<2x128x128xf32, #tpu.memory_space<vmem>> -> memref<1x64x128xf32, #tpu.memory_space<vmem>>
      %dma_start3A_263 = tpu.memref_squeeze %dma_start3A_262 : memref<1x64x128xf32, #tpu.memory_space<vmem>> -> memref<64x128xf32, #tpu.memory_space<vmem>>
      %dma_start3A_264 = arith.constant 64 : i32
      %dma_start3A_265 = tpu.memref_slice %arg7[%add3A_224, %dma_start3A_264] : memref<16x128xi32, #tpu.memory_space<vmem>> -> memref<1x64xi32, #tpu.memory_space<vmem>>
      %dma_start3A_266 = tpu.memref_squeeze %dma_start3A_265 : memref<1x64xi32, #tpu.memory_space<vmem>> -> memref<64xi32, #tpu.memory_space<vmem>>
      %dma_start3A_267 = arith.constant 0 : i32
      %dma_start3A_268 = arith.constant 0 : i32
      %dma_start3A_269 = tpu.memref_slice %arg2[%dma_start3A_267, %dma_start3A_268] : memref<10000x128xf32, #tpu.memory_space<hbm>> -> memref<10000x128xf32, #tpu.memory_space<hbm>>
      tpu.enqueue_indirect_dma source(%dma_start3A_269 : memref<10000x128xf32, #tpu.memory_space<hbm>>) target(%dma_start3A_263 : memref<64x128xf32, #tpu.memory_space<vmem>>) offsets(%dma_start3A_266 : memref<64xi32, #tpu.memory_space<vmem>>) semaphore(%arg12 : memref<!tpu.dma_semaphore, #tpu.memory_space<semaphore_mem>>)
      %dma_wait3A_270 = arith.constant 0 : i32
      %dma_wait3A_271 = arith.constant 0 : i32
      %dma_wait3A_272 = arith.constant 0 : i32
      %dma_wait3A_273 = tpu.memref_slice %arg9[%dma_wait3A_270, %dma_wait3A_271, %dma_wait3A_272] : memref<2x128x128xf32, #tpu.memory_space<vmem>> -> memref<1x128x128xf32, #tpu.memory_space<vmem>>
      %dma_wait3A_274 = tpu.memref_squeeze %dma_wait3A_273 : memref<1x128x128xf32, #tpu.memory_space<vmem>> -> memref<128x128xf32, #tpu.memory_space<vmem>>
      %dma_wait3A_275 = arith.constant 0 : i32
      %dma_wait3A_276 = arith.constant 0 : i32
      %dma_wait3A_277 = tpu.memref_slice %arg2[%dma_wait3A_275, %dma_wait3A_276] : memref<10000x128xf32, #tpu.memory_space<hbm>> -> memref<128x128xf32, #tpu.memory_space<hbm>>
      %dma_wait3A_278 = arith.constant 0 : i32
      %dma_wait3A_279 = arith.constant 0 : i32
      %dma_wait3A_280 = tpu.memref_slice %arg9[%dma_wait3A_270, %dma_wait3A_278, %dma_wait3A_279] : memref<2x128x128xf32, #tpu.memory_space<vmem>> -> memref<1x128x128xf32, #tpu.memory_space<vmem>>
      %dma_wait3A_281 = tpu.memref_squeeze %dma_wait3A_280 : memref<1x128x128xf32, #tpu.memory_space<vmem>> -> memref<128x128xf32, #tpu.memory_space<vmem>>
      %dma_wait3A_282 = arith.constant 0 : i32
      %dma_wait3A_283 = arith.constant 0 : i32
      %dma_wait3A_284 = tpu.memref_slice %arg2[%dma_wait3A_282, %dma_wait3A_283] : memref<10000x128xf32, #tpu.memory_space<hbm>> -> memref<128x128xf32, #tpu.memory_space<hbm>>
      tpu.wait_dma2 semaphore(%arg11 : memref<!tpu.dma_semaphore, #tpu.memory_space<semaphore_mem>>) src(%dma_wait3A_284 : memref<128x128xf32, #tpu.memory_space<hbm>>) dst(%dma_wait3A_281 : memref<128x128xf32, #tpu.memory_space<vmem>>)
      %dma_start3A_285 = arith.constant 0 : i32
      %dma_start3A_286 = arith.constant 0 : i32
      %dma_start3A_287 = arith.constant 0 : i32
      %dma_start3A_288 = tpu.memref_slice %arg9[%dma_start3A_285, %dma_start3A_286, %dma_start3A_287] : memref<2x128x128xf32, #tpu.memory_space<vmem>> -> memref<1x128x128xf32, #tpu.memory_space<vmem>>
      %dma_start3A_289 = tpu.memref_squeeze %dma_start3A_288 : memref<1x128x128xf32, #tpu.memory_space<vmem>> -> memref<128x128xf32, #tpu.memory_space<vmem>>
      %dma_start3A_290 = arith.constant 0 : i32
      %dma_start3A_291 = tpu.memref_slice %arg8[%select_n3A_242, %dma_start3A_290] : memref<16x128xi32, #tpu.memory_space<vmem>> -> memref<1x128xi32, #tpu.memory_space<vmem>>
      %dma_start3A_292 = tpu.memref_squeeze %dma_start3A_291 : memref<1x128xi32, #tpu.memory_space<vmem>> -> memref<128xi32, #tpu.memory_space<vmem>>
      %dma_start3A_293 = arith.constant 0 : i32
      %dma_start3A_294 = arith.constant 0 : i32
      %dma_start3A_295 = tpu.memref_slice %arg10[%dma_start3A_293, %dma_start3A_294] : memref<10112x128xf32, #tpu.memory_space<vmem_shared>> -> memref<10112x128xf32, #tpu.memory_space<vmem_shared>>
      tpu.enqueue_indirect_dma source(%dma_start3A_289 : memref<128x128xf32, #tpu.memory_space<vmem>>) target(%dma_start3A_295 : memref<10112x128xf32, #tpu.memory_space<vmem_shared>>) offsets(%dma_start3A_292 : memref<128xi32, #tpu.memory_space<vmem>>) semaphore(%arg13 : memref<!tpu.dma_semaphore, #tpu.memory_space<semaphore_mem>>) {add = true}
    }
    %while3A_39 = arith.constant 1 : i32
    scf.for %while3A_116 = %while3A_37 to %while3A_33 step %while3A_39  : i32 {
      %jit3A_117 = arith.constant 8 : i32
      %eq3A_118 = arith.constant 0 : i32
      %eq3A_119 = arith.cmpi eq, %jit3A_117, %eq3A_118 : i32
      %jit3A_120 = arith.constant 1 : i32
      %select_n3A_121 = arith.select %eq3A_119, %jit3A_120, %jit3A_117 : i32
      %rem3A_122 = arith.remsi %while3A_116, %select_n3A_121 : i32
      %ne3A_123 = arith.constant 0 : i32
      %ne3A_124 = arith.cmpi ne, %rem3A_122, %ne3A_123 : i32
      %lt3A_125 = arith.constant 0 : i32
      %lt3A_126 = arith.cmpi slt, %rem3A_122, %lt3A_125 : i32
      %lt3A_127 = arith.constant 0 : i32
      %lt3A_128 = arith.cmpi slt, %select_n3A_121, %lt3A_127 : i32
      %ne3A_129 = arith.xori %lt3A_126, %lt3A_128 : i1
      %and3A_130 = arith.andi %ne3A_129, %ne3A_124 : i1
      %add3A_131 = arith.addi %rem3A_122, %select_n3A_121 : i32
      %select_n3A_132 = arith.select %and3A_130, %add3A_131, %rem3A_122 : i32
      %mul3A_133 = arith.constant 2 : i32
      %mul3A_134 = arith.muli %mul3A_133, %select_n3A_132 : i32
      %add3A_135 = arith.constant 0 : i32
      %add3A_136 = arith.addi %mul3A_134, %add3A_135 : i32
      %add3A_137 = arith.constant 15 : i32
      %add3A_138 = arith.addi %add3A_136, %add3A_137 : i32
      %jit3A_139 = arith.constant 16 : i32
      %eq3A_140 = arith.constant 0 : i32
      %eq3A_141 = arith.cmpi eq, %jit3A_139, %eq3A_140 : i32
      %jit3A_142 = arith.constant 1 : i32
      %select_n3A_143 = arith.select %eq3A_141, %jit3A_142, %jit3A_139 : i32
      %rem3A_144 = arith.remsi %add3A_138, %select_n3A_143 : i32
      %ne3A_145 = arith.constant 0 : i32
      %ne3A_146 = arith.cmpi ne, %rem3A_144, %ne3A_145 : i32
      %lt3A_147 = arith.constant 0 : i32
      %lt3A_148 = arith.cmpi slt, %rem3A_144, %lt3A_147 : i32
      %lt3A_149 = arith.constant 0 : i32
      %lt3A_150 = arith.cmpi slt, %select_n3A_143, %lt3A_149 : i32
      %ne3A_151 = arith.xori %lt3A_148, %lt3A_150 : i1
      %and3A_152 = arith.andi %ne3A_151, %ne3A_146 : i1
      %add3A_153 = arith.addi %rem3A_144, %select_n3A_143 : i32
      %select_n3A_154 = arith.select %and3A_152, %add3A_153, %rem3A_144 : i32
      %jit3A_155 = arith.constant 4 : i32
      %eq3A_156 = arith.constant 0 : i32
      %eq3A_157 = arith.cmpi eq, %jit3A_155, %eq3A_156 : i32
      %jit3A_158 = arith.constant 1 : i32
      %select_n3A_159 = arith.select %eq3A_157, %jit3A_158, %jit3A_155 : i32
      %rem3A_160 = arith.remsi %while3A_116, %select_n3A_159 : i32
      %ne3A_161 = arith.constant 0 : i32
      %ne3A_162 = arith.cmpi ne, %rem3A_160, %ne3A_161 : i32
      %lt3A_163 = arith.constant 0 : i32
      %lt3A_164 = arith.cmpi slt, %rem3A_160, %lt3A_163 : i32
      %lt3A_165 = arith.constant 0 : i32
      %lt3A_166 = arith.cmpi slt, %select_n3A_159, %lt3A_165 : i32
      %ne3A_167 = arith.xori %lt3A_164, %lt3A_166 : i1
      %and3A_168 = arith.andi %ne3A_167, %ne3A_162 : i1
      %add3A_169 = arith.addi %rem3A_160, %select_n3A_159 : i32
      %select_n3A_170 = arith.select %and3A_168, %add3A_169, %rem3A_160 : i32
      %eq3A_171 = arith.constant 0 : i32
      %eq3A_172 = arith.cmpi eq, %select_n3A_170, %eq3A_171 : i32
      %convert_element_type3A = arith.extui %eq3A_172 : i1 to i32
      %cond3A = arith.constant 0 : i32
      %cond3A_173 = arith.cmpi ne, %convert_element_type3A, %cond3A : i32
      scf.if %cond3A_173 {
        %jit3A_296 = arith.constant 4 : i32
        %div3A_297 = arith.divsi %while3A_116, %jit3A_296 : i32
        %sign3A_298 = arith.constant 0 : i32
        %sign3A_299 = arith.cmpi sgt, %while3A_116, %sign3A_298 : i32
        %sign3A_300 = arith.extui %sign3A_299 : i1 to i32
        %sign3A_301 = arith.constant 0 : i32
        %sign3A_302 = arith.cmpi slt, %while3A_116, %sign3A_301 : i32
        %sign3A_303 = arith.extui %sign3A_302 : i1 to i32
        %sign3A_304 = arith.subi %sign3A_300, %sign3A_303 : i32
        %sign3A_305 = arith.constant 0 : i32
        %sign3A_306 = arith.cmpi sgt, %jit3A_296, %sign3A_305 : i32
        %sign3A_307 = arith.extui %sign3A_306 : i1 to i32
        %sign3A_308 = arith.constant 0 : i32
        %sign3A_309 = arith.cmpi slt, %jit3A_296, %sign3A_308 : i32
        %sign3A_310 = arith.extui %sign3A_309 : i1 to i32
        %sign3A_311 = arith.subi %sign3A_307, %sign3A_310 : i32
        %ne3A_312 = arith.cmpi ne, %sign3A_304, %sign3A_311 : i32
        %rem3A_313 = arith.remsi %while3A_116, %jit3A_296 : i32
        %ne3A_314 = arith.constant 0 : i32
        %ne3A_315 = arith.cmpi ne, %rem3A_313, %ne3A_314 : i32
        %and3A_316 = arith.andi %ne3A_312, %ne3A_315 : i1
        %sub3A_317 = arith.constant 1 : i32
        %sub3A_318 = arith.subi %div3A_297, %sub3A_317 : i32
        %select_n3A_319 = arith.select %and3A_316, %sub3A_318, %div3A_297 : i32
        %mul3A_320 = arith.constant 8 : i32
        %mul3A_321 = arith.muli %select_n3A_319, %mul3A_320 : i32
        %add3A_322 = arith.addi %add3A_7, %mul3A_321 : i32
        %jit3A_323 = arith.constant 4 : i32
        %div3A_324 = arith.divsi %while3A_116, %jit3A_323 : i32
        %sign3A_325 = arith.constant 0 : i32
        %sign3A_326 = arith.cmpi sgt, %while3A_116, %sign3A_325 : i32
        %sign3A_327 = arith.extui %sign3A_326 : i1 to i32
        %sign3A_328 = arith.constant 0 : i32
        %sign3A_329 = arith.cmpi slt, %while3A_116, %sign3A_328 : i32
        %sign3A_330 = arith.extui %sign3A_329 : i1 to i32
        %sign3A_331 = arith.subi %sign3A_327, %sign3A_330 : i32
        %sign3A_332 = arith.constant 0 : i32
        %sign3A_333 = arith.cmpi sgt, %jit3A_323, %sign3A_332 : i32
        %sign3A_334 = arith.extui %sign3A_333 : i1 to i32
        %sign3A_335 = arith.constant 0 : i32
        %sign3A_336 = arith.cmpi slt, %jit3A_323, %sign3A_335 : i32
        %sign3A_337 = arith.extui %sign3A_336 : i1 to i32
        %sign3A_338 = arith.subi %sign3A_334, %sign3A_337 : i32
        %ne3A_339 = arith.cmpi ne, %sign3A_331, %sign3A_338 : i32
        %rem3A_340 = arith.remsi %while3A_116, %jit3A_323 : i32
        %ne3A_341 = arith.constant 0 : i32
        %ne3A_342 = arith.cmpi ne, %rem3A_340, %ne3A_341 : i32
        %and3A_343 = arith.andi %ne3A_339, %ne3A_342 : i1
        %sub3A_344 = arith.constant 1 : i32
        %sub3A_345 = arith.subi %div3A_324, %sub3A_344 : i32
        %select_n3A_346 = arith.select %and3A_343, %sub3A_345, %div3A_324 : i32
        %jit3A_347 = arith.constant 2 : i32
        %eq3A_348 = arith.constant 0 : i32
        %eq3A_349 = arith.cmpi eq, %jit3A_347, %eq3A_348 : i32
        %jit3A_350 = arith.constant 1 : i32
        %select_n3A_351 = arith.select %eq3A_349, %jit3A_350, %jit3A_347 : i32
        %rem3A_352 = arith.remsi %select_n3A_346, %select_n3A_351 : i32
        %ne3A_353 = arith.constant 0 : i32
        %ne3A_354 = arith.cmpi ne, %rem3A_352, %ne3A_353 : i32
        %lt3A_355 = arith.constant 0 : i32
        %lt3A_356 = arith.cmpi slt, %rem3A_352, %lt3A_355 : i32
        %lt3A_357 = arith.constant 0 : i32
        %lt3A_358 = arith.cmpi slt, %select_n3A_351, %lt3A_357 : i32
        %ne3A_359 = arith.xori %lt3A_356, %lt3A_358 : i1
        %and3A_360 = arith.andi %ne3A_359, %ne3A_354 : i1
        %add3A_361 = arith.addi %rem3A_352, %select_n3A_351 : i32
        %select_n3A_362 = arith.select %and3A_360, %add3A_361, %rem3A_352 : i32
        %mul3A_363 = arith.constant 8 : i32
        %mul3A_364 = arith.muli %select_n3A_362, %mul3A_363 : i32
        "tpu.region"() ({
          %run_scoped3A = tpu.sem_alloc : memref<!tpu.dma_semaphore, #tpu.memory_space<semaphore_mem>>
          %dma_start3A_365 = arith.constant 0 : i32
          %dma_start3A_366 = tpu.memref_slice %arg7[%mul3A_364, %dma_start3A_365] : memref<16x128xi32, #tpu.memory_space<vmem>> -> memref<8x128xi32, #tpu.memory_space<vmem>>
          %dma_start3A_367 = arith.constant 0 : i32
          %dma_start3A_368 = tpu.memref_slice %arg3[%add3A_322, %dma_start3A_367] : memref<2560x128xi32, #tpu.memory_space<hbm>> -> memref<8x128xi32, #tpu.memory_space<hbm>>
          %dma_start3A_369 = arith.constant 0 : i32
          %dma_start3A_370 = tpu.memref_slice %arg7[%mul3A_364, %dma_start3A_369] : memref<16x128xi32, #tpu.memory_space<vmem>> -> memref<8x128xi32, #tpu.memory_space<vmem>>
          %dma_start3A_371 = arith.constant 0 : i32
          %dma_start3A_372 = tpu.memref_slice %arg3[%add3A_322, %dma_start3A_371] : memref<2560x128xi32, #tpu.memory_space<hbm>> -> memref<8x128xi32, #tpu.memory_space<hbm>>
          tpu.enqueue_dma source(%dma_start3A_372 : memref<8x128xi32, #tpu.memory_space<hbm>>) target(%dma_start3A_370 : memref<8x128xi32, #tpu.memory_space<vmem>>) target_semaphore(%run_scoped3A : memref<!tpu.dma_semaphore, #tpu.memory_space<semaphore_mem>>)
          %dma_wait3A_373 = arith.constant 0 : i32
          %dma_wait3A_374 = tpu.memref_slice %arg7[%mul3A_364, %dma_wait3A_373] : memref<16x128xi32, #tpu.memory_space<vmem>> -> memref<8x128xi32, #tpu.memory_space<vmem>>
          %dma_wait3A_375 = arith.constant 0 : i32
          %dma_wait3A_376 = tpu.memref_slice %arg3[%add3A_322, %dma_wait3A_375] : memref<2560x128xi32, #tpu.memory_space<hbm>> -> memref<8x128xi32, #tpu.memory_space<hbm>>
          %dma_wait3A_377 = arith.constant 0 : i32
          %dma_wait3A_378 = tpu.memref_slice %arg7[%mul3A_364, %dma_wait3A_377] : memref<16x128xi32, #tpu.memory_space<vmem>> -> memref<8x128xi32, #tpu.memory_space<vmem>>
          %dma_wait3A_379 = arith.constant 0 : i32
          %dma_wait3A_380 = tpu.memref_slice %arg3[%add3A_322, %dma_wait3A_379] : memref<2560x128xi32, #tpu.memory_space<hbm>> -> memref<8x128xi32, #tpu.memory_space<hbm>>
          tpu.wait_dma2 semaphore(%run_scoped3A : memref<!tpu.dma_semaphore, #tpu.memory_space<semaphore_mem>>) src(%dma_wait3A_380 : memref<8x128xi32, #tpu.memory_space<hbm>>) dst(%dma_wait3A_378 : memref<8x128xi32, #tpu.memory_space<vmem>>)
          tpu.yield
        }) : () -> ()
        "tpu.region"() ({
          %run_scoped3A = tpu.sem_alloc : memref<!tpu.dma_semaphore, #tpu.memory_space<semaphore_mem>>
          %dma_start3A_365 = arith.constant 0 : i32
          %dma_start3A_366 = tpu.memref_slice %arg8[%mul3A_364, %dma_start3A_365] : memref<16x128xi32, #tpu.memory_space<vmem>> -> memref<8x128xi32, #tpu.memory_space<vmem>>
          %dma_start3A_367 = arith.constant 0 : i32
          %dma_start3A_368 = tpu.memref_slice %arg4[%add3A_322, %dma_start3A_367] : memref<2560x128xi32, #tpu.memory_space<hbm>> -> memref<8x128xi32, #tpu.memory_space<hbm>>
          %dma_start3A_369 = arith.constant 0 : i32
          %dma_start3A_370 = tpu.memref_slice %arg8[%mul3A_364, %dma_start3A_369] : memref<16x128xi32, #tpu.memory_space<vmem>> -> memref<8x128xi32, #tpu.memory_space<vmem>>
          %dma_start3A_371 = arith.constant 0 : i32
          %dma_start3A_372 = tpu.memref_slice %arg4[%add3A_322, %dma_start3A_371] : memref<2560x128xi32, #tpu.memory_space<hbm>> -> memref<8x128xi32, #tpu.memory_space<hbm>>
          tpu.enqueue_dma source(%dma_start3A_372 : memref<8x128xi32, #tpu.memory_space<hbm>>) target(%dma_start3A_370 : memref<8x128xi32, #tpu.memory_space<vmem>>) target_semaphore(%run_scoped3A : memref<!tpu.dma_semaphore, #tpu.memory_space<semaphore_mem>>)
          %dma_wait3A_373 = arith.constant 0 : i32
          %dma_wait3A_374 = tpu.memref_slice %arg8[%mul3A_364, %dma_wait3A_373] : memref<16x128xi32, #tpu.memory_space<vmem>> -> memref<8x128xi32, #tpu.memory_space<vmem>>
          %dma_wait3A_375 = arith.constant 0 : i32
          %dma_wait3A_376 = tpu.memref_slice %arg4[%add3A_322, %dma_wait3A_375] : memref<2560x128xi32, #tpu.memory_space<hbm>> -> memref<8x128xi32, #tpu.memory_space<hbm>>
          %dma_wait3A_377 = arith.constant 0 : i32
          %dma_wait3A_378 = tpu.memref_slice %arg8[%mul3A_364, %dma_wait3A_377] : memref<16x128xi32, #tpu.memory_space<vmem>> -> memref<8x128xi32, #tpu.memory_space<vmem>>
          %dma_wait3A_379 = arith.constant 0 : i32
          %dma_wait3A_380 = tpu.memref_slice %arg4[%add3A_322, %dma_wait3A_379] : memref<2560x128xi32, #tpu.memory_space<hbm>> -> memref<8x128xi32, #tpu.memory_space<hbm>>
          tpu.wait_dma2 semaphore(%run_scoped3A : memref<!tpu.dma_semaphore, #tpu.memory_space<semaphore_mem>>) src(%dma_wait3A_380 : memref<8x128xi32, #tpu.memory_space<hbm>>) dst(%dma_wait3A_378 : memref<8x128xi32, #tpu.memory_space<vmem>>)
          tpu.yield
        }) : () -> ()
      } else {
      }
      %gt3A = arith.constant 0 : i32
      %gt3A_174 = arith.cmpi sgt, %while3A_116, %gt3A : i32
      %convert_element_type3A_175 = arith.extui %gt3A_174 : i1 to i32
      %cond3A_176 = arith.constant 0 : i32
      %cond3A_177 = arith.cmpi ne, %convert_element_type3A_175, %cond3A_176 : i32
      scf.if %cond3A_177 {
        %dma_wait3A_296 = arith.constant 0 : i32
        %dma_wait3A_297 = arith.constant 0 : i32
        %dma_wait3A_298 = arith.constant 0 : i32
        %dma_wait3A_299 = tpu.memref_slice %arg9[%dma_wait3A_296, %dma_wait3A_297, %dma_wait3A_298] : memref<2x128x128xf32, #tpu.memory_space<vmem>> -> memref<1x128x128xf32, #tpu.memory_space<vmem>>
        %dma_wait3A_300 = tpu.memref_squeeze %dma_wait3A_299 : memref<1x128x128xf32, #tpu.memory_space<vmem>> -> memref<128x128xf32, #tpu.memory_space<vmem>>
        %dma_wait3A_301 = arith.constant 0 : i32
        %dma_wait3A_302 = arith.constant 0 : i32
        %dma_wait3A_303 = tpu.memref_slice %arg2[%dma_wait3A_301, %dma_wait3A_302] : memref<10000x128xf32, #tpu.memory_space<hbm>> -> memref<128x128xf32, #tpu.memory_space<hbm>>
        %dma_wait3A_304 = arith.constant 0 : i32
        %dma_wait3A_305 = arith.constant 0 : i32
        %dma_wait3A_306 = tpu.memref_slice %arg9[%dma_wait3A_296, %dma_wait3A_304, %dma_wait3A_305] : memref<2x128x128xf32, #tpu.memory_space<vmem>> -> memref<1x128x128xf32, #tpu.memory_space<vmem>>
        %dma_wait3A_307 = tpu.memref_squeeze %dma_wait3A_306 : memref<1x128x128xf32, #tpu.memory_space<vmem>> -> memref<128x128xf32, #tpu.memory_space<vmem>>
        %dma_wait3A_308 = arith.constant 0 : i32
        %dma_wait3A_309 = arith.constant 0 : i32
        %dma_wait3A_310 = tpu.memref_slice %arg2[%dma_wait3A_308, %dma_wait3A_309] : memref<10000x128xf32, #tpu.memory_space<hbm>> -> memref<128x128xf32, #tpu.memory_space<hbm>>
        tpu.wait_dma2 semaphore(%arg13 : memref<!tpu.dma_semaphore, #tpu.memory_space<semaphore_mem>>) src(%dma_wait3A_310 : memref<128x128xf32, #tpu.memory_space<hbm>>) dst(%dma_wait3A_307 : memref<128x128xf32, #tpu.memory_space<vmem>>)
      } else {
      }
      %dma_start3A_178 = arith.constant 0 : i32
      %dma_start3A_179 = arith.constant 0 : i32
      %dma_start3A_180 = arith.constant 0 : i32
      %dma_start3A_181 = tpu.memref_slice %arg9[%dma_start3A_178, %dma_start3A_179, %dma_start3A_180] : memref<2x128x128xf32, #tpu.memory_space<vmem>> -> memref<1x64x128xf32, #tpu.memory_space<vmem>>
      %dma_start3A_182 = tpu.memref_squeeze %dma_start3A_181 : memref<1x64x128xf32, #tpu.memory_space<vmem>> -> memref<64x128xf32, #tpu.memory_space<vmem>>
      %dma_start3A_183 = arith.constant 0 : i32
      %dma_start3A_184 = tpu.memref_slice %arg7[%add3A_136, %dma_start3A_183] : memref<16x128xi32, #tpu.memory_space<vmem>> -> memref<1x64xi32, #tpu.memory_space<vmem>>
      %dma_start3A_185 = tpu.memref_squeeze %dma_start3A_184 : memref<1x64xi32, #tpu.memory_space<vmem>> -> memref<64xi32, #tpu.memory_space<vmem>>
      %dma_start3A_186 = arith.constant 0 : i32
      %dma_start3A_187 = arith.constant 0 : i32
      %dma_start3A_188 = tpu.memref_slice %arg2[%dma_start3A_186, %dma_start3A_187] : memref<10000x128xf32, #tpu.memory_space<hbm>> -> memref<10000x128xf32, #tpu.memory_space<hbm>>
      tpu.enqueue_indirect_dma source(%dma_start3A_188 : memref<10000x128xf32, #tpu.memory_space<hbm>>) target(%dma_start3A_182 : memref<64x128xf32, #tpu.memory_space<vmem>>) offsets(%dma_start3A_185 : memref<64xi32, #tpu.memory_space<vmem>>) semaphore(%arg11 : memref<!tpu.dma_semaphore, #tpu.memory_space<semaphore_mem>>)
      %dma_start3A_189 = arith.constant 0 : i32
      %dma_start3A_190 = arith.constant 64 : i32
      %dma_start3A_191 = arith.constant 0 : i32
      %dma_start3A_192 = tpu.memref_slice %arg9[%dma_start3A_189, %dma_start3A_190, %dma_start3A_191] : memref<2x128x128xf32, #tpu.memory_space<vmem>> -> memref<1x64x128xf32, #tpu.memory_space<vmem>>
      %dma_start3A_193 = tpu.memref_squeeze %dma_start3A_192 : memref<1x64x128xf32, #tpu.memory_space<vmem>> -> memref<64x128xf32, #tpu.memory_space<vmem>>
      %dma_start3A_194 = arith.constant 64 : i32
      %dma_start3A_195 = tpu.memref_slice %arg7[%add3A_136, %dma_start3A_194] : memref<16x128xi32, #tpu.memory_space<vmem>> -> memref<1x64xi32, #tpu.memory_space<vmem>>
      %dma_start3A_196 = tpu.memref_squeeze %dma_start3A_195 : memref<1x64xi32, #tpu.memory_space<vmem>> -> memref<64xi32, #tpu.memory_space<vmem>>
      %dma_start3A_197 = arith.constant 0 : i32
      %dma_start3A_198 = arith.constant 0 : i32
      %dma_start3A_199 = tpu.memref_slice %arg2[%dma_start3A_197, %dma_start3A_198] : memref<10000x128xf32, #tpu.memory_space<hbm>> -> memref<10000x128xf32, #tpu.memory_space<hbm>>
      tpu.enqueue_indirect_dma source(%dma_start3A_199 : memref<10000x128xf32, #tpu.memory_space<hbm>>) target(%dma_start3A_193 : memref<64x128xf32, #tpu.memory_space<vmem>>) offsets(%dma_start3A_196 : memref<64xi32, #tpu.memory_space<vmem>>) semaphore(%arg11 : memref<!tpu.dma_semaphore, #tpu.memory_space<semaphore_mem>>)
      %gt3A_200 = arith.constant 0 : i32
      %gt3A_201 = arith.cmpi sgt, %while3A_116, %gt3A_200 : i32
      %convert_element_type3A_202 = arith.extui %gt3A_201 : i1 to i32
      %cond3A_203 = arith.constant 0 : i32
      %cond3A_204 = arith.cmpi ne, %convert_element_type3A_202, %cond3A_203 : i32
      scf.if %cond3A_204 {
        %dma_wait3A_296 = arith.constant 1 : i32
        %dma_wait3A_297 = arith.constant 0 : i32
        %dma_wait3A_298 = arith.constant 0 : i32
        %dma_wait3A_299 = tpu.memref_slice %arg9[%dma_wait3A_296, %dma_wait3A_297, %dma_wait3A_298] : memref<2x128x128xf32, #tpu.memory_space<vmem>> -> memref<1x128x128xf32, #tpu.memory_space<vmem>>
        %dma_wait3A_300 = tpu.memref_squeeze %dma_wait3A_299 : memref<1x128x128xf32, #tpu.memory_space<vmem>> -> memref<128x128xf32, #tpu.memory_space<vmem>>
        %dma_wait3A_301 = arith.constant 0 : i32
        %dma_wait3A_302 = arith.constant 0 : i32
        %dma_wait3A_303 = tpu.memref_slice %arg2[%dma_wait3A_301, %dma_wait3A_302] : memref<10000x128xf32, #tpu.memory_space<hbm>> -> memref<128x128xf32, #tpu.memory_space<hbm>>
        %dma_wait3A_304 = arith.constant 0 : i32
        %dma_wait3A_305 = arith.constant 0 : i32
        %dma_wait3A_306 = tpu.memref_slice %arg9[%dma_wait3A_296, %dma_wait3A_304, %dma_wait3A_305] : memref<2x128x128xf32, #tpu.memory_space<vmem>> -> memref<1x128x128xf32, #tpu.memory_space<vmem>>
        %dma_wait3A_307 = tpu.memref_squeeze %dma_wait3A_306 : memref<1x128x128xf32, #tpu.memory_space<vmem>> -> memref<128x128xf32, #tpu.memory_space<vmem>>
        %dma_wait3A_308 = arith.constant 0 : i32
        %dma_wait3A_309 = arith.constant 0 : i32
        %dma_wait3A_310 = tpu.memref_slice %arg2[%dma_wait3A_308, %dma_wait3A_309] : memref<10000x128xf32, #tpu.memory_space<hbm>> -> memref<128x128xf32, #tpu.memory_space<hbm>>
        tpu.wait_dma2 semaphore(%arg12 : memref<!tpu.dma_semaphore, #tpu.memory_space<semaphore_mem>>) src(%dma_wait3A_310 : memref<128x128xf32, #tpu.memory_space<hbm>>) dst(%dma_wait3A_307 : memref<128x128xf32, #tpu.memory_space<vmem>>)
        %dma_start3A_311 = arith.constant 1 : i32
        %dma_start3A_312 = arith.constant 0 : i32
        %dma_start3A_313 = arith.constant 0 : i32
        %dma_start3A_314 = tpu.memref_slice %arg9[%dma_start3A_311, %dma_start3A_312, %dma_start3A_313] : memref<2x128x128xf32, #tpu.memory_space<vmem>> -> memref<1x128x128xf32, #tpu.memory_space<vmem>>
        %dma_start3A_315 = tpu.memref_squeeze %dma_start3A_314 : memref<1x128x128xf32, #tpu.memory_space<vmem>> -> memref<128x128xf32, #tpu.memory_space<vmem>>
        %dma_start3A_316 = arith.constant 0 : i32
        %dma_start3A_317 = tpu.memref_slice %arg8[%select_n3A_154, %dma_start3A_316] : memref<16x128xi32, #tpu.memory_space<vmem>> -> memref<1x128xi32, #tpu.memory_space<vmem>>
        %dma_start3A_318 = tpu.memref_squeeze %dma_start3A_317 : memref<1x128xi32, #tpu.memory_space<vmem>> -> memref<128xi32, #tpu.memory_space<vmem>>
        %dma_start3A_319 = arith.constant 0 : i32
        %dma_start3A_320 = arith.constant 0 : i32
        %dma_start3A_321 = tpu.memref_slice %arg10[%dma_start3A_319, %dma_start3A_320] : memref<10112x128xf32, #tpu.memory_space<vmem_shared>> -> memref<10112x128xf32, #tpu.memory_space<vmem_shared>>
        tpu.enqueue_indirect_dma source(%dma_start3A_315 : memref<128x128xf32, #tpu.memory_space<vmem>>) target(%dma_start3A_321 : memref<10112x128xf32, #tpu.memory_space<vmem_shared>>) offsets(%dma_start3A_318 : memref<128xi32, #tpu.memory_space<vmem>>) semaphore(%arg14 : memref<!tpu.dma_semaphore, #tpu.memory_space<semaphore_mem>>) {add = true}
      } else {
      }
      %jit3A_205 = arith.constant 8 : i32
      %eq3A_206 = arith.constant 0 : i32
      %eq3A_207 = arith.cmpi eq, %jit3A_205, %eq3A_206 : i32
      %jit3A_208 = arith.constant 1 : i32
      %select_n3A_209 = arith.select %eq3A_207, %jit3A_208, %jit3A_205 : i32
      %rem3A_210 = arith.remsi %while3A_116, %select_n3A_209 : i32
      %ne3A_211 = arith.constant 0 : i32
      %ne3A_212 = arith.cmpi ne, %rem3A_210, %ne3A_211 : i32
      %lt3A_213 = arith.constant 0 : i32
      %lt3A_214 = arith.cmpi slt, %rem3A_210, %lt3A_213 : i32
      %lt3A_215 = arith.constant 0 : i32
      %lt3A_216 = arith.cmpi slt, %select_n3A_209, %lt3A_215 : i32
      %ne3A_217 = arith.xori %lt3A_214, %lt3A_216 : i1
      %and3A_218 = arith.andi %ne3A_217, %ne3A_212 : i1
      %add3A_219 = arith.addi %rem3A_210, %select_n3A_209 : i32
      %select_n3A_220 = arith.select %and3A_218, %add3A_219, %rem3A_210 : i32
      %mul3A_221 = arith.constant 2 : i32
      %mul3A_222 = arith.muli %mul3A_221, %select_n3A_220 : i32
      %add3A_223 = arith.constant 1 : i32
      %add3A_224 = arith.addi %mul3A_222, %add3A_223 : i32
      %add3A_225 = arith.constant 15 : i32
      %add3A_226 = arith.addi %add3A_224, %add3A_225 : i32
      %jit3A_227 = arith.constant 16 : i32
      %eq3A_228 = arith.constant 0 : i32
      %eq3A_229 = arith.cmpi eq, %jit3A_227, %eq3A_228 : i32
      %jit3A_230 = arith.constant 1 : i32
      %select_n3A_231 = arith.select %eq3A_229, %jit3A_230, %jit3A_227 : i32
      %rem3A_232 = arith.remsi %add3A_226, %select_n3A_231 : i32
      %ne3A_233 = arith.constant 0 : i32
      %ne3A_234 = arith.cmpi ne, %rem3A_232, %ne3A_233 : i32
      %lt3A_235 = arith.constant 0 : i32
      %lt3A_236 = arith.cmpi slt, %rem3A_232, %lt3A_235 : i32
      %lt3A_237 = arith.constant 0 : i32
      %lt3A_238 = arith.cmpi slt, %select_n3A_231, %lt3A_237 : i32
      %ne3A_239 = arith.xori %lt3A_236, %lt3A_238 : i1
      %and3A_240 = arith.andi %ne3A_239, %ne3A_234 : i1
      %add3A_241 = arith.addi %rem3A_232, %select_n3A_231 : i32
      %select_n3A_242 = arith.select %and3A_240, %add3A_241, %rem3A_232 : i32
      %gt3A_243 = arith.constant 0 : i32
      %gt3A_244 = arith.cmpi sgt, %while3A_116, %gt3A_243 : i32
      %convert_element_type3A_245 = arith.extui %gt3A_244 : i1 to i32
      %cond3A_246 = arith.constant 0 : i32
      %cond3A_247 = arith.cmpi ne, %convert_element_type3A_245, %cond3A_246 : i32
      scf.if %cond3A_247 {
        %dma_wait3A_296 = arith.constant 1 : i32
        %dma_wait3A_297 = arith.constant 0 : i32
        %dma_wait3A_298 = arith.constant 0 : i32
        %dma_wait3A_299 = tpu.memref_slice %arg9[%dma_wait3A_296, %dma_wait3A_297, %dma_wait3A_298] : memref<2x128x128xf32, #tpu.memory_space<vmem>> -> memref<1x128x128xf32, #tpu.memory_space<vmem>>
        %dma_wait3A_300 = tpu.memref_squeeze %dma_wait3A_299 : memref<1x128x128xf32, #tpu.memory_space<vmem>> -> memref<128x128xf32, #tpu.memory_space<vmem>>
        %dma_wait3A_301 = arith.constant 0 : i32
        %dma_wait3A_302 = arith.constant 0 : i32
        %dma_wait3A_303 = tpu.memref_slice %arg2[%dma_wait3A_301, %dma_wait3A_302] : memref<10000x128xf32, #tpu.memory_space<hbm>> -> memref<128x128xf32, #tpu.memory_space<hbm>>
        %dma_wait3A_304 = arith.constant 0 : i32
        %dma_wait3A_305 = arith.constant 0 : i32
        %dma_wait3A_306 = tpu.memref_slice %arg9[%dma_wait3A_296, %dma_wait3A_304, %dma_wait3A_305] : memref<2x128x128xf32, #tpu.memory_space<vmem>> -> memref<1x128x128xf32, #tpu.memory_space<vmem>>
        %dma_wait3A_307 = tpu.memref_squeeze %dma_wait3A_306 : memref<1x128x128xf32, #tpu.memory_space<vmem>> -> memref<128x128xf32, #tpu.memory_space<vmem>>
        %dma_wait3A_308 = arith.constant 0 : i32
        %dma_wait3A_309 = arith.constant 0 : i32
        %dma_wait3A_310 = tpu.memref_slice %arg2[%dma_wait3A_308, %dma_wait3A_309] : memref<10000x128xf32, #tpu.memory_space<hbm>> -> memref<128x128xf32, #tpu.memory_space<hbm>>
        tpu.wait_dma2 semaphore(%arg14 : memref<!tpu.dma_semaphore, #tpu.memory_space<semaphore_mem>>) src(%dma_wait3A_310 : memref<128x128xf32, #tpu.memory_space<hbm>>) dst(%dma_wait3A_307 : memref<128x128xf32, #tpu.memory_space<vmem>>)
      } else {
      }
      %dma_start3A_248 = arith.constant 1 : i32
      %dma_start3A_249 = arith.constant 0 : i32
      %dma_start3A_250 = arith.constant 0 : i32
      %dma_start3A_251 = tpu.memref_slice %arg9[%dma_start3A_248, %dma_start3A_249, %dma_start3A_250] : memref<2x128x128xf32, #tpu.memory_space<vmem>> -> memref<1x64x128xf32, #tpu.memory_space<vmem>>
      %dma_start3A_252 = tpu.memref_squeeze %dma_start3A_251 : memref<1x64x128xf32, #tpu.memory_space<vmem>> -> memref<64x128xf32, #tpu.memory_space<vmem>>
      %dma_start3A_253 = arith.constant 0 : i32
      %dma_start3A_254 = tpu.memref_slice %arg7[%add3A_224, %dma_start3A_253] : memref<16x128xi32, #tpu.memory_space<vmem>> -> memref<1x64xi32, #tpu.memory_space<vmem>>
      %dma_start3A_255 = tpu.memref_squeeze %dma_start3A_254 : memref<1x64xi32, #tpu.memory_space<vmem>> -> memref<64xi32, #tpu.memory_space<vmem>>
      %dma_start3A_256 = arith.constant 0 : i32
      %dma_start3A_257 = arith.constant 0 : i32
      %dma_start3A_258 = tpu.memref_slice %arg2[%dma_start3A_256, %dma_start3A_257] : memref<10000x128xf32, #tpu.memory_space<hbm>> -> memref<10000x128xf32, #tpu.memory_space<hbm>>
      tpu.enqueue_indirect_dma source(%dma_start3A_258 : memref<10000x128xf32, #tpu.memory_space<hbm>>) target(%dma_start3A_252 : memref<64x128xf32, #tpu.memory_space<vmem>>) offsets(%dma_start3A_255 : memref<64xi32, #tpu.memory_space<vmem>>) semaphore(%arg12 : memref<!tpu.dma_semaphore, #tpu.memory_space<semaphore_mem>>)
      %dma_start3A_259 = arith.constant 1 : i32
      %dma_start3A_260 = arith.constant 64 : i32
      %dma_start3A_261 = arith.constant 0 : i32
      %dma_start3A_262 = tpu.memref_slice %arg9[%dma_start3A_259, %dma_start3A_260, %dma_start3A_261] : memref<2x128x128xf32, #tpu.memory_space<vmem>> -> memref<1x64x128xf32, #tpu.memory_space<vmem>>
      %dma_start3A_263 = tpu.memref_squeeze %dma_start3A_262 : memref<1x64x128xf32, #tpu.memory_space<vmem>> -> memref<64x128xf32, #tpu.memory_space<vmem>>
      %dma_start3A_264 = arith.constant 64 : i32
      %dma_start3A_265 = tpu.memref_slice %arg7[%add3A_224, %dma_start3A_264] : memref<16x128xi32, #tpu.memory_space<vmem>> -> memref<1x64xi32, #tpu.memory_space<vmem>>
      %dma_start3A_266 = tpu.memref_squeeze %dma_start3A_265 : memref<1x64xi32, #tpu.memory_space<vmem>> -> memref<64xi32, #tpu.memory_space<vmem>>
      %dma_start3A_267 = arith.constant 0 : i32
      %dma_start3A_268 = arith.constant 0 : i32
      %dma_start3A_269 = tpu.memref_slice %arg2[%dma_start3A_267, %dma_start3A_268] : memref<10000x128xf32, #tpu.memory_space<hbm>> -> memref<10000x128xf32, #tpu.memory_space<hbm>>
      tpu.enqueue_indirect_dma source(%dma_start3A_269 : memref<10000x128xf32, #tpu.memory_space<hbm>>) target(%dma_start3A_263 : memref<64x128xf32, #tpu.memory_space<vmem>>) offsets(%dma_start3A_266 : memref<64xi32, #tpu.memory_space<vmem>>) semaphore(%arg12 : memref<!tpu.dma_semaphore, #tpu.memory_space<semaphore_mem>>)
      %dma_wait3A_270 = arith.constant 0 : i32
      %dma_wait3A_271 = arith.constant 0 : i32
      %dma_wait3A_272 = arith.constant 0 : i32
      %dma_wait3A_273 = tpu.memref_slice %arg9[%dma_wait3A_270, %dma_wait3A_271, %dma_wait3A_272] : memref<2x128x128xf32, #tpu.memory_space<vmem>> -> memref<1x128x128xf32, #tpu.memory_space<vmem>>
      %dma_wait3A_274 = tpu.memref_squeeze %dma_wait3A_273 : memref<1x128x128xf32, #tpu.memory_space<vmem>> -> memref<128x128xf32, #tpu.memory_space<vmem>>
      %dma_wait3A_275 = arith.constant 0 : i32
      %dma_wait3A_276 = arith.constant 0 : i32
      %dma_wait3A_277 = tpu.memref_slice %arg2[%dma_wait3A_275, %dma_wait3A_276] : memref<10000x128xf32, #tpu.memory_space<hbm>> -> memref<128x128xf32, #tpu.memory_space<hbm>>
      %dma_wait3A_278 = arith.constant 0 : i32
      %dma_wait3A_279 = arith.constant 0 : i32
      %dma_wait3A_280 = tpu.memref_slice %arg9[%dma_wait3A_270, %dma_wait3A_278, %dma_wait3A_279] : memref<2x128x128xf32, #tpu.memory_space<vmem>> -> memref<1x128x128xf32, #tpu.memory_space<vmem>>
      %dma_wait3A_281 = tpu.memref_squeeze %dma_wait3A_280 : memref<1x128x128xf32, #tpu.memory_space<vmem>> -> memref<128x128xf32, #tpu.memory_space<vmem>>
      %dma_wait3A_282 = arith.constant 0 : i32
      %dma_wait3A_283 = arith.constant 0 : i32
      %dma_wait3A_284 = tpu.memref_slice %arg2[%dma_wait3A_282, %dma_wait3A_283] : memref<10000x128xf32, #tpu.memory_space<hbm>> -> memref<128x128xf32, #tpu.memory_space<hbm>>
      tpu.wait_dma2 semaphore(%arg11 : memref<!tpu.dma_semaphore, #tpu.memory_space<semaphore_mem>>) src(%dma_wait3A_284 : memref<128x128xf32, #tpu.memory_space<hbm>>) dst(%dma_wait3A_281 : memref<128x128xf32, #tpu.memory_space<vmem>>)
      %dma_start3A_285 = arith.constant 0 : i32
      %dma_start3A_286 = arith.constant 0 : i32
      %dma_start3A_287 = arith.constant 0 : i32
      %dma_start3A_288 = tpu.memref_slice %arg9[%dma_start3A_285, %dma_start3A_286, %dma_start3A_287] : memref<2x128x128xf32, #tpu.memory_space<vmem>> -> memref<1x128x128xf32, #tpu.memory_space<vmem>>
      %dma_start3A_289 = tpu.memref_squeeze %dma_start3A_288 : memref<1x128x128xf32, #tpu.memory_space<vmem>> -> memref<128x128xf32, #tpu.memory_space<vmem>>
      %dma_start3A_290 = arith.constant 0 : i32
      %dma_start3A_291 = tpu.memref_slice %arg8[%select_n3A_242, %dma_start3A_290] : memref<16x128xi32, #tpu.memory_space<vmem>> -> memref<1x128xi32, #tpu.memory_space<vmem>>
      %dma_start3A_292 = tpu.memref_squeeze %dma_start3A_291 : memref<1x128xi32, #tpu.memory_space<vmem>> -> memref<128xi32, #tpu.memory_space<vmem>>
      %dma_start3A_293 = arith.constant 0 : i32
      %dma_start3A_294 = arith.constant 0 : i32
      %dma_start3A_295 = tpu.memref_slice %arg10[%dma_start3A_293, %dma_start3A_294] : memref<10112x128xf32, #tpu.memory_space<vmem_shared>> -> memref<10112x128xf32, #tpu.memory_space<vmem_shared>>
      tpu.enqueue_indirect_dma source(%dma_start3A_289 : memref<128x128xf32, #tpu.memory_space<vmem>>) target(%dma_start3A_295 : memref<10112x128xf32, #tpu.memory_space<vmem_shared>>) offsets(%dma_start3A_292 : memref<128xi32, #tpu.memory_space<vmem>>) semaphore(%arg13 : memref<!tpu.dma_semaphore, #tpu.memory_space<semaphore_mem>>) {add = true}
    }
    %dma_wait3A = arith.constant 1 : i32
    %dma_wait3A_40 = arith.constant 0 : i32
    %dma_wait3A_41 = arith.constant 0 : i32
    %dma_wait3A_42 = tpu.memref_slice %arg9[%dma_wait3A, %dma_wait3A_40, %dma_wait3A_41] : memref<2x128x128xf32, #tpu.memory_space<vmem>> -> memref<1x128x128xf32, #tpu.memory_space<vmem>>
    %dma_wait3A_43 = tpu.memref_squeeze %dma_wait3A_42 : memref<1x128x128xf32, #tpu.memory_space<vmem>> -> memref<128x128xf32, #tpu.memory_space<vmem>>
    %dma_wait3A_44 = arith.constant 0 : i32
    %dma_wait3A_45 = arith.constant 0 : i32
    %dma_wait3A_46 = tpu.memref_slice %arg2[%dma_wait3A_44, %dma_wait3A_45] : memref<10000x128xf32, #tpu.memory_space<hbm>> -> memref<128x128xf32, #tpu.memory_space<hbm>>
    %dma_wait3A_47 = arith.constant 0 : i32
    %dma_wait3A_48 = arith.constant 0 : i32
    %dma_wait3A_49 = tpu.memref_slice %arg9[%dma_wait3A, %dma_wait3A_47, %dma_wait3A_48] : memref<2x128x128xf32, #tpu.memory_space<vmem>> -> memref<1x128x128xf32, #tpu.memory_space<vmem>>
    %dma_wait3A_50 = tpu.memref_squeeze %dma_wait3A_49 : memref<1x128x128xf32, #tpu.memory_space<vmem>> -> memref<128x128xf32, #tpu.memory_space<vmem>>
    %dma_wait3A_51 = arith.constant 0 : i32
    %dma_wait3A_52 = arith.constant 0 : i32
    %dma_wait3A_53 = tpu.memref_slice %arg2[%dma_wait3A_51, %dma_wait3A_52] : memref<10000x128xf32, #tpu.memory_space<hbm>> -> memref<128x128xf32, #tpu.memory_space<hbm>>
    tpu.wait_dma2 semaphore(%arg12 : memref<!tpu.dma_semaphore, #tpu.memory_space<semaphore_mem>>) src(%dma_wait3A_53 : memref<128x128xf32, #tpu.memory_space<hbm>>) dst(%dma_wait3A_50 : memref<128x128xf32, #tpu.memory_space<vmem>>)
    %sub3A_54 = arith.constant 1 : i32
    %sub3A_55 = arith.subi %select_n3A_12, %sub3A_54 : i32
    %jit3A_56 = arith.constant 16 : i32
    %eq3A_57 = arith.constant 0 : i32
    %eq3A_58 = arith.cmpi eq, %jit3A_56, %eq3A_57 : i32
    %jit3A_59 = arith.constant 1 : i32
    %select_n3A_60 = arith.select %eq3A_58, %jit3A_59, %jit3A_56 : i32
    %rem3A_61 = arith.remsi %sub3A_55, %select_n3A_60 : i32
    %ne3A_62 = arith.constant 0 : i32
    %ne3A_63 = arith.cmpi ne, %rem3A_61, %ne3A_62 : i32
    %lt3A = arith.constant 0 : i32
    %lt3A_64 = arith.cmpi slt, %rem3A_61, %lt3A : i32
    %lt3A_65 = arith.constant 0 : i32
    %lt3A_66 = arith.cmpi slt, %select_n3A_60, %lt3A_65 : i32
    %ne3A_67 = arith.xori %lt3A_64, %lt3A_66 : i1
    %and3A_68 = arith.andi %ne3A_67, %ne3A_63 : i1
    %add3A_69 = arith.addi %rem3A_61, %select_n3A_60 : i32
    %select_n3A_70 = arith.select %and3A_68, %add3A_69, %rem3A_61 : i32
    %dma_start3A = arith.constant 1 : i32
    %dma_start3A_71 = arith.constant 0 : i32
    %dma_start3A_72 = arith.constant 0 : i32
    %dma_start3A_73 = tpu.memref_slice %arg9[%dma_start3A, %dma_start3A_71, %dma_start3A_72] : memref<2x128x128xf32, #tpu.memory_space<vmem>> -> memref<1x128x128xf32, #tpu.memory_space<vmem>>
    %dma_start3A_74 = tpu.memref_squeeze %dma_start3A_73 : memref<1x128x128xf32, #tpu.memory_space<vmem>> -> memref<128x128xf32, #tpu.memory_space<vmem>>
    %dma_start3A_75 = arith.constant 0 : i32
    %dma_start3A_76 = tpu.memref_slice %arg8[%select_n3A_70, %dma_start3A_75] : memref<16x128xi32, #tpu.memory_space<vmem>> -> memref<1x128xi32, #tpu.memory_space<vmem>>
    %dma_start3A_77 = tpu.memref_squeeze %dma_start3A_76 : memref<1x128xi32, #tpu.memory_space<vmem>> -> memref<128xi32, #tpu.memory_space<vmem>>
    %dma_start3A_78 = arith.constant 0 : i32
    %dma_start3A_79 = arith.constant 0 : i32
    %dma_start3A_80 = tpu.memref_slice %arg10[%dma_start3A_78, %dma_start3A_79] : memref<10112x128xf32, #tpu.memory_space<vmem_shared>> -> memref<10112x128xf32, #tpu.memory_space<vmem_shared>>
    tpu.enqueue_indirect_dma source(%dma_start3A_74 : memref<128x128xf32, #tpu.memory_space<vmem>>) target(%dma_start3A_80 : memref<10112x128xf32, #tpu.memory_space<vmem_shared>>) offsets(%dma_start3A_77 : memref<128xi32, #tpu.memory_space<vmem>>) semaphore(%arg14 : memref<!tpu.dma_semaphore, #tpu.memory_space<semaphore_mem>>) {add = true}
    %dma_wait3A_81 = arith.constant 0 : i32
    %dma_wait3A_82 = arith.constant 0 : i32
    %dma_wait3A_83 = arith.constant 0 : i32
    %dma_wait3A_84 = tpu.memref_slice %arg9[%dma_wait3A_81, %dma_wait3A_82, %dma_wait3A_83] : memref<2x128x128xf32, #tpu.memory_space<vmem>> -> memref<1x128x128xf32, #tpu.memory_space<vmem>>
    %dma_wait3A_85 = tpu.memref_squeeze %dma_wait3A_84 : memref<1x128x128xf32, #tpu.memory_space<vmem>> -> memref<128x128xf32, #tpu.memory_space<vmem>>
    %dma_wait3A_86 = arith.constant 0 : i32
    %dma_wait3A_87 = arith.constant 0 : i32
    %dma_wait3A_88 = tpu.memref_slice %arg2[%dma_wait3A_86, %dma_wait3A_87] : memref<10000x128xf32, #tpu.memory_space<hbm>> -> memref<128x128xf32, #tpu.memory_space<hbm>>
    %dma_wait3A_89 = arith.constant 0 : i32
    %dma_wait3A_90 = arith.constant 0 : i32
    %dma_wait3A_91 = tpu.memref_slice %arg9[%dma_wait3A_81, %dma_wait3A_89, %dma_wait3A_90] : memref<2x128x128xf32, #tpu.memory_space<vmem>> -> memref<1x128x128xf32, #tpu.memory_space<vmem>>
    %dma_wait3A_92 = tpu.memref_squeeze %dma_wait3A_91 : memref<1x128x128xf32, #tpu.memory_space<vmem>> -> memref<128x128xf32, #tpu.memory_space<vmem>>
    %dma_wait3A_93 = arith.constant 0 : i32
    %dma_wait3A_94 = arith.constant 0 : i32
    %dma_wait3A_95 = tpu.memref_slice %arg2[%dma_wait3A_93, %dma_wait3A_94] : memref<10000x128xf32, #tpu.memory_space<hbm>> -> memref<128x128xf32, #tpu.memory_space<hbm>>
    tpu.wait_dma2 semaphore(%arg13 : memref<!tpu.dma_semaphore, #tpu.memory_space<semaphore_mem>>) src(%dma_wait3A_95 : memref<128x128xf32, #tpu.memory_space<hbm>>) dst(%dma_wait3A_92 : memref<128x128xf32, #tpu.memory_space<vmem>>)
    %dma_wait3A_96 = arith.constant 1 : i32
    %dma_wait3A_97 = arith.constant 0 : i32
    %dma_wait3A_98 = arith.constant 0 : i32
    %dma_wait3A_99 = tpu.memref_slice %arg9[%dma_wait3A_96, %dma_wait3A_97, %dma_wait3A_98] : memref<2x128x128xf32, #tpu.memory_space<vmem>> -> memref<1x128x128xf32, #tpu.memory_space<vmem>>
    %dma_wait3A_100 = tpu.memref_squeeze %dma_wait3A_99 : memref<1x128x128xf32, #tpu.memory_space<vmem>> -> memref<128x128xf32, #tpu.memory_space<vmem>>
    %dma_wait3A_101 = arith.constant 0 : i32
    %dma_wait3A_102 = arith.constant 0 : i32
    %dma_wait3A_103 = tpu.memref_slice %arg2[%dma_wait3A_101, %dma_wait3A_102] : memref<10000x128xf32, #tpu.memory_space<hbm>> -> memref<128x128xf32, #tpu.memory_space<hbm>>
    %dma_wait3A_104 = arith.constant 0 : i32
    %dma_wait3A_105 = arith.constant 0 : i32
    %dma_wait3A_106 = tpu.memref_slice %arg9[%dma_wait3A_96, %dma_wait3A_104, %dma_wait3A_105] : memref<2x128x128xf32, #tpu.memory_space<vmem>> -> memref<1x128x128xf32, #tpu.memory_space<vmem>>
    %dma_wait3A_107 = tpu.memref_squeeze %dma_wait3A_106 : memref<1x128x128xf32, #tpu.memory_space<vmem>> -> memref<128x128xf32, #tpu.memory_space<vmem>>
    %dma_wait3A_108 = arith.constant 0 : i32
    %dma_wait3A_109 = arith.constant 0 : i32
    %dma_wait3A_110 = tpu.memref_slice %arg2[%dma_wait3A_108, %dma_wait3A_109] : memref<10000x128xf32, #tpu.memory_space<hbm>> -> memref<128x128xf32, #tpu.memory_space<hbm>>
    tpu.wait_dma2 semaphore(%arg14 : memref<!tpu.dma_semaphore, #tpu.memory_space<semaphore_mem>>) src(%dma_wait3A_110 : memref<128x128xf32, #tpu.memory_space<hbm>>) dst(%dma_wait3A_107 : memref<128x128xf32, #tpu.memory_space<vmem>>)
    %barrier3A_111 = arith.constant 0 : index
    tpu.barrier barrier_id(%barrier3A_111)
    %mul3A_112 = arith.constant 632 : i32
    %mul3A_113 = arith.muli %arg1, %mul3A_112 : i32
    %mul3A_114 = arith.constant 632 : i32
    %mul3A_115 = arith.muli %arg1, %mul3A_114 : i32
    "tpu.region"() ({
      %run_scoped3A = tpu.sem_alloc : memref<!tpu.dma_semaphore, #tpu.memory_space<semaphore_mem>>
      %dma_start3A_116 = arith.constant 0 : i32
      %dma_start3A_117 = tpu.memref_slice %arg6[%arg0, %mul3A_115, %dma_start3A_116] : memref<2x10112x128xf32, #tpu.memory_space<hbm>> -> memref<1x632x128xf32, #tpu.memory_space<hbm>>
      %dma_start3A_118 = tpu.memref_squeeze %dma_start3A_117 : memref<1x632x128xf32, #tpu.memory_space<hbm>> -> memref<632x128xf32, #tpu.memory_space<hbm>>
      %dma_start3A_119 = arith.constant 0 : i32
      %dma_start3A_120 = tpu.memref_slice %arg10[%mul3A_113, %dma_start3A_119] : memref<10112x128xf32, #tpu.memory_space<vmem_shared>> -> memref<632x128xf32, #tpu.memory_space<vmem_shared>>
      tpu.enqueue_dma source(%dma_start3A_120 : memref<632x128xf32, #tpu.memory_space<vmem_shared>>) target(%dma_start3A_118 : memref<632x128xf32, #tpu.memory_space<hbm>>) target_semaphore(%run_scoped3A : memref<!tpu.dma_semaphore, #tpu.memory_space<semaphore_mem>>)
      %dma_wait3A_121 = arith.constant 0 : i32
      %dma_wait3A_122 = tpu.memref_slice %arg6[%arg0, %mul3A_115, %dma_wait3A_121] : memref<2x10112x128xf32, #tpu.memory_space<hbm>> -> memref<1x632x128xf32, #tpu.memory_space<hbm>>
      %dma_wait3A_123 = tpu.memref_squeeze %dma_wait3A_122 : memref<1x632x128xf32, #tpu.memory_space<hbm>> -> memref<632x128xf32, #tpu.memory_space<hbm>>
      %dma_wait3A_124 = arith.constant 0 : i32
      %dma_wait3A_125 = tpu.memref_slice %arg10[%mul3A_113, %dma_wait3A_124] : memref<10112x128xf32, #tpu.memory_space<vmem_shared>> -> memref<632x128xf32, #tpu.memory_space<vmem_shared>>
      tpu.wait_dma2 semaphore(%run_scoped3A : memref<!tpu.dma_semaphore, #tpu.memory_space<semaphore_mem>>) src(%dma_wait3A_125 : memref<632x128xf32, #tpu.memory_space<vmem_shared>>) dst(%dma_wait3A_123 : memref<632x128xf32, #tpu.memory_space<hbm>>)
      tpu.yield
    }) : () -> ()
    return
  }
}

module attributes {stable_mosaic.version = 14 : i64} {
  func.func @_dense_body(%arg0: i32, %arg1: memref<1x2000x128xf32, #tpu.memory_space<vmem>>, %arg2: memref<1x2000x128xf32, #tpu.memory_space<vmem>>, %arg3: memref<1x2000x128xf32, #tpu.memory_space<vmem>>, %arg4: memref<1x2000x128xf32, #tpu.memory_space<vmem>>, %arg5: memref<2000x128xf32, #tpu.memory_space<vmem>>, %arg6: memref<128x128xf32, #tpu.memory_space<vmem>>, %arg7: memref<128x128xf32, #tpu.memory_space<vmem>>, %arg8: memref<1x128xf32, #tpu.memory_space<vmem>>, %arg9: memref<2000x128xf32, #tpu.memory_space<vmem>>) attributes {dimension_semantics = [#tpu.dimension_semantics<arbitrary>], iteration_bounds = array<i64: 5>, scalar_prefetch = 0 : i64, scratch_operands = 0 : i64, tpu.core_type = #tpu.core_type<tc>, window_params = [{transform_indices = @transform_0, window_bounds = array<i64: 1, 2000, 128>}, {transform_indices = @transform_1, window_bounds = array<i64: 1, 2000, 128>}, {transform_indices = @transform_2, window_bounds = array<i64: 1, 2000, 128>}, {transform_indices = @transform_3, window_bounds = array<i64: 1, 2000, 128>}, {transform_indices = @transform_4, window_bounds = array<i64: 2000, 128>}, {pipeline_mode = #tpu.pipeline_mode<synchronous>, transform_indices = @transform_5, window_bounds = array<i64: 128, 128>}, {pipeline_mode = #tpu.pipeline_mode<synchronous>, transform_indices = @transform_6, window_bounds = array<i64: 128, 128>}, {pipeline_mode = #tpu.pipeline_mode<synchronous>, transform_indices = @transform_7, window_bounds = array<i64: 1, 128>}, {transform_indices = @transform_8, window_bounds = array<i64: 2000, 128>}]} {
    %get3A = arith.constant 0 : index
    %get3A_0 = arith.constant 0 : index
    %get3A_1 = arith.constant 0 : index
    %get3A_2 = vector.load %arg3[%get3A, %get3A_0, %get3A_1] : memref<1x2000x128xf32, #tpu.memory_space<vmem>>, vector<1x2000x1xf32>
    %get3A_3 = vector.shape_cast %get3A_2 : vector<1x2000x1xf32> to vector<2000x1xf32>
    %get3A_4 = arith.constant 0 : index
    %get3A_5 = arith.constant 0 : index
    %get3A_6 = arith.constant 0 : index
    %get3A_7 = vector.load %arg4[%get3A_4, %get3A_5, %get3A_6] : memref<1x2000x128xf32, #tpu.memory_space<vmem>>, vector<1x2000x1xf32>
    %get3A_8 = vector.shape_cast %get3A_7 : vector<1x2000x1xf32> to vector<2000x1xf32>
    %add3A = arith.addf %get3A_3, %get3A_8 : vector<2000x1xf32>
    %get3A_9 = arith.constant 0 : index
    %get3A_10 = arith.constant 0 : index
    %get3A_11 = arith.constant 0 : index
    %get3A_12 = vector.load %arg1[%get3A_9, %get3A_10, %get3A_11] : memref<1x2000x128xf32, #tpu.memory_space<vmem>>, vector<1x2000x128xf32>
    %get3A_13 = vector.shape_cast %get3A_12 : vector<1x2000x128xf32> to vector<2000x128xf32>
    %get3A_14 = arith.constant 0 : index
    %get3A_15 = arith.constant 0 : index
    %get3A_16 = arith.constant 0 : index
    %get3A_17 = vector.load %arg2[%get3A_14, %get3A_15, %get3A_16] : memref<1x2000x128xf32, #tpu.memory_space<vmem>>, vector<1x2000x128xf32>
    %get3A_18 = vector.shape_cast %get3A_17 : vector<1x2000x128xf32> to vector<2000x128xf32>
    %add3A_19 = arith.addf %get3A_13, %get3A_18 : vector<2000x128xf32>
    %max3A = arith.constant 1.000000e+00 : f32
    %max3A_20 = vector.broadcast %max3A : f32 to vector<2000x1xf32>
    %max3A_21 = arith.maximumf %add3A, %max3A_20 : vector<2000x1xf32>
    %div3A = vector.broadcast %max3A_21 : vector<2000x1xf32> to vector<2000x128xf32>
    %div3A_22 = arith.divf %add3A_19, %div3A : vector<2000x128xf32>
    %get3A_23 = arith.constant 0 : index
    %get3A_24 = arith.constant 0 : index
    %get3A_25 = vector.load %arg6[%get3A_23, %get3A_24] : memref<128x128xf32, #tpu.memory_space<vmem>>, vector<128x128xf32>
    %dot_general3A = arith.constant dense<0.000000e+00> : vector<2000x128xf32>
    %dot_general3A_26 = tpu.matmul %div3A_22, %get3A_25, %dot_general3A {dimension_numbers = #tpu.dot_dimension_numbers<[1], [0], [0], [1], [0, 0, 1, 1], [], []>, transpose_lhs_hint = false} : vector<2000x128xf32>, vector<128x128xf32>, vector<2000x128xf32> -> vector<2000x128xf32>
    %get3A_27 = arith.constant 0 : index
    %get3A_28 = arith.constant 0 : index
    %get3A_29 = vector.load %arg5[%get3A_27, %get3A_28] : memref<2000x128xf32, #tpu.memory_space<vmem>>, vector<2000x128xf32>
    %get3A_30 = arith.constant 0 : index
    %get3A_31 = arith.constant 0 : index
    %get3A_32 = vector.load %arg7[%get3A_30, %get3A_31] : memref<128x128xf32, #tpu.memory_space<vmem>>, vector<128x128xf32>
    %dot_general3A_33 = arith.constant dense<0.000000e+00> : vector<2000x128xf32>
    %dot_general3A_34 = tpu.matmul %get3A_29, %get3A_32, %dot_general3A_33 {dimension_numbers = #tpu.dot_dimension_numbers<[1], [0], [0], [1], [0, 0, 1, 1], [], []>, transpose_lhs_hint = false} : vector<2000x128xf32>, vector<128x128xf32>, vector<2000x128xf32> -> vector<2000x128xf32>
    %add3A_35 = arith.addf %dot_general3A_26, %dot_general3A_34 : vector<2000x128xf32>
    %get3A_36 = arith.constant 0 : index
    %get3A_37 = arith.constant 0 : index
    %get3A_38 = vector.load %arg8[%get3A_36, %get3A_37] : memref<1x128xf32, #tpu.memory_space<vmem>>, vector<1x128xf32>
    %add3A_39 = vector.broadcast %get3A_38 : vector<1x128xf32> to vector<2000x128xf32>
    %add3A_40 = arith.addf %add3A_35, %add3A_39 : vector<2000x128xf32>
    %max3A_41 = arith.constant 0.000000e+00 : f32
    %max3A_42 = vector.broadcast %max3A_41 : f32 to vector<2000x128xf32>
    %max3A_43 = arith.maximumf %add3A_40, %max3A_42 : vector<2000x128xf32>
    %swap3A = arith.constant 0 : index
    %swap3A_44 = arith.constant 0 : index
    %swap3A_45 = vector.load %arg9[%swap3A, %swap3A_44] : memref<2000x128xf32, #tpu.memory_space<vmem>>, vector<2000x128xf32>
    tpu.vector_store %arg9[%swap3A, %swap3A_44], %max3A_43 {strides = array<i32>} : memref<2000x128xf32, #tpu.memory_space<vmem>>, vector<2000x128xf32>,
    return
  }
  func.func @transform_0(%arg0: i32) -> (i32, i32, i32) {
    %c0_i32 = arith.constant 0 : i32
    %c0_i32_0 = arith.constant 0 : i32
    %c0_i32_1 = arith.constant 0 : i32
    return %c0_i32, %arg0, %c0_i32_0 : i32, i32, i32
  }
  func.func @transform_1(%arg0: i32) -> (i32, i32, i32) {
    %c1_i32 = arith.constant 1 : i32
    %c0_i32 = arith.constant 0 : i32
    %c0_i32_0 = arith.constant 0 : i32
    return %c1_i32, %arg0, %c0_i32 : i32, i32, i32
  }
  func.func @transform_2(%arg0: i32) -> (i32, i32, i32) {
    %c0_i32 = arith.constant 0 : i32
    %c0_i32_0 = arith.constant 0 : i32
    %c0_i32_1 = arith.constant 0 : i32
    return %c0_i32, %arg0, %c0_i32_0 : i32, i32, i32
  }
  func.func @transform_3(%arg0: i32) -> (i32, i32, i32) {
    %c1_i32 = arith.constant 1 : i32
    %c0_i32 = arith.constant 0 : i32
    %c0_i32_0 = arith.constant 0 : i32
    return %c1_i32, %arg0, %c0_i32 : i32, i32, i32
  }
  func.func @transform_4(%arg0: i32) -> (i32, i32) {
    %c0_i32 = arith.constant 0 : i32
    %c0_i32_0 = arith.constant 0 : i32
    return %arg0, %c0_i32 : i32, i32
  }
  func.func @transform_5(%arg0: i32) -> (i32, i32) {
    %c0_i32 = arith.constant 0 : i32
    %c0_i32_0 = arith.constant 0 : i32
    %c0_i32_1 = arith.constant 0 : i32
    return %c0_i32, %c0_i32_0 : i32, i32
  }
  func.func @transform_6(%arg0: i32) -> (i32, i32) {
    %c0_i32 = arith.constant 0 : i32
    %c0_i32_0 = arith.constant 0 : i32
    %c0_i32_1 = arith.constant 0 : i32
    return %c0_i32, %c0_i32_0 : i32, i32
  }
  func.func @transform_7(%arg0: i32) -> (i32, i32) {
    %c0_i32 = arith.constant 0 : i32
    %c0_i32_0 = arith.constant 0 : i32
    %c0_i32_1 = arith.constant 0 : i32
    return %c0_i32, %c0_i32_0 : i32, i32
  }
  func.func @transform_8(%arg0: i32) -> (i32, i32) {
    %c0_i32 = arith.constant 0 : i32
    %c0_i32_0 = arith.constant 0 : i32
    return %arg0, %c0_i32 : i32, i32
  }
}

module attributes {stable_mosaic.version = 14 : i64} {
  func.func @_dense_body(%arg0: i32, %arg1: memref<1x2000x128xf32, #tpu.memory_space<vmem>>, %arg2: memref<1x2000x128xf32, #tpu.memory_space<vmem>>, %arg3: memref<1x2000x128xf32, #tpu.memory_space<vmem>>, %arg4: memref<1x2000x128xf32, #tpu.memory_space<vmem>>, %arg5: memref<2000x128xf32, #tpu.memory_space<vmem>>, %arg6: memref<128x128xf32, #tpu.memory_space<vmem>>, %arg7: memref<128x128xf32, #tpu.memory_space<vmem>>, %arg8: memref<1x128xf32, #tpu.memory_space<vmem>>, %arg9: memref<2000x128xf32, #tpu.memory_space<vmem>>) attributes {dimension_semantics = [#tpu.dimension_semantics<arbitrary>], iteration_bounds = array<i64: 5>, scalar_prefetch = 0 : i64, scratch_operands = 0 : i64, tpu.core_type = #tpu.core_type<tc>, window_params = [{transform_indices = @transform_0, window_bounds = array<i64: 1, 2000, 128>}, {transform_indices = @transform_1, window_bounds = array<i64: 1, 2000, 128>}, {transform_indices = @transform_2, window_bounds = array<i64: 1, 2000, 128>}, {transform_indices = @transform_3, window_bounds = array<i64: 1, 2000, 128>}, {transform_indices = @transform_4, window_bounds = array<i64: 2000, 128>}, {pipeline_mode = #tpu.pipeline_mode<synchronous>, transform_indices = @transform_5, window_bounds = array<i64: 128, 128>}, {pipeline_mode = #tpu.pipeline_mode<synchronous>, transform_indices = @transform_6, window_bounds = array<i64: 128, 128>}, {pipeline_mode = #tpu.pipeline_mode<synchronous>, transform_indices = @transform_7, window_bounds = array<i64: 1, 128>}, {transform_indices = @transform_8, window_bounds = array<i64: 2000, 128>}]} {
    %get3A = arith.constant 0 : index
    %get3A_0 = arith.constant 0 : index
    %get3A_1 = arith.constant 0 : index
    %get3A_2 = vector.load %arg3[%get3A, %get3A_0, %get3A_1] : memref<1x2000x128xf32, #tpu.memory_space<vmem>>, vector<1x2000x1xf32>
    %get3A_3 = vector.shape_cast %get3A_2 : vector<1x2000x1xf32> to vector<2000x1xf32>
    %get3A_4 = arith.constant 0 : index
    %get3A_5 = arith.constant 0 : index
    %get3A_6 = arith.constant 0 : index
    %get3A_7 = vector.load %arg4[%get3A_4, %get3A_5, %get3A_6] : memref<1x2000x128xf32, #tpu.memory_space<vmem>>, vector<1x2000x1xf32>
    %get3A_8 = vector.shape_cast %get3A_7 : vector<1x2000x1xf32> to vector<2000x1xf32>
    %add3A = arith.addf %get3A_3, %get3A_8 : vector<2000x1xf32>
    %get3A_9 = arith.constant 0 : index
    %get3A_10 = arith.constant 0 : index
    %get3A_11 = arith.constant 0 : index
    %get3A_12 = vector.load %arg1[%get3A_9, %get3A_10, %get3A_11] : memref<1x2000x128xf32, #tpu.memory_space<vmem>>, vector<1x2000x128xf32>
    %get3A_13 = vector.shape_cast %get3A_12 : vector<1x2000x128xf32> to vector<2000x128xf32>
    %get3A_14 = arith.constant 0 : index
    %get3A_15 = arith.constant 0 : index
    %get3A_16 = arith.constant 0 : index
    %get3A_17 = vector.load %arg2[%get3A_14, %get3A_15, %get3A_16] : memref<1x2000x128xf32, #tpu.memory_space<vmem>>, vector<1x2000x128xf32>
    %get3A_18 = vector.shape_cast %get3A_17 : vector<1x2000x128xf32> to vector<2000x128xf32>
    %add3A_19 = arith.addf %get3A_13, %get3A_18 : vector<2000x128xf32>
    %max3A = arith.constant 1.000000e+00 : f32
    %max3A_20 = vector.broadcast %max3A : f32 to vector<2000x1xf32>
    %max3A_21 = arith.maximumf %add3A, %max3A_20 : vector<2000x1xf32>
    %div3A = vector.broadcast %max3A_21 : vector<2000x1xf32> to vector<2000x128xf32>
    %div3A_22 = arith.divf %add3A_19, %div3A : vector<2000x128xf32>
    %get3A_23 = arith.constant 0 : index
    %get3A_24 = arith.constant 0 : index
    %get3A_25 = vector.load %arg6[%get3A_23, %get3A_24] : memref<128x128xf32, #tpu.memory_space<vmem>>, vector<128x128xf32>
    %dot_general3A = arith.constant dense<0.000000e+00> : vector<2000x128xf32>
    %dot_general3A_26 = tpu.matmul %div3A_22, %get3A_25, %dot_general3A {dimension_numbers = #tpu.dot_dimension_numbers<[1], [0], [0], [1], [0, 0, 1, 1], [], []>, transpose_lhs_hint = false} : vector<2000x128xf32>, vector<128x128xf32>, vector<2000x128xf32> -> vector<2000x128xf32>
    %get3A_27 = arith.constant 0 : index
    %get3A_28 = arith.constant 0 : index
    %get3A_29 = vector.load %arg5[%get3A_27, %get3A_28] : memref<2000x128xf32, #tpu.memory_space<vmem>>, vector<2000x128xf32>
    %get3A_30 = arith.constant 0 : index
    %get3A_31 = arith.constant 0 : index
    %get3A_32 = vector.load %arg7[%get3A_30, %get3A_31] : memref<128x128xf32, #tpu.memory_space<vmem>>, vector<128x128xf32>
    %dot_general3A_33 = arith.constant dense<0.000000e+00> : vector<2000x128xf32>
    %dot_general3A_34 = tpu.matmul %get3A_29, %get3A_32, %dot_general3A_33 {dimension_numbers = #tpu.dot_dimension_numbers<[1], [0], [0], [1], [0, 0, 1, 1], [], []>, transpose_lhs_hint = false} : vector<2000x128xf32>, vector<128x128xf32>, vector<2000x128xf32> -> vector<2000x128xf32>
    %add3A_35 = arith.addf %dot_general3A_26, %dot_general3A_34 : vector<2000x128xf32>
    %get3A_36 = arith.constant 0 : index
    %get3A_37 = arith.constant 0 : index
    %get3A_38 = vector.load %arg8[%get3A_36, %get3A_37] : memref<1x128xf32, #tpu.memory_space<vmem>>, vector<1x128xf32>
    %add3A_39 = vector.broadcast %get3A_38 : vector<1x128xf32> to vector<2000x128xf32>
    %add3A_40 = arith.addf %add3A_35, %add3A_39 : vector<2000x128xf32>
    %swap3A = arith.constant 0 : index
    %swap3A_41 = arith.constant 0 : index
    %swap3A_42 = vector.load %arg9[%swap3A, %swap3A_41] : memref<2000x128xf32, #tpu.memory_space<vmem>>, vector<2000x128xf32>
    tpu.vector_store %arg9[%swap3A, %swap3A_41], %add3A_40 {strides = array<i32>} : memref<2000x128xf32, #tpu.memory_space<vmem>>, vector<2000x128xf32>,
    return
  }
  func.func @transform_0(%arg0: i32) -> (i32, i32, i32) {
    %c0_i32 = arith.constant 0 : i32
    %c0_i32_0 = arith.constant 0 : i32
    %c0_i32_1 = arith.constant 0 : i32
    return %c0_i32, %arg0, %c0_i32_0 : i32, i32, i32
  }
  func.func @transform_1(%arg0: i32) -> (i32, i32, i32) {
    %c1_i32 = arith.constant 1 : i32
    %c0_i32 = arith.constant 0 : i32
    %c0_i32_0 = arith.constant 0 : i32
    return %c1_i32, %arg0, %c0_i32 : i32, i32, i32
  }
  func.func @transform_2(%arg0: i32) -> (i32, i32, i32) {
    %c0_i32 = arith.constant 0 : i32
    %c0_i32_0 = arith.constant 0 : i32
    %c0_i32_1 = arith.constant 0 : i32
    return %c0_i32, %arg0, %c0_i32_0 : i32, i32, i32
  }
  func.func @transform_3(%arg0: i32) -> (i32, i32, i32) {
    %c1_i32 = arith.constant 1 : i32
    %c0_i32 = arith.constant 0 : i32
    %c0_i32_0 = arith.constant 0 : i32
    return %c1_i32, %arg0, %c0_i32 : i32, i32, i32
  }
  func.func @transform_4(%arg0: i32) -> (i32, i32) {
    %c0_i32 = arith.constant 0 : i32
    %c0_i32_0 = arith.constant 0 : i32
    return %arg0, %c0_i32 : i32, i32
  }
  func.func @transform_5(%arg0: i32) -> (i32, i32) {
    %c0_i32 = arith.constant 0 : i32
    %c0_i32_0 = arith.constant 0 : i32
    %c0_i32_1 = arith.constant 0 : i32
    return %c0_i32, %c0_i32_0 : i32, i32
  }
  func.func @transform_6(%arg0: i32) -> (i32, i32) {
    %c0_i32 = arith.constant 0 : i32
    %c0_i32_0 = arith.constant 0 : i32
    %c0_i32_1 = arith.constant 0 : i32
    return %c0_i32, %c0_i32_0 : i32, i32
  }
  func.func @transform_7(%arg0: i32) -> (i32, i32) {
    %c0_i32 = arith.constant 0 : i32
    %c0_i32_0 = arith.constant 0 : i32
    %c0_i32_1 = arith.constant 0 : i32
    return %c0_i32, %c0_i32_0 : i32, i32
  }
  func.func @transform_8(%arg0: i32) -> (i32, i32) {
    %c0_i32 = arith.constant 0 : i32
    %c0_i32_0 = arith.constant 0 : i32
    return %arg0, %c0_i32 : i32, i32
  }
}

</mosaic_0001>

<sc_bundles>
// kernel: kernel.10.cloned.1.call-start
scs
__scs_entry_jumppad:
0x0: {  	(pc) =	sbr.rel $0x88, $3  }
0x1: {  	(tag) =	ssettag $0x0;
	lr =	simm.s32 $0x1  }
0x2: {  	[smem:$0x3F99] =	sst lr;
	_ =	strace $0xD0000000  }
0x3: {  	_ = 	snop  }
0x4: {  	_ = 	snop  }
0x5: {  	_ = 	snop  }
0x6: {  	_ = 	snop  }
0x7: {  	_ = 	snop  }
__scs_overlays_trampoline_lowered:
0x8: {  	[smem:$0x3FA8] =	sst s0  }
0x9: {  	[smem:$0x3FA9] =	sst s1  }
0xa: {  	[smem:$0x3FAA] =	sst s2  }
0xb: {  	[smem:$0x3FAB] =	sst s3  }
0xc: {  	[smem:$0x3FAC] =	sst s4  }
0xd: {  	[smem:$0x3FAD] =	sst s5  }
0xe: {  	[smem:$0x3FAE] =	sst s6  }
0xf: {  	[smem:$0x3FAF] =	sst s7  }
0x10: {  	[smem:$0x3FB0] =	sst s8  }
0x11: {  	[smem:$0x3FB1] =	sst s9;
	s0 =	simm.s32 @!p0 $0x0  }
0x12: {  	s1 =	sld [smem:$0x3F97];
	s0 =	simm.s32 @p0 $0x1  }
0x13: {  	[smem:$0x3FB2] =	sst s0;
	s0 =	simm.s32 @!p1 $0x0  }
0x14: {  	s2 =	sld [smem:$0x3F96];
	s0 =	simm.s32 @p1 $0x1  }
0x15: {  	[smem:$0x3FB3] =	sst s0;
	s0 =	simm.s32 @!p2 $0x0  }
0x16: {  	s3 =	sld [smem:$0x3FDB];
	s0 =	simm.s32 @p2 $0x1  }
0x17: {  	s4 =	simm.s32 $0x1BF5;
	[smem:$0x3FB5] =	sst s0  }
0x18: {  	s0 =	sld [smem:$0x3F98];
	_ =	swait.ge [sflag:s4], $0x0  }
0x19: {  	s7 =	sld [smem:$0x3F99]  }
0x1a: {  	s8 =	sadd.s32 $0xFFFFE003, lr  }
0x1b: {  	s9 =	sadd.s32 $0xFFFFFEF7, lr;
	s5 =	simm.s32 $0xFFFFFFFF;
	p2 =	slt.u32 s8, $0xFFFFF086  }
0x1c: {  	p1 =	slt.u32 s9, $0xF7A;
	s5 =	simm.s32 @!p2 $0x0  }
0x1d: {  	s5 =	simm.s32 @p1 $0x1;
	p0 =	seq.s32 s7, s2  }
0x1e: {  	s7 =	smul.u32 @!p0 $0xF7A, s2;
	p2 =	seq.s32 @!p0 s5, $0x0  }
0x1f: {  	s9 =	smul.u32 $0xF7A, s1;
	s8 =	simm.s32 @!p0 $0x1BF5;
	p2 =	por !p2, p0  }
0x20: {  	[sflag:s8] =	ssyncset.s32 @!p0 $0xFFFFF086;
	s6 =	sadd.s32 @!p0 s3, s7;
	s7 =	simm.s32 @!p0 $0x108  }
0x21: {  	s3 =	sadd.s32 s3, s9;
	s6 =	sadd.s32 @!p0 $0x88, s6;
	s7 =	simm.s32 @p2 $0x1082  }
0x22: {  	[simem:s7], [sflag:s8] =	dma.local @!p0 [hbm:s6], $0xF7A  }
0x23: {  	s9 =	sor.u32 $0xD0000000, s2;
	s6 =	simm.s32 $0x108;
	_ =	swait.ge @!p0 [sflag:s8], $0x0  }
0x24: {  	s3 =	sadd.s32 $0x88, s3;
	s6 =	simm.s32 @!p1 $0x1082;
	[sflag:s4] =	ssyncset.s32 $0xFFFFF086  }
0x25: {  	[simem:s6], [sflag:s4] =	dma.local [hbm:s3], $0xF7A  }
0x26: {  	[smem:$0x3F99] =	sst s1;
	(tag) =	ssettag s2;
	_ =	strace s9  }
0x27: {  	s1 =	sld [smem:$0x3FA9]  }
0x28: {  	s2 =	sld [smem:$0x3FAA]  }
0x29: {  	s4 =	sld [smem:$0x3FAC]  }
0x2a: {  	p0 =	seq.s32 s5, $0x0;
	s5 =	sld [smem:$0x3FAD]  }
0x2b: {  	s6 =	sld [smem:$0x3FAE]  }
0x2c: {  	s7 =	sld [smem:$0x3FAF]  }
0x2d: {  	s3 =	simm.s32 $0x108;
	s8 =	sld [smem:$0x3FB0]  }
0x2e: {  	s3 =	simm.s32 @!p0 $0x1082;
	s9 =	sld [smem:$0x3FB1]  }
0x2f: {  	lr =	sadd.s32 s0, s3;
	s0 =	sld [smem:$0x3FA8]  }
0x30: {  	s3 =	sld [smem:$0x3FAB]  }
0x31: {  	[smem:$0x3FB4] =	sst s10  }
0x32: {  	s10 =	sld [smem:$0x3FB2];
	_ =	sdelay $0x3  }
0x33: {  	p0 =	seq.s32 s10, $0x1;
	s10 =	sld [smem:$0x3FB4];
	_ =	sdelay $0x3  }
0x34: {  	[smem:$0x3FB4] =	sst s10  }
0x35: {  	s10 =	sld [smem:$0x3FB3];
	_ =	sdelay $0x3  }
0x36: {  	p1 =	seq.s32 s10, $0x1;
	s10 =	sld [smem:$0x3FB4];
	_ =	sdelay $0x3  }
0x37: {  	[smem:$0x3FB4] =	sst s10  }
0x38: {  	s10 =	sld [smem:$0x3FB5]  }
0x39: {  	_ = 	snop;
	(pc) =	sbr.ind lr, $3  }
0x3a: {  	_ = 	snop  }
0x3b: {  	_ = 	snop  }
0x3c: {  	p2 =	seq.s32 s10, $0x1;
	s10 =	sld [smem:$0x3FB4]  }
0x3d: {  	_ =	shalt  }
0x3e: {  	_ =	shalt  }
0x3f: {  	_ =	shalt  }
0x40: {  	_ =	shalt  }
0x41: {  	_ =	shalt  }
0x42: {  	_ =	shalt  }
0x43: {  	_ =	shalt  }
0x44: {  	_ =	shalt  }
0x45: {  	_ =	shalt  }
0x46: {  	_ =	shalt  }
0x47: {  	_ =	shalt  }
0x48: {  	_ =	shalt  }
0x49: {  	_ =	shalt  }
0x4a: {  	_ =	shalt  }
0x4b: {  	_ =	shalt  }
0x4c: {  	_ =	shalt  }
0x4d: {  	_ =	shalt  }
0x4e: {  	_ =	shalt  }
0x4f: {  	_ =	shalt  }
0x50: {  	_ =	shalt  }
0x51: {  	_ =	shalt  }
0x52: {  	_ =	shalt  }
0x53: {  	_ =	shalt  }
0x54: {  	_ =	shalt  }
0x55: {  	_ =	shalt  }
0x56: {  	_ =	shalt  }
0x57: {  	_ =	shalt  }
0x58: {  	_ =	shalt  }
0x59: {  	_ =	shalt  }
0x5a: {  	_ =	shalt  }
0x5b: {  	_ =	shalt  }
0x5c: {  	_ =	shalt  }
0x5d: {  	_ =	shalt  }
0x5e: {  	_ =	shalt  }
0x5f: {  	_ =	shalt  }
0x60: {  	_ =	shalt  }
0x61: {  	_ =	shalt  }
0x62: {  	_ =	shalt  }
0x63: {  	_ =	shalt  }
0x64: {  	_ =	shalt  }
0x65: {  	_ =	shalt  }
0x66: {  	_ =	shalt  }
0x67: {  	_ =	shalt  }
0x68: {  	_ =	shalt  }
0x69: {  	_ =	shalt  }
0x6a: {  	_ =	shalt  }
0x6b: {  	_ =	shalt  }
0x6c: {  	_ =	shalt  }
0x6d: {  	_ =	shalt  }
0x6e: {  	_ =	shalt  }
0x6f: {  	_ =	shalt  }
0x70: {  	_ =	shalt  }
0x71: {  	_ =	shalt  }
0x72: {  	_ =	shalt  }
0x73: {  	_ =	shalt  }
0x74: {  	_ =	shalt  }
0x75: {  	_ =	shalt  }
0x76: {  	_ =	shalt  }
0x77: {  	_ =	shalt  }
0x78: {  	_ =	shalt  }
0x79: {  	_ =	shalt  }
0x7a: {  	_ =	shalt  }
0x7b: {  	_ =	shalt  }
0x7c: {  	_ =	shalt  }
0x7d: {  	_ =	shalt  }
0x7e: {  	_ =	shalt  }
0x7f: {  	_ =	shalt  }
0x80: {  	_ =	shalt  }
0x81: {  	_ =	shalt  }
0x82: {  	_ =	shalt  }
0x83: {  	_ =	shalt  }
0x84: {  	_ =	shalt  }
0x85: {  	_ =	shalt  }
0x86: {  	_ =	shalt  }
0x87: {  	_ =	shalt  }
.Lfunc_end0:
.L_simem_size_0:
called_computation.1_lowered:
.L_overlay_start_0:
0x88: {  	s2 =	sld [smem:$0x3FD9]  }
0x89: {  	s3 =	sld [smem:$0x3FFE];
	_ =	sdelay $0x1  }
0x8a: {  	s1 =	srdreg.scid  }
0x8b: {  	s0 =	sand.u32 $0x1, s1  }
0x8c: {  	s17 =	sshll.u32 s0, $0xA;
	s2 =	sadd.s32 s3, s2  }
0x8d: {  	s2 =	sadd.s32 s2, s17  }
0x8e: {  	[smem:$0x3FC0] =	sst s2  }
0x8f: {  	_ = 	snop  }
0x90: {  	s2 =	sld [smem:$0x3FC9];
	(tm) =	ssettm $0x1  }
0x91: {  	s18 =	sld [smem:$0x3FFB];
	_ =	sdelay $0x3  }
0x92: {  	_ =	strace s18  }
0x93: {  	s3 =	sld [smem:$0x3FFC];
	_ =	sdelay $0x3  }
0x94: {  	_ =	strace s3  }
0x95: {  	s3 =	sld [smem:$0x3FFD];
	_ =	sdelay $0x3  }
0x96: {  	_ =	strace s3  }
0x97: {  	_ =	strace $0x8FFFFFFF  }
0x98: {  	s19 =	sld [smem:$0x3FDB];
	_ =	sdelay $0x1  }
0x99: {  	s4 =	simm.s32 $_scs_section_size  }
0x9a: {  	s5 =	simm.s32 $_size__tile_overlayer_lowered;
	s6 =	simm.s32 $_tile_overlayer_lowered  }
0x9b: {  	s22 =	simm.s32 $0x1BFF;
	s21 =	sshll.u32 s6, $0x1;
	s3 =	sadd.s32 s4, s19  }
0x9c: {  	s7 =	simm.s32 $0x0;
	s20 =	sshll.u32 s5, $0x1;
	s5 =	sadd.s32 s21, s3  }
0x9d: {  	[timem:s7], [sflag:s22] =	dma.local [hbm:s5], s20  }
0x9e: {  	_ =	swait.ge [sflag:s22], s20  }
0x9f: {  	s4 =	ssub.s32 $0x0, s20;
	[sflag:s22] =	ssyncset.done $0x0  }
0xa0: {  	[sflag:s22] =	ssyncadd.s32 s4;
	_ =	sdelay $0x1  }
0xa1: {  	s23 =	simm.s32 $0x1B8B  }
0xa2: {  	_ =	swait.ge [sflag:s23], $0x1  }
0xa3: {  	[sflag:s23] =	ssyncset.done $0x0  }
0xa4: {  	s25 =	simm.s32 $0x1B8E;
	s24 =	sld [smem:$0x3FFE];
	[sflag:s23] =	ssyncadd.s32 $0xFFFFFFFF  }
0xa5: {  	s26 =	simm.s32 $execute0_lowered;
	[smem:$0x3FD2] =	sst s25  }
0xa6: {  	s5 =	sshll.u32 s26, $0x1;
	_ =	strace $0x80000046;
	[dreg:$0x1] =	wrdreg $0xFFFFFFFF  }
0xa7: {  	s28 =	simm.s32 $_size_execute0_lowered;
	s3 =	sadd.s32 s3, s5;
	[dreg:$0x0] =	wrdreg $0x0  }
0xa8: {  	s5 =	sshll.u32 s28, $0x1;
	[dreg:$0x2] =	wrdreg s3  }
0xa9: {  	[dreg:$0x3] =	wrdreg s5  }
0xaa: {  	[dreg:$0x4] =	wrdreg $0xC0  }
0xab: {  	_ =	task [dreg:s7], $0x5FFFF  }
0xac: {  	[dreg:$0x1] =	wrdreg $0xFFFFFFFF  }
0xad: {  	[dreg:$0x0] =	wrdreg $0x60  }
0xae: {  	[dreg:$0x2] =	wrdreg s2  }
0xaf: {  	[dreg:$0x3] =	wrdreg s24  }
0xb0: {  	[dreg:$0x4] =	wrdreg $0x90000  }
0xb1: {  	[dreg:$0x5] =	wrdreg $0xA  }
0xb2: {  	_ =	task.clear_ibuf [dreg:s7], $0x6FFFF;
	_ =	strace $0x90000046  }
0xb3: {  	s29 =	simm.s32 $0xA;
	_ =	strace $0x80000048  }
0xb4: {  	_ =	swait.ge [sflag:s29], $0x1  }
0xb5: {  	[sflag:s29] =	ssyncadd.s32 $0xFFFFFFFF  }
0xb6: {  	_ =	strace $0x90000048  }
0xb7: {  	_ =	sfence  }
0xb8: {  	s30 =	sld [smem:$0x0];
	_ =	sdelay $0x2  }
0xb9: {  	s31 =	sshll.u32 s1, $0xD;
	s1 =	sshrl.u32 s1, $0x2  }
0xba: {  	s3 =	sand.u32 $0x4000, s31;
	s1 =	sadd.s32 s1, s30  }
0xbb: {  	s0 =	sor.u32 s3, s0;
	s1 =	sshll.u32 s1, $0x11  }
0xbc: {  	s0 =	sor.u32 s1, s0  }
0xbd: {  	s0 =	sadd.s32 $0x8F2B, s0  }
0xbe: {  	[sflag:s0] =	ssyncadd.remote.s32 $0x1  }
0xbf: {  	_ =	sfence.sel $0xFFFF  }
0xc0: {  	[dreg:$0x0] =	wrdreg $0xFFFFFFFF;
	(pc) =	sbr.abs _section_cstart, $3  }
0xc1: {  	[dreg:$0x1] =	wrdreg $0xFFFFFFFF  }
0xc2: {  	_ =	task.clear_ibuf [dreg:s7], $0x2FFFF;
	_ =	strace $0x9FFFFFFF  }
0xc3: {  	(tm) =	ssettm $0x7FFFFFFF  }
tec
execute0_lowered:
.L_overlay_start_1:
0x0: {  	(tag) =	ssettag $0x1  }
0x1: {  	s1 =	rddreg [dreg:$0x0]  }
0x2: {  	s8 =	rddreg [dreg:$0x1]  }
0x3: {  	s2 =	rddreg [dreg:$0x2];
	s3 =	srdreg.scid;
	s4 =	simm.s32 $0x0  }
0x4: {  	s0 =	stileid.u32;
	s15 =	simm.s32 $0x5;
	s16 =	simm.s32 $0x800  }
0x5: {  	s17 =	simm.s32 $0x1000;
	s18 =	simm.s32 $0x3000;
	s19 =	simm.s32 $0x80  }
0x6: {  	s20 =	simm.s32 $0x5000;
	s22 =	simm.s32 $0x7000;
	s23 =	simm.s32 $0x3  }
0x7: {  	s24 =	simm.s32 $0x2;
	s29 =	simm.s32 $0x0;
	s10 =	smul.u32 $0x13C00, s0  }
0x8: {  	s9 =	sand.u32 $0x1, s3;
	[smem:$0x7FF] =	sst s4;
	s12 =	smul.u32 $0x4F000, s0  }
0x9: {  	s5 =	sadd.s32 $0xC200, s8;
	s6 =	sadd.s32 $0x2200, s8;
	s28 =	smul.u32 $0xA0, s0  }
0xa: {  	s26 =	sshll.u32 s0, $0x6;
	s7 =	smul.u32 $0x13C000, s9;
	_ =	strace $0x80000047  }
0xb: {  	s11 =	ssub.s32 $0x2, s9;
	p0 =	seq.s32 s9, $0x0;
	s9 =	sshll.u32 s9, $0x7  }
0xc: {  	s13 =	sshrl.u32 s11, $0x1;
	s25 =	sshrl.u32 s12, $0x2;
	s12 =	sadd.s32 s9, s28  }
0xd: {  	s9 =	simm.s32 $0x40;
	s10 =	sadd.s32 s10, s7;
	s7 =	sadd.s32 $0x16200, s8  }
0xe: {  	s11 =	ssub.s32 s11, s13;
	s14 =	sadd.s32 s25, s2;
	s13 =	simm.s32 $0x40  }
0xf: {  	s30 =	sshrl.u32 s12, $0x3;
	s31 =	sshll.u32 s12, $0x4;
	s25 =	simm.s32 $0x4  }
0x10: {  	s10 =	sshrl.u32 s10, $0x3;
	s13 =	simm.s32 @!p0 $0x10;
	[dreg:$0x4] =	wrdreg s30  }
0x11: {  	s11 =	smax.u32 s11, $0x1;
	s12 =	sadd.s32 s5, s31;
	s14 =	sshrl.u32 s14, $0x3  }
0x12: {  	s10 =	sadd.s32 s10, s8;
	s8 =	sor.u32 $0x1C05, s26;
	[dreg:$0x5] =	wrdreg s13  }
0x13: {  	s13 =	sadd.s32 s6, s31;
	s26 =	simm.s32 $0x1;
	s10 =	sadd.s32 $0x18A00, s10  }
.LBB2_1:
0x14: {  	[spmem:s14], [sflag:s8] =	dma.local [hbm:s7], $0x2780  }
0x15: {  	_ =	swait.ge [sflag:s15], $0x2780  }
0x16: {  	[sflag:s15] =	ssyncset.done $0x0  }
0x17: {  	[sflag:s15] =	ssyncadd.s32 $0xFFFFD880  }
0x18: {  	[bflag:$0x0] =	sbarrier.arrive $0xFFFF  }
0x19: {  	[tilespmem:s4], [sflag:$0x5] =	stream.linear.gather [hbm4b:s12+s4], $0x400, $0x38;
	[tilespmem:$0x1CC00] =	vst v63  }
0x1a: {  	_ =	swait.ge [sflag:s15], $0x400  }
0x1b: {  	[sflag:s15] =	ssyncset.done $0x0  }
0x1c: {  	[sflag:s15] =	ssyncadd.s32 $0xFFFFFC00  }
0x1d: {  	[tilespmem:s16], [sflag:$0x5] =	stream.linear.gather [hbm4b:s13+s4], $0x400, $0x38;
	[tilespmem:$0x1CC00] =	vst v63  }
0x1e: {  	_ =	swait.ge [sflag:s15], $0x400  }
0x1f: {  	[sflag:s15] =	ssyncset.done $0x0  }
0x20: {  	[sflag:s15] =	ssyncadd.s32 $0xFFFFFC00  }
0x21: {  	[tilespmem:s17], [sflag:$0x1] =	stream.indirect.gather [hbm4b:s1+s9], $0x80, s4, s9, $0xb8;
	[tilespmem:$0x1CC00] =	vst v63  }
0x22: {  	_ = 	snop  }
0x23: {  	[tilespmem:s18], [sflag:$0x1] =	stream.indirect.gather [hbm4b:s1+s9], $0x80, s9, s9, $0xb8;
	[tilespmem:$0x1CC00] =	vst v63  }
0x24: {  	_ = 	snop  }
0x25: {  	[tilespmem:s20], [sflag:$0x2] =	stream.indirect.gather [hbm4b:s1+s9], $0x80, s19, s9, $0xb8;
	[tilespmem:$0x1CC00] =	vst v63  }
0x26: {  	s0 =	simm.s32 $0xC0  }
0x27: {  	[tilespmem:s22], [sflag:$0x2] =	stream.indirect.gather [hbm4b:s1+s9], $0x80, s0, s9, $0xb8;
	[tilespmem:$0x1CC00] =	vst v63  }
0x28: {  	_ =	swait.ge [sflag:s26], $0x4000  }
0x29: {  	[sflag:s26] =	ssyncset.done $0x0  }
0x2a: {  	s30 =	simm.s32 $0x100;
	s31 =	simm.s32 $0x1;
	[sflag:s26] =	ssyncadd.s32 $0xFFFFC000  }
0x2b: {  	[spmem:s2] =	stream.indirect.scatter.add.f32 [tilespmem:s17], [sflag:$0x3], $0x80, s16, s19, $0xb8;
	[tilespmem:$0x1CC00] =	vst v63  }
.LBB2_2:
0x2c: {  	s0 =	sand.u32 $0x3, s31  }
0x2d: {  	p0 =	sne.s32 s0, $0x0  }
0x2e: {  	s3 =	rddreg [dreg:$0x4];
	s0 =	sshrl.u32 @!p0 s31, $0x2  }
0x2f: {  	s0 =	sadd.s32 @!p0 s3, s0  }
0x30: {  	s0 =	sshll.u32 @!p0 s0, $0x7  }
0x31: {  	s0 =	sand.u32 @!p0 $0x1FFFFF80, s0  }
0x32: {  	s28 =	simm.s32 @!p0 $0x0;
	s3 =	sand.u32 @!p0 $0x400, s30;
	s21 =	sadd.s32 @!p0 s5, s0  }
0x33: {  	[tilespmem:s3], [sflag:$0x5] =	stream.linear.gather @!p0 [hbm4b:s21+s28], $0x400, $0x38;
	[tilespmem:$0x1CC00] =	vst v63  }
0x34: {  	s21 =	simm.s32 @!p0 $0x5  }
0x35: {  	_ =	swait.ge @!p0 [sflag:s21], $0x400  }
0x36: {  	[sflag:s21] =	ssyncset.done @!p0 $0x0  }
0x37: {  	s0 =	sadd.s32 @!p0 s6, s0;
	s3 =	sor.u32 @!p0 $0x800, s3;
	[sflag:s21] =	ssyncadd.s32 @!p0 $0xFFFFFC00  }
0x38: {  	[tilespmem:s3], [sflag:$0x5] =	stream.linear.gather @!p0 [hbm4b:s0+s28], $0x400, $0x38;
	[tilespmem:$0x1CC00] =	vst v63  }
0x39: {  	_ =	swait.ge @!p0 [sflag:s21], $0x400  }
0x3a: {  	[sflag:s21] =	ssyncset.done @!p0 $0x0  }
0x3b: {  	[sflag:s21] =	ssyncadd.s32 @!p0 $0xFFFFFC00  }
0x3c: {  	_ =	swait.ge [sflag:s23], $0x4000  }
0x3d: {  	s21 =	sand.u32 $0x7, s31;
	[sflag:s23] =	ssyncset.done $0x0  }
0x3e: {  	s0 =	sshll.u32 s21, $0x8;
	[sflag:s23] =	ssyncadd.s32 $0xFFFFC000  }
0x3f: {  	[tilespmem:s17], [sflag:$0x1] =	stream.indirect.gather [hbm4b:s1+s9], $0x80, s0, s9, $0xb8;
	[tilespmem:$0x1CC00] =	vst v63  }
0x40: {  	s28 =	sor.u32 $0x40, s0  }
0x41: {  	[tilespmem:s18], [sflag:$0x1] =	stream.indirect.gather [hbm4b:s1+s9], $0x80, s28, s9, $0xb8;
	[tilespmem:$0x1CC00] =	vst v63  }
0x42: {  	_ =	swait.ge [sflag:s24], $0x4000  }
0x43: {  	s21 =	sadd.s32 $0x780, s0;
	[sflag:s24] =	ssyncset.done $0x0  }
0x44: {  	s3 =	sor.u32 $0x800, s21;
	[sflag:s24] =	ssyncadd.s32 $0xFFFFC000  }
0x45: {  	[spmem:s2] =	stream.indirect.scatter.add.f32 [tilespmem:s20], [sflag:$0x4], $0x80, s3, s19, $0xb8;
	[tilespmem:$0x1CC00] =	vst v63  }
0x46: {  	_ =	swait.ge [sflag:s25], $0x4000  }
0x47: {  	[sflag:s25] =	ssyncset.done $0x0  }
0x48: {  	s28 =	sor.u32 $0x80, s0;
	[sflag:s25] =	ssyncadd.s32 $0xFFFFC000  }
0x49: {  	[tilespmem:s20], [sflag:$0x2] =	stream.indirect.gather [hbm4b:s1+s9], $0x80, s28, s9, $0xb8;
	[tilespmem:$0x1CC00] =	vst v63  }
0x4a: {  	s21 =	sor.u32 $0xC0, s0  }
0x4b: {  	[tilespmem:s22], [sflag:$0x2] =	stream.indirect.gather [hbm4b:s1+s9], $0x80, s21, s9, $0xb8;
	[tilespmem:$0x1CC00] =	vst v63  }
0x4c: {  	_ =	swait.ge [sflag:s26], $0x4000  }
0x4d: {  	s31 =	sadd.s32 $0x1, s31;
	s28 =	rddreg [dreg:$0x5]  }
0x4e: {  	p0 =	sne.s32 s28, s31  }
.Ltmp0:
0x4f: {  	_ = 	snop;
	(pc) =	sbr.rel @p0 .LBB2_2-.Ltmp0, $4  }
0x50: {  	_ = 	snop  }
0x51: {  	[sflag:s26] =	ssyncset.done $0x0  }
0x52: {  	s30 =	sadd.s32 $0x100, s30;
	s0 =	sor.u32 $0x800, s0;
	[sflag:s26] =	ssyncadd.s32 $0xFFFFC000  }
0x53: {  	[spmem:s2] =	stream.indirect.scatter.add.f32 [tilespmem:s17], [sflag:$0x3], $0x80, s0, s19, $0xb8;
	[tilespmem:$0x1CC00] =	vst v63  }
0x54: {  	_ =	swait.ge [sflag:s24], $0x4000  }
0x55: {  	[sflag:s24] =	ssyncset.done $0x0  }
0x56: {  	s0 =	simm.s32 $0xF80;
	[sflag:s24] =	ssyncadd.s32 $0xFFFFC000  }
0x57: {  	[spmem:s2] =	stream.indirect.scatter.add.f32 [tilespmem:s20], [sflag:$0x4], $0x80, s0, s19, $0xb8;
	[tilespmem:$0x1CC00] =	vst v63  }
0x58: {  	_ =	swait.ge [sflag:s23], $0x4000  }
0x59: {  	[sflag:s23] =	ssyncset.done $0x0  }
0x5a: {  	[sflag:s23] =	ssyncadd.s32 $0xFFFFC000  }
0x5b: {  	_ =	swait.ge [sflag:s25], $0x4000  }
0x5c: {  	s29 =	sadd.s32 $0x1, s29;
	[sflag:s25] =	ssyncset.done $0x0  }
0x5d: {  	p0 =	sne.s32 s29, s11;
	[sflag:s25] =	ssyncadd.s32 $0xFFFFC000  }
.Ltmp1:
0x5e: {  	[bflag:$0x0] =	sbarrier.arrive $0xFFFF;
	(pc) =	sbr.rel @p0 .LBB2_1-.Ltmp1, $4  }
0x5f: {  	[hbm:s10], [sflag:s8] =	dma.local [spmem:s14], $0x2780  }
0x60: {  	_ =	swait.ge [sflag:s15], $0x2780  }
0x61: {  	[sflag:s15] =	ssyncset.done $0x0  }
0x62: {  	[sflag:s15] =	ssyncadd.s32 $0xFFFFD880  }
0x63: {  	_ =	sfence.sel $0x180000  }
0x64: {  	[bflag:$0x0] =	sbarrier.arrive $0xFFFF  }
0x65: {  	_ =	strace $0x90000047  }
0x66: {  	s0 =	stileid.u32;
	[bflag:$0x2] =	sbarrier.arrive $0xFFFF  }
0x67: {  	p0 =	sne.s32 s0, $0x0;
	s0 =	rddreg [dreg:$0x3]  }
0x68: {  	s0 =	sadd.s32 @!p0 $0x100000, s0  }
0x69: {  	[sflag:s0] =	ssyncadd.tile.s32 @!p0 $0x1;
	_ =	shalt  }
.Lfunc_end2:
_tile_overlayer_lowered:
.L_overlay_start_2:
0x6a: {  	(tag) =	ssettag $0x2  }
0x6b: {  	s0 =	rddreg [dreg:$0x0];
	s2 =	stileid.u32  }
0x6c: {  	s1 =	rddreg [dreg:$0x1];
	p0 =	sne.s32 s2, $0x0  }
0x6d: {  	s3 =	rddreg [dreg:$0x2];
	[bflag:$0x3] =	sbarrier.arrive $0xFFFF;
	s2 =	simm.s32 @!p0 $0x1C05  }
0x6e: {  	[timem:s3], [sflag:s2] =	dma.local @!p0 [hbm:s0], s1  }
0x6f: {  	s0 =	simm.s32 @!p0 $0x5  }
0x70: {  	_ =	swait.ge @!p0 [sflag:s0], s1  }
0x71: {  	s1 =	ssub.s32 @!p0 $0x0, s1;
	[sflag:s0] =	ssyncset.done @!p0 $0x0  }
0x72: {  	[sflag:s0] =	ssyncadd.s32 @!p0 s1  }
0x73: {  	[bflag:$0x3] =	sbarrier.arrive $0xFFFF  }
0x74: {  	_ =	shalt  }

// kernel: kernel.13.cloned.1.call-start
scs
__scs_entry_jumppad:
0x0: {  	(pc) =	sbr.rel $0x88, $3  }
0x1: {  	(tag) =	ssettag $0x0;
	lr =	simm.s32 $0x1  }
0x2: {  	[smem:$0x3F99] =	sst lr;
	_ =	strace $0xD0000000  }
0x3: {  	_ = 	snop  }
0x4: {  	_ = 	snop  }
0x5: {  	_ = 	snop  }
0x6: {  	_ = 	snop  }
0x7: {  	_ = 	snop  }
__scs_overlays_trampoline_lowered:
0x8: {  	[smem:$0x3FA8] =	sst s0  }
0x9: {  	[smem:$0x3FA9] =	sst s1  }
0xa: {  	[smem:$0x3FAA] =	sst s2  }
0xb: {  	[smem:$0x3FAB] =	sst s3  }
0xc: {  	[smem:$0x3FAC] =	sst s4  }
0xd: {  	[smem:$0x3FAD] =	sst s5  }
0xe: {  	[smem:$0x3FAE] =	sst s6  }
0xf: {  	[smem:$0x3FAF] =	sst s7  }
0x10: {  	[smem:$0x3FB0] =	sst s8  }
0x11: {  	[smem:$0x3FB1] =	sst s9;
	s0 =	simm.s32 @!p0 $0x0  }
0x12: {  	s1 =	sld [smem:$0x3F97];
	s0 =	simm.s32 @p0 $0x1  }
0x13: {  	[smem:$0x3FB2] =	sst s0;
	s0 =	simm.s32 @!p1 $0x0  }
0x14: {  	s2 =	sld [smem:$0x3F96];
	s0 =	simm.s32 @p1 $0x1  }
0x15: {  	[smem:$0x3FB3] =	sst s0;
	s0 =	simm.s32 @!p2 $0x0  }
0x16: {  	s3 =	sld [smem:$0x3FDB];
	s0 =	simm.s32 @p2 $0x1  }
0x17: {  	s4 =	simm.s32 $0x1BF5;
	[smem:$0x3FB5] =	sst s0  }
0x18: {  	s0 =	sld [smem:$0x3F98];
	_ =	swait.ge [sflag:s4], $0x0  }
0x19: {  	s7 =	sld [smem:$0x3F99]  }
0x1a: {  	s8 =	sadd.s32 $0xFFFFE003, lr  }
0x1b: {  	s9 =	sadd.s32 $0xFFFFFEF7, lr;
	s5 =	simm.s32 $0xFFFFFFFF;
	p2 =	slt.u32 s8, $0xFFFFF086  }
0x1c: {  	p1 =	slt.u32 s9, $0xF7A;
	s5 =	simm.s32 @!p2 $0x0  }
0x1d: {  	s5 =	simm.s32 @p1 $0x1;
	p0 =	seq.s32 s7, s2  }
0x1e: {  	s7 =	smul.u32 @!p0 $0xF7A, s2;
	p2 =	seq.s32 @!p0 s5, $0x0  }
0x1f: {  	s9 =	smul.u32 $0xF7A, s1;
	s8 =	simm.s32 @!p0 $0x1BF5;
	p2 =	por !p2, p0  }
0x20: {  	[sflag:s8] =	ssyncset.s32 @!p0 $0xFFFFF086;
	s6 =	sadd.s32 @!p0 s3, s7;
	s7 =	simm.s32 @!p0 $0x108  }
0x21: {  	s3 =	sadd.s32 s3, s9;
	s6 =	sadd.s32 @!p0 $0x88, s6;
	s7 =	simm.s32 @p2 $0x1082  }
0x22: {  	[simem:s7], [sflag:s8] =	dma.local @!p0 [hbm:s6], $0xF7A  }
0x23: {  	s9 =	sor.u32 $0xD0000000, s2;
	s6 =	simm.s32 $0x108;
	_ =	swait.ge @!p0 [sflag:s8], $0x0  }
0x24: {  	s3 =	sadd.s32 $0x88, s3;
	s6 =	simm.s32 @!p1 $0x1082;
	[sflag:s4] =	ssyncset.s32 $0xFFFFF086  }
0x25: {  	[simem:s6], [sflag:s4] =	dma.local [hbm:s3], $0xF7A  }
0x26: {  	[smem:$0x3F99] =	sst s1;
	(tag) =	ssettag s2;
	_ =	strace s9  }
0x27: {  	s1 =	sld [smem:$0x3FA9]  }
0x28: {  	s2 =	sld [smem:$0x3FAA]  }
0x29: {  	s4 =	sld [smem:$0x3FAC]  }
0x2a: {  	p0 =	seq.s32 s5, $0x0;
	s5 =	sld [smem:$0x3FAD]  }
0x2b: {  	s6 =	sld [smem:$0x3FAE]  }
0x2c: {  	s7 =	sld [smem:$0x3FAF]  }
0x2d: {  	s3 =	simm.s32 $0x108;
	s8 =	sld [smem:$0x3FB0]  }
0x2e: {  	s3 =	simm.s32 @!p0 $0x1082;
	s9 =	sld [smem:$0x3FB1]  }
0x2f: {  	lr =	sadd.s32 s0, s3;
	s0 =	sld [smem:$0x3FA8]  }
0x30: {  	s3 =	sld [smem:$0x3FAB]  }
0x31: {  	[smem:$0x3FB4] =	sst s10  }
0x32: {  	s10 =	sld [smem:$0x3FB2];
	_ =	sdelay $0x3  }
0x33: {  	p0 =	seq.s32 s10, $0x1;
	s10 =	sld [smem:$0x3FB4];
	_ =	sdelay $0x3  }
0x34: {  	[smem:$0x3FB4] =	sst s10  }
0x35: {  	s10 =	sld [smem:$0x3FB3];
	_ =	sdelay $0x3  }
0x36: {  	p1 =	seq.s32 s10, $0x1;
	s10 =	sld [smem:$0x3FB4];
	_ =	sdelay $0x3  }
0x37: {  	[smem:$0x3FB4] =	sst s10  }
0x38: {  	s10 =	sld [smem:$0x3FB5]  }
0x39: {  	_ = 	snop;
	(pc) =	sbr.ind lr, $3  }
0x3a: {  	_ = 	snop  }
0x3b: {  	_ = 	snop  }
0x3c: {  	p2 =	seq.s32 s10, $0x1;
	s10 =	sld [smem:$0x3FB4]  }
0x3d: {  	_ =	shalt  }
0x3e: {  	_ =	shalt  }
0x3f: {  	_ =	shalt  }
0x40: {  	_ =	shalt  }
0x41: {  	_ =	shalt  }
0x42: {  	_ =	shalt  }
0x43: {  	_ =	shalt  }
0x44: {  	_ =	shalt  }
0x45: {  	_ =	shalt  }
0x46: {  	_ =	shalt  }
0x47: {  	_ =	shalt  }
0x48: {  	_ =	shalt  }
0x49: {  	_ =	shalt  }
0x4a: {  	_ =	shalt  }
0x4b: {  	_ =	shalt  }
0x4c: {  	_ =	shalt  }
0x4d: {  	_ =	shalt  }
0x4e: {  	_ =	shalt  }
0x4f: {  	_ =	shalt  }
0x50: {  	_ =	shalt  }
0x51: {  	_ =	shalt  }
0x52: {  	_ =	shalt  }
0x53: {  	_ =	shalt  }
0x54: {  	_ =	shalt  }
0x55: {  	_ =	shalt  }
0x56: {  	_ =	shalt  }
0x57: {  	_ =	shalt  }
0x58: {  	_ =	shalt  }
0x59: {  	_ =	shalt  }
0x5a: {  	_ =	shalt  }
0x5b: {  	_ =	shalt  }
0x5c: {  	_ =	shalt  }
0x5d: {  	_ =	shalt  }
0x5e: {  	_ =	shalt  }
0x5f: {  	_ =	shalt  }
0x60: {  	_ =	shalt  }
0x61: {  	_ =	shalt  }
0x62: {  	_ =	shalt  }
0x63: {  	_ =	shalt  }
0x64: {  	_ =	shalt  }
0x65: {  	_ =	shalt  }
0x66: {  	_ =	shalt  }
0x67: {  	_ =	shalt  }
0x68: {  	_ =	shalt  }
0x69: {  	_ =	shalt  }
0x6a: {  	_ =	shalt  }
0x6b: {  	_ =	shalt  }
0x6c: {  	_ =	shalt  }
0x6d: {  	_ =	shalt  }
0x6e: {  	_ =	shalt  }
0x6f: {  	_ =	shalt  }
0x70: {  	_ =	shalt  }
0x71: {  	_ =	shalt  }
0x72: {  	_ =	shalt  }
0x73: {  	_ =	shalt  }
0x74: {  	_ =	shalt  }
0x75: {  	_ =	shalt  }
0x76: {  	_ =	shalt  }
0x77: {  	_ =	shalt  }
0x78: {  	_ =	shalt  }
0x79: {  	_ =	shalt  }
0x7a: {  	_ =	shalt  }
0x7b: {  	_ =	shalt  }
0x7c: {  	_ =	shalt  }
0x7d: {  	_ =	shalt  }
0x7e: {  	_ =	shalt  }
0x7f: {  	_ =	shalt  }
0x80: {  	_ =	shalt  }
0x81: {  	_ =	shalt  }
0x82: {  	_ =	shalt  }
0x83: {  	_ =	shalt  }
0x84: {  	_ =	shalt  }
0x85: {  	_ =	shalt  }
0x86: {  	_ =	shalt  }
0x87: {  	_ =	shalt  }
.Lfunc_end0:
.L_simem_size_0:
called_computation.2_lowered:
.L_overlay_start_0:
0x88: {  	s2 =	sld [smem:$0x3FD9]  }
0x89: {  	s3 =	sld [smem:$0x3FFE];
	_ =	sdelay $0x1  }
0x8a: {  	s1 =	srdreg.scid  }
0x8b: {  	s0 =	sand.u32 $0x1, s1  }
0x8c: {  	s17 =	sshll.u32 s0, $0xA;
	s2 =	sadd.s32 s3, s2  }
0x8d: {  	s2 =	sadd.s32 s2, s17  }
0x8e: {  	[smem:$0x3FC0] =	sst s2  }
0x8f: {  	_ = 	snop  }
0x90: {  	s2 =	sld [smem:$0x3FD0];
	(tm) =	ssettm $0x1  }
0x91: {  	s18 =	sld [smem:$0x3FFB];
	_ =	sdelay $0x3  }
0x92: {  	_ =	strace s18  }
0x93: {  	s3 =	sld [smem:$0x3FFC];
	_ =	sdelay $0x3  }
0x94: {  	_ =	strace s3  }
0x95: {  	s3 =	sld [smem:$0x3FFD];
	_ =	sdelay $0x3  }
0x96: {  	_ =	strace s3  }
0x97: {  	_ =	strace $0x8FFFFFFF  }
0x98: {  	s19 =	sld [smem:$0x3FDB];
	_ =	sdelay $0x1  }
0x99: {  	s4 =	simm.s32 $_scs_section_size  }
0x9a: {  	s5 =	simm.s32 $_size__tile_overlayer_lowered;
	s6 =	simm.s32 $_tile_overlayer_lowered  }
0x9b: {  	s22 =	simm.s32 $0x1BFF;
	s21 =	sshll.u32 s6, $0x1;
	s3 =	sadd.s32 s4, s19  }
0x9c: {  	s7 =	simm.s32 $0x0;
	s20 =	sshll.u32 s5, $0x1;
	s5 =	sadd.s32 s21, s3  }
0x9d: {  	[timem:s7], [sflag:s22] =	dma.local [hbm:s5], s20  }
0x9e: {  	_ =	swait.ge [sflag:s22], s20  }
0x9f: {  	s4 =	ssub.s32 $0x0, s20;
	[sflag:s22] =	ssyncset.done $0x0  }
0xa0: {  	[sflag:s22] =	ssyncadd.s32 s4;
	_ =	sdelay $0x1  }
0xa1: {  	s23 =	simm.s32 $0x1B8B  }
0xa2: {  	_ =	swait.ge [sflag:s23], $0x1  }
0xa3: {  	[sflag:s23] =	ssyncset.done $0x0  }
0xa4: {  	s25 =	simm.s32 $0x1B8E;
	s24 =	sld [smem:$0x3FFE];
	[sflag:s23] =	ssyncadd.s32 $0xFFFFFFFF  }
0xa5: {  	s26 =	simm.s32 $execute0_lowered;
	[smem:$0x3FD2] =	sst s25  }
0xa6: {  	s5 =	sshll.u32 s26, $0x1;
	_ =	strace $0x8000004C;
	[dreg:$0x1] =	wrdreg $0xFFFFFFFF  }
0xa7: {  	s28 =	simm.s32 $_size_execute0_lowered;
	s3 =	sadd.s32 s3, s5;
	[dreg:$0x0] =	wrdreg $0x0  }
0xa8: {  	s5 =	sshll.u32 s28, $0x1;
	[dreg:$0x2] =	wrdreg s3  }
0xa9: {  	[dreg:$0x3] =	wrdreg s5  }
0xaa: {  	[dreg:$0x4] =	wrdreg $0xC0  }
0xab: {  	_ =	task [dreg:s7], $0x5FFFF  }
0xac: {  	[dreg:$0x1] =	wrdreg $0xFFFFFFFF  }
0xad: {  	[dreg:$0x0] =	wrdreg $0x60  }
0xae: {  	[dreg:$0x2] =	wrdreg s2  }
0xaf: {  	[dreg:$0x3] =	wrdreg s24  }
0xb0: {  	[dreg:$0x4] =	wrdreg $0x90000  }
0xb1: {  	[dreg:$0x5] =	wrdreg $0x9  }
0xb2: {  	_ =	task.clear_ibuf [dreg:s7], $0x6FFFF;
	_ =	strace $0x9000004C  }
0xb3: {  	s29 =	simm.s32 $0x9;
	_ =	strace $0x8000004E  }
0xb4: {  	_ =	swait.ge [sflag:s29], $0x1  }
0xb5: {  	[sflag:s29] =	ssyncadd.s32 $0xFFFFFFFF  }
0xb6: {  	_ =	strace $0x9000004E  }
0xb7: {  	_ =	sfence  }
0xb8: {  	s30 =	sld [smem:$0x0];
	_ =	sdelay $0x2  }
0xb9: {  	s31 =	sshll.u32 s1, $0xD;
	s1 =	sshrl.u32 s1, $0x2  }
0xba: {  	s3 =	sand.u32 $0x4000, s31;
	s1 =	sadd.s32 s1, s30  }
0xbb: {  	s0 =	sor.u32 s3, s0;
	s1 =	sshll.u32 s1, $0x11  }
0xbc: {  	s0 =	sor.u32 s1, s0  }
0xbd: {  	s0 =	sadd.s32 $0x8F2B, s0  }
0xbe: {  	[sflag:s0] =	ssyncadd.remote.s32 $0x1  }
0xbf: {  	_ =	sfence.sel $0xFFFF  }
0xc0: {  	[dreg:$0x0] =	wrdreg $0xFFFFFFFF;
	(pc) =	sbr.abs _section_cstart, $3  }
0xc1: {  	[dreg:$0x1] =	wrdreg $0xFFFFFFFF  }
0xc2: {  	_ =	task.clear_ibuf [dreg:s7], $0x2FFFF;
	_ =	strace $0x9FFFFFFF  }
0xc3: {  	(tm) =	ssettm $0x7FFFFFFF  }
tec
execute0_lowered:
.L_overlay_start_1:
0x0: {  	(tag) =	ssettag $0x1  }
0x1: {  	s1 =	rddreg [dreg:$0x0]  }
0x2: {  	s8 =	rddreg [dreg:$0x1]  }
0x3: {  	s2 =	rddreg [dreg:$0x2];
	s3 =	srdreg.scid;
	s4 =	simm.s32 $0x0  }
0x4: {  	s0 =	stileid.u32;
	s15 =	simm.s32 $0x5;
	s16 =	simm.s32 $0x800  }
0x5: {  	s17 =	simm.s32 $0x1000;
	s18 =	simm.s32 $0x3000;
	s19 =	simm.s32 $0x80  }
0x6: {  	s20 =	simm.s32 $0x5000;
	s22 =	simm.s32 $0x7000;
	s23 =	simm.s32 $0x3  }
0x7: {  	s24 =	simm.s32 $0x2;
	s29 =	simm.s32 $0x0;
	s10 =	smul.u32 $0x13C00, s0  }
0x8: {  	s9 =	sand.u32 $0x1, s3;
	[smem:$0x7FF] =	sst s4;
	s12 =	smul.u32 $0x4F000, s0  }
0x9: {  	s5 =	sadd.s32 $0xC200, s8;
	s6 =	sadd.s32 $0x2200, s8;
	s28 =	smul.u32 $0xA0, s0  }
0xa: {  	s26 =	sshll.u32 s0, $0x6;
	s7 =	smul.u32 $0x13C000, s9;
	_ =	strace $0x8000004D  }
0xb: {  	s11 =	ssub.s32 $0x2, s9;
	p0 =	seq.s32 s9, $0x0;
	s9 =	sshll.u32 s9, $0x7  }
0xc: {  	s13 =	sshrl.u32 s11, $0x1;
	s25 =	sshrl.u32 s12, $0x2;
	s12 =	sadd.s32 s9, s28  }
0xd: {  	s9 =	simm.s32 $0x40;
	s10 =	sadd.s32 s10, s7;
	s7 =	sadd.s32 $0x16200, s8  }
0xe: {  	s11 =	ssub.s32 s11, s13;
	s14 =	sadd.s32 s25, s2;
	s13 =	simm.s32 $0x40  }
0xf: {  	s30 =	sshrl.u32 s12, $0x3;
	s31 =	sshll.u32 s12, $0x4;
	s25 =	simm.s32 $0x4  }
0x10: {  	s10 =	sshrl.u32 s10, $0x3;
	s13 =	simm.s32 @!p0 $0x10;
	[dreg:$0x4] =	wrdreg s30  }
0x11: {  	s11 =	smax.u32 s11, $0x1;
	s12 =	sadd.s32 s5, s31;
	s14 =	sshrl.u32 s14, $0x3  }
0x12: {  	s10 =	sadd.s32 s10, s8;
	s8 =	sor.u32 $0x1C05, s26;
	[dreg:$0x5] =	wrdreg s13  }
0x13: {  	s13 =	sadd.s32 s6, s31;
	s26 =	simm.s32 $0x1;
	s10 =	sadd.s32 $0x18A00, s10  }
.LBB2_1:
0x14: {  	[spmem:s14], [sflag:s8] =	dma.local [hbm:s7], $0x2780  }
0x15: {  	_ =	swait.ge [sflag:s15], $0x2780  }
0x16: {  	[sflag:s15] =	ssyncset.done $0x0  }
0x17: {  	[sflag:s15] =	ssyncadd.s32 $0xFFFFD880  }
0x18: {  	[bflag:$0x0] =	sbarrier.arrive $0xFFFF  }
0x19: {  	[tilespmem:s4], [sflag:$0x5] =	stream.linear.gather [hbm4b:s12+s4], $0x400, $0x38;
	[tilespmem:$0x1CC00] =	vst v63  }
0x1a: {  	_ =	swait.ge [sflag:s15], $0x400  }
0x1b: {  	[sflag:s15] =	ssyncset.done $0x0  }
0x1c: {  	[sflag:s15] =	ssyncadd.s32 $0xFFFFFC00  }
0x1d: {  	[tilespmem:s16], [sflag:$0x5] =	stream.linear.gather [hbm4b:s13+s4], $0x400, $0x38;
	[tilespmem:$0x1CC00] =	vst v63  }
0x1e: {  	_ =	swait.ge [sflag:s15], $0x400  }
0x1f: {  	[sflag:s15] =	ssyncset.done $0x0  }
0x20: {  	[sflag:s15] =	ssyncadd.s32 $0xFFFFFC00  }
0x21: {  	[tilespmem:s17], [sflag:$0x1] =	stream.indirect.gather [hbm4b:s1+s9], $0x80, s4, s9, $0xb8;
	[tilespmem:$0x1CC00] =	vst v63  }
0x22: {  	_ = 	snop  }
0x23: {  	[tilespmem:s18], [sflag:$0x1] =	stream.indirect.gather [hbm4b:s1+s9], $0x80, s9, s9, $0xb8;
	[tilespmem:$0x1CC00] =	vst v63  }
0x24: {  	_ = 	snop  }
0x25: {  	[tilespmem:s20], [sflag:$0x2] =	stream.indirect.gather [hbm4b:s1+s9], $0x80, s19, s9, $0xb8;
	[tilespmem:$0x1CC00] =	vst v63  }
0x26: {  	s0 =	simm.s32 $0xC0  }
0x27: {  	[tilespmem:s22], [sflag:$0x2] =	stream.indirect.gather [hbm4b:s1+s9], $0x80, s0, s9, $0xb8;
	[tilespmem:$0x1CC00] =	vst v63  }
0x28: {  	_ =	swait.ge [sflag:s26], $0x4000  }
0x29: {  	[sflag:s26] =	ssyncset.done $0x0  }
0x2a: {  	s30 =	simm.s32 $0x100;
	s31 =	simm.s32 $0x1;
	[sflag:s26] =	ssyncadd.s32 $0xFFFFC000  }
0x2b: {  	[spmem:s2] =	stream.indirect.scatter.add.f32 [tilespmem:s17], [sflag:$0x3], $0x80, s16, s19, $0xb8;
	[tilespmem:$0x1CC00] =	vst v63  }
.LBB2_2:
0x2c: {  	s0 =	sand.u32 $0x3, s31  }
0x2d: {  	p0 =	sne.s32 s0, $0x0  }
0x2e: {  	s3 =	rddreg [dreg:$0x4];
	s0 =	sshrl.u32 @!p0 s31, $0x2  }
0x2f: {  	s0 =	sadd.s32 @!p0 s3, s0  }
0x30: {  	s0 =	sshll.u32 @!p0 s0, $0x7  }
0x31: {  	s0 =	sand.u32 @!p0 $0x1FFFFF80, s0  }
0x32: {  	s28 =	simm.s32 @!p0 $0x0;
	s3 =	sand.u32 @!p0 $0x400, s30;
	s21 =	sadd.s32 @!p0 s5, s0  }
0x33: {  	[tilespmem:s3], [sflag:$0x5] =	stream.linear.gather @!p0 [hbm4b:s21+s28], $0x400, $0x38;
	[tilespmem:$0x1CC00] =	vst v63  }
0x34: {  	s21 =	simm.s32 @!p0 $0x5  }
0x35: {  	_ =	swait.ge @!p0 [sflag:s21], $0x400  }
0x36: {  	[sflag:s21] =	ssyncset.done @!p0 $0x0  }
0x37: {  	s0 =	sadd.s32 @!p0 s6, s0;
	s3 =	sor.u32 @!p0 $0x800, s3;
	[sflag:s21] =	ssyncadd.s32 @!p0 $0xFFFFFC00  }
0x38: {  	[tilespmem:s3], [sflag:$0x5] =	stream.linear.gather @!p0 [hbm4b:s0+s28], $0x400, $0x38;
	[tilespmem:$0x1CC00] =	vst v63  }
0x39: {  	_ =	swait.ge @!p0 [sflag:s21], $0x400  }
0x3a: {  	[sflag:s21] =	ssyncset.done @!p0 $0x0  }
0x3b: {  	[sflag:s21] =	ssyncadd.s32 @!p0 $0xFFFFFC00  }
0x3c: {  	_ =	swait.ge [sflag:s23], $0x4000  }
0x3d: {  	s21 =	sand.u32 $0x7, s31;
	[sflag:s23] =	ssyncset.done $0x0  }
0x3e: {  	s0 =	sshll.u32 s21, $0x8;
	[sflag:s23] =	ssyncadd.s32 $0xFFFFC000  }
0x3f: {  	[tilespmem:s17], [sflag:$0x1] =	stream.indirect.gather [hbm4b:s1+s9], $0x80, s0, s9, $0xb8;
	[tilespmem:$0x1CC00] =	vst v63  }
0x40: {  	s28 =	sor.u32 $0x40, s0  }
0x41: {  	[tilespmem:s18], [sflag:$0x1] =	stream.indirect.gather [hbm4b:s1+s9], $0x80, s28, s9, $0xb8;
	[tilespmem:$0x1CC00] =	vst v63  }
0x42: {  	_ =	swait.ge [sflag:s24], $0x4000  }
0x43: {  	s21 =	sadd.s32 $0x780, s0;
	[sflag:s24] =	ssyncset.done $0x0  }
0x44: {  	s3 =	sor.u32 $0x800, s21;
	[sflag:s24] =	ssyncadd.s32 $0xFFFFC000  }
0x45: {  	[spmem:s2] =	stream.indirect.scatter.add.f32 [tilespmem:s20], [sflag:$0x4], $0x80, s3, s19, $0xb8;
	[tilespmem:$0x1CC00] =	vst v63  }
0x46: {  	_ =	swait.ge [sflag:s25], $0x4000  }
0x47: {  	[sflag:s25] =	ssyncset.done $0x0  }
0x48: {  	s28 =	sor.u32 $0x80, s0;
	[sflag:s25] =	ssyncadd.s32 $0xFFFFC000  }
0x49: {  	[tilespmem:s20], [sflag:$0x2] =	stream.indirect.gather [hbm4b:s1+s9], $0x80, s28, s9, $0xb8;
	[tilespmem:$0x1CC00] =	vst v63  }
0x4a: {  	s21 =	sor.u32 $0xC0, s0  }
0x4b: {  	[tilespmem:s22], [sflag:$0x2] =	stream.indirect.gather [hbm4b:s1+s9], $0x80, s21, s9, $0xb8;
	[tilespmem:$0x1CC00] =	vst v63  }
0x4c: {  	_ =	swait.ge [sflag:s26], $0x4000  }
0x4d: {  	s31 =	sadd.s32 $0x1, s31;
	s28 =	rddreg [dreg:$0x5]  }
0x4e: {  	p0 =	sne.s32 s28, s31  }
.Ltmp0:
0x4f: {  	_ = 	snop;
	(pc) =	sbr.rel @p0 .LBB2_2-.Ltmp0, $4  }
0x50: {  	_ = 	snop  }
0x51: {  	[sflag:s26] =	ssyncset.done $0x0  }
0x52: {  	s30 =	sadd.s32 $0x100, s30;
	s0 =	sor.u32 $0x800, s0;
	[sflag:s26] =	ssyncadd.s32 $0xFFFFC000  }
0x53: {  	[spmem:s2] =	stream.indirect.scatter.add.f32 [tilespmem:s17], [sflag:$0x3], $0x80, s0, s19, $0xb8;
	[tilespmem:$0x1CC00] =	vst v63  }
0x54: {  	_ =	swait.ge [sflag:s24], $0x4000  }
0x55: {  	[sflag:s24] =	ssyncset.done $0x0  }
0x56: {  	s0 =	simm.s32 $0xF80;
	[sflag:s24] =	ssyncadd.s32 $0xFFFFC000  }
0x57: {  	[spmem:s2] =	stream.indirect.scatter.add.f32 [tilespmem:s20], [sflag:$0x4], $0x80, s0, s19, $0xb8;
	[tilespmem:$0x1CC00] =	vst v63  }
0x58: {  	_ =	swait.ge [sflag:s23], $0x4000  }
0x59: {  	[sflag:s23] =	ssyncset.done $0x0  }
0x5a: {  	[sflag:s23] =	ssyncadd.s32 $0xFFFFC000  }
0x5b: {  	_ =	swait.ge [sflag:s25], $0x4000  }
0x5c: {  	s29 =	sadd.s32 $0x1, s29;
	[sflag:s25] =	ssyncset.done $0x0  }
0x5d: {  	p0 =	sne.s32 s29, s11;
	[sflag:s25] =	ssyncadd.s32 $0xFFFFC000  }
.Ltmp1:
0x5e: {  	[bflag:$0x0] =	sbarrier.arrive $0xFFFF;
	(pc) =	sbr.rel @p0 .LBB2_1-.Ltmp1, $4  }
0x5f: {  	[hbm:s10], [sflag:s8] =	dma.local [spmem:s14], $0x2780  }
0x60: {  	_ =	swait.ge [sflag:s15], $0x2780  }
0x61: {  	[sflag:s15] =	ssyncset.done $0x0  }
0x62: {  	[sflag:s15] =	ssyncadd.s32 $0xFFFFD880  }
0x63: {  	_ =	sfence.sel $0x180000  }
0x64: {  	[bflag:$0x0] =	sbarrier.arrive $0xFFFF  }
0x65: {  	_ =	strace $0x9000004D  }
0x66: {  	s0 =	stileid.u32;
	[bflag:$0x2] =	sbarrier.arrive $0xFFFF  }
0x67: {  	p0 =	sne.s32 s0, $0x0;
	s0 =	rddreg [dreg:$0x3]  }
0x68: {  	s0 =	sadd.s32 @!p0 $0x100000, s0  }
0x69: {  	[sflag:s0] =	ssyncadd.tile.s32 @!p0 $0x1;
	_ =	shalt  }
.Lfunc_end2:
_tile_overlayer_lowered:
.L_overlay_start_2:
0x6a: {  	(tag) =	ssettag $0x2  }
0x6b: {  	s0 =	rddreg [dreg:$0x0];
	s2 =	stileid.u32  }
0x6c: {  	s1 =	rddreg [dreg:$0x1];
	p0 =	sne.s32 s2, $0x0  }
0x6d: {  	s3 =	rddreg [dreg:$0x2];
	[bflag:$0x3] =	sbarrier.arrive $0xFFFF;
	s2 =	simm.s32 @!p0 $0x1C05  }
0x6e: {  	[timem:s3], [sflag:s2] =	dma.local @!p0 [hbm:s0], s1  }
0x6f: {  	s0 =	simm.s32 @!p0 $0x5  }
0x70: {  	_ =	swait.ge @!p0 [sflag:s0], s1  }
0x71: {  	s1 =	ssub.s32 @!p0 $0x0, s1;
	[sflag:s0] =	ssyncset.done @!p0 $0x0  }
0x72: {  	[sflag:s0] =	ssyncadd.s32 @!p0 s1  }
0x73: {  	[bflag:$0x3] =	sbarrier.arrive $0xFFFF  }
0x74: {  	_ =	shalt  }

// kernel: kernel.7.cloned.1.call-start
scs
__scs_entry_jumppad:
0x0: {  	(pc) =	sbr.rel $0x88, $3  }
0x1: {  	(tag) =	ssettag $0x0;
	lr =	simm.s32 $0x1  }
0x2: {  	[smem:$0x3F99] =	sst lr;
	_ =	strace $0xD0000000  }
0x3: {  	_ = 	snop  }
0x4: {  	_ = 	snop  }
0x5: {  	_ = 	snop  }
0x6: {  	_ = 	snop  }
0x7: {  	_ = 	snop  }
__scs_overlays_trampoline_lowered:
0x8: {  	[smem:$0x3FA8] =	sst s0  }
0x9: {  	[smem:$0x3FA9] =	sst s1  }
0xa: {  	[smem:$0x3FAA] =	sst s2  }
0xb: {  	[smem:$0x3FAB] =	sst s3  }
0xc: {  	[smem:$0x3FAC] =	sst s4  }
0xd: {  	[smem:$0x3FAD] =	sst s5  }
0xe: {  	[smem:$0x3FAE] =	sst s6  }
0xf: {  	[smem:$0x3FAF] =	sst s7  }
0x10: {  	[smem:$0x3FB0] =	sst s8  }
0x11: {  	[smem:$0x3FB1] =	sst s9;
	s0 =	simm.s32 @!p0 $0x0  }
0x12: {  	s1 =	sld [smem:$0x3F97];
	s0 =	simm.s32 @p0 $0x1  }
0x13: {  	[smem:$0x3FB2] =	sst s0;
	s0 =	simm.s32 @!p1 $0x0  }
0x14: {  	s2 =	sld [smem:$0x3F96];
	s0 =	simm.s32 @p1 $0x1  }
0x15: {  	[smem:$0x3FB3] =	sst s0;
	s0 =	simm.s32 @!p2 $0x0  }
0x16: {  	s3 =	sld [smem:$0x3FDB];
	s0 =	simm.s32 @p2 $0x1  }
0x17: {  	s4 =	simm.s32 $0x1BF5;
	[smem:$0x3FB5] =	sst s0  }
0x18: {  	s0 =	sld [smem:$0x3F98];
	_ =	swait.ge [sflag:s4], $0x0  }
0x19: {  	s7 =	sld [smem:$0x3F99]  }
0x1a: {  	s8 =	sadd.s32 $0xFFFFE003, lr  }
0x1b: {  	s9 =	sadd.s32 $0xFFFFFEF7, lr;
	s5 =	simm.s32 $0xFFFFFFFF;
	p2 =	slt.u32 s8, $0xFFFFF086  }
0x1c: {  	p1 =	slt.u32 s9, $0xF7A;
	s5 =	simm.s32 @!p2 $0x0  }
0x1d: {  	s5 =	simm.s32 @p1 $0x1;
	p0 =	seq.s32 s7, s2  }
0x1e: {  	s7 =	smul.u32 @!p0 $0xF7A, s2;
	p2 =	seq.s32 @!p0 s5, $0x0  }
0x1f: {  	s9 =	smul.u32 $0xF7A, s1;
	s8 =	simm.s32 @!p0 $0x1BF5;
	p2 =	por !p2, p0  }
0x20: {  	[sflag:s8] =	ssyncset.s32 @!p0 $0xFFFFF086;
	s6 =	sadd.s32 @!p0 s3, s7;
	s7 =	simm.s32 @!p0 $0x108  }
0x21: {  	s3 =	sadd.s32 s3, s9;
	s6 =	sadd.s32 @!p0 $0x88, s6;
	s7 =	simm.s32 @p2 $0x1082  }
0x22: {  	[simem:s7], [sflag:s8] =	dma.local @!p0 [hbm:s6], $0xF7A  }
0x23: {  	s9 =	sor.u32 $0xD0000000, s2;
	s6 =	simm.s32 $0x108;
	_ =	swait.ge @!p0 [sflag:s8], $0x0  }
0x24: {  	s3 =	sadd.s32 $0x88, s3;
	s6 =	simm.s32 @!p1 $0x1082;
	[sflag:s4] =	ssyncset.s32 $0xFFFFF086  }
0x25: {  	[simem:s6], [sflag:s4] =	dma.local [hbm:s3], $0xF7A  }
0x26: {  	[smem:$0x3F99] =	sst s1;
	(tag) =	ssettag s2;
	_ =	strace s9  }
0x27: {  	s1 =	sld [smem:$0x3FA9]  }
0x28: {  	s2 =	sld [smem:$0x3FAA]  }
0x29: {  	s4 =	sld [smem:$0x3FAC]  }
0x2a: {  	p0 =	seq.s32 s5, $0x0;
	s5 =	sld [smem:$0x3FAD]  }
0x2b: {  	s6 =	sld [smem:$0x3FAE]  }
0x2c: {  	s7 =	sld [smem:$0x3FAF]  }
0x2d: {  	s3 =	simm.s32 $0x108;
	s8 =	sld [smem:$0x3FB0]  }
0x2e: {  	s3 =	simm.s32 @!p0 $0x1082;
	s9 =	sld [smem:$0x3FB1]  }
0x2f: {  	lr =	sadd.s32 s0, s3;
	s0 =	sld [smem:$0x3FA8]  }
0x30: {  	s3 =	sld [smem:$0x3FAB]  }
0x31: {  	[smem:$0x3FB4] =	sst s10  }
0x32: {  	s10 =	sld [smem:$0x3FB2];
	_ =	sdelay $0x3  }
0x33: {  	p0 =	seq.s32 s10, $0x1;
	s10 =	sld [smem:$0x3FB4];
	_ =	sdelay $0x3  }
0x34: {  	[smem:$0x3FB4] =	sst s10  }
0x35: {  	s10 =	sld [smem:$0x3FB3];
	_ =	sdelay $0x3  }
0x36: {  	p1 =	seq.s32 s10, $0x1;
	s10 =	sld [smem:$0x3FB4];
	_ =	sdelay $0x3  }
0x37: {  	[smem:$0x3FB4] =	sst s10  }
0x38: {  	s10 =	sld [smem:$0x3FB5]  }
0x39: {  	_ = 	snop;
	(pc) =	sbr.ind lr, $3  }
0x3a: {  	_ = 	snop  }
0x3b: {  	_ = 	snop  }
0x3c: {  	p2 =	seq.s32 s10, $0x1;
	s10 =	sld [smem:$0x3FB4]  }
0x3d: {  	_ =	shalt  }
0x3e: {  	_ =	shalt  }
0x3f: {  	_ =	shalt  }
0x40: {  	_ =	shalt  }
0x41: {  	_ =	shalt  }
0x42: {  	_ =	shalt  }
0x43: {  	_ =	shalt  }
0x44: {  	_ =	shalt  }
0x45: {  	_ =	shalt  }
0x46: {  	_ =	shalt  }
0x47: {  	_ =	shalt  }
0x48: {  	_ =	shalt  }
0x49: {  	_ =	shalt  }
0x4a: {  	_ =	shalt  }
0x4b: {  	_ =	shalt  }
0x4c: {  	_ =	shalt  }
0x4d: {  	_ =	shalt  }
0x4e: {  	_ =	shalt  }
0x4f: {  	_ =	shalt  }
0x50: {  	_ =	shalt  }
0x51: {  	_ =	shalt  }
0x52: {  	_ =	shalt  }
0x53: {  	_ =	shalt  }
0x54: {  	_ =	shalt  }
0x55: {  	_ =	shalt  }
0x56: {  	_ =	shalt  }
0x57: {  	_ =	shalt  }
0x58: {  	_ =	shalt  }
0x59: {  	_ =	shalt  }
0x5a: {  	_ =	shalt  }
0x5b: {  	_ =	shalt  }
0x5c: {  	_ =	shalt  }
0x5d: {  	_ =	shalt  }
0x5e: {  	_ =	shalt  }
0x5f: {  	_ =	shalt  }
0x60: {  	_ =	shalt  }
0x61: {  	_ =	shalt  }
0x62: {  	_ =	shalt  }
0x63: {  	_ =	shalt  }
0x64: {  	_ =	shalt  }
0x65: {  	_ =	shalt  }
0x66: {  	_ =	shalt  }
0x67: {  	_ =	shalt  }
0x68: {  	_ =	shalt  }
0x69: {  	_ =	shalt  }
0x6a: {  	_ =	shalt  }
0x6b: {  	_ =	shalt  }
0x6c: {  	_ =	shalt  }
0x6d: {  	_ =	shalt  }
0x6e: {  	_ =	shalt  }
0x6f: {  	_ =	shalt  }
0x70: {  	_ =	shalt  }
0x71: {  	_ =	shalt  }
0x72: {  	_ =	shalt  }
0x73: {  	_ =	shalt  }
0x74: {  	_ =	shalt  }
0x75: {  	_ =	shalt  }
0x76: {  	_ =	shalt  }
0x77: {  	_ =	shalt  }
0x78: {  	_ =	shalt  }
0x79: {  	_ =	shalt  }
0x7a: {  	_ =	shalt  }
0x7b: {  	_ =	shalt  }
0x7c: {  	_ =	shalt  }
0x7d: {  	_ =	shalt  }
0x7e: {  	_ =	shalt  }
0x7f: {  	_ =	shalt  }
0x80: {  	_ =	shalt  }
0x81: {  	_ =	shalt  }
0x82: {  	_ =	shalt  }
0x83: {  	_ =	shalt  }
0x84: {  	_ =	shalt  }
0x85: {  	_ =	shalt  }
0x86: {  	_ =	shalt  }
0x87: {  	_ =	shalt  }
.Lfunc_end0:
.L_simem_size_0:
called_computation_lowered:
.L_overlay_start_0:
0x88: {  	s2 =	sld [smem:$0x3FD9]  }
0x89: {  	s3 =	sld [smem:$0x3FFE];
	_ =	sdelay $0x1  }
0x8a: {  	s1 =	srdreg.scid  }
0x8b: {  	s0 =	sand.u32 $0x1, s1  }
0x8c: {  	s17 =	sshll.u32 s0, $0xA;
	s2 =	sadd.s32 s3, s2  }
0x8d: {  	s2 =	sadd.s32 s2, s17  }
0x8e: {  	[smem:$0x3FC0] =	sst s2  }
0x8f: {  	_ = 	snop  }
0x90: {  	s18 =	sld [smem:$0x3FD0];
	(tm) =	ssettm $0x1  }
0x91: {  	s19 =	sld [smem:$0x3FFB];
	_ =	sdelay $0x3  }
0x92: {  	_ =	strace s19  }
0x93: {  	s2 =	sld [smem:$0x3FFC];
	_ =	sdelay $0x3  }
0x94: {  	_ =	strace s2  }
0x95: {  	s2 =	sld [smem:$0x3FFD];
	_ =	sdelay $0x3  }
0x96: {  	_ =	strace s2  }
0x97: {  	_ =	strace $0x8FFFFFFF  }
0x98: {  	s20 =	sld [smem:$0x3FDB];
	_ =	sdelay $0x1  }
0x99: {  	s4 =	simm.s32 $_scs_section_size  }
0x9a: {  	s5 =	simm.s32 $_size__tile_overlayer_lowered;
	s6 =	simm.s32 $_tile_overlayer_lowered  }
0x9b: {  	s7 =	simm.s32 $0x1BFF;
	s21 =	sshll.u32 s6, $0x1;
	s4 =	sadd.s32 s4, s20  }
0x9c: {  	s22 =	simm.s32 $0x0;
	s5 =	sshll.u32 s5, $0x1;
	s6 =	sadd.s32 s21, s4  }
0x9d: {  	[timem:s22], [sflag:s7] =	dma.local [hbm:s6], s5  }
0x9e: {  	_ =	swait.ge [sflag:s7], s5  }
0x9f: {  	s5 =	ssub.s32 $0x0, s5;
	[sflag:s7] =	ssyncset.done $0x0  }
0xa0: {  	[sflag:s7] =	ssyncadd.s32 s5;
	_ =	sdelay $0x1  }
0xa1: {  	s23 =	simm.s32 $0x1B8B  }
0xa2: {  	_ =	swait.ge [sflag:s23], $0x1  }
0xa3: {  	[sflag:s23] =	ssyncset.done $0x0  }
0xa4: {  	[sflag:s23] =	ssyncadd.s32 $0xFFFFFFFF  }
0xa5: {  	s5 =	sld [smem:$0x0]  }
0xa6: {  	s6 =	sand.u32 $0xFFFFFFFE, s1  }
0xa7: {  	p0 =	sne.s32 s1, s6  }
0xa8: {  	s6 =	sshll.u32 @p0 s6, $0xE  }
0xa9: {  	s6 =	sadd.s32 @p0 $0x11B8D, s6;
	s7 =	sshll.u32 @p0 s5, $0x11  }
0xaa: {  	s6 =	sor.u32 @p0 s7, s6  }
0xab: {  	[sflag:s6] =	ssyncadd.remote.s32 @p0 $0x1;
	_ =	sdelay $0x1  }
0xac: {  	s6 =	simm.s32 @p0 $0x1B8D  }
0xad: {  	_ =	swait.eq @p0 [sflag:s6], $0x1  }
0xae: {  	[sflag:s6] =	ssyncadd.s32 @p0 $0xFFFFFFFF  }
0xaf: {  	s7 =	sshll.u32 @!p0 s1, $0xE  }
0xb0: {  	s7 =	sor.u32 @!p0 $0x4000, s7;
	s6 =	simm.s32 @!p0 $0x1B8D  }
0xb1: {  	s5 =	sshll.u32 @!p0 s5, $0x11;
	s7 =	sadd.s32 @!p0 $0x11B8D, s7;
	_ =	swait.eq @!p0 [sflag:s6], $0x1  }
0xb2: {  	s5 =	sor.u32 @!p0 s5, s7;
	[sflag:s6] =	ssyncadd.s32 @!p0 $0xFFFFFFFF  }
0xb3: {  	s25 =	simm.s32 $0x1B8E;
	s24 =	sld [smem:$0x3FFE];
	[sflag:s5] =	ssyncadd.remote.s32 @!p0 $0x1  }
0xb4: {  	s26 =	simm.s32 $execute0_lowered;
	[smem:$0x3FD2] =	sst s25  }
0xb5: {  	s6 =	sshll.u32 s26, $0x1;
	_ =	strace $0x80000049;
	[dreg:$0x1] =	wrdreg $0xFFFFFFFF  }
0xb6: {  	s28 =	simm.s32 $_size_execute0_lowered;
	s4 =	sadd.s32 s4, s6;
	[dreg:$0x0] =	wrdreg $0x0  }
0xb7: {  	s6 =	sshll.u32 s28, $0x1;
	[dreg:$0x2] =	wrdreg s4  }
0xb8: {  	[dreg:$0x3] =	wrdreg s6  }
0xb9: {  	[dreg:$0x4] =	wrdreg $0xC0  }
0xba: {  	_ =	task [dreg:s22], $0x5FFFF  }
0xbb: {  	[dreg:$0x1] =	wrdreg $0xFFFFFFFF  }
0xbc: {  	[dreg:$0x0] =	wrdreg $0x60  }
0xbd: {  	[dreg:$0x2] =	wrdreg s24  }
0xbe: {  	[dreg:$0x3] =	wrdreg s18  }
0xbf: {  	[dreg:$0x4] =	wrdreg $0x48000  }
0xc0: {  	[dreg:$0x5] =	wrdreg $0x9  }
0xc1: {  	_ =	task.clear_ibuf [dreg:s22], $0x6FFFF;
	_ =	strace $0x90000049  }
0xc2: {  	s29 =	simm.s32 $0x9;
	_ =	strace $0x8000004B  }
0xc3: {  	_ =	swait.ge [sflag:s29], $0x1  }
0xc4: {  	[sflag:s29] =	ssyncadd.s32 $0xFFFFFFFF  }
0xc5: {  	_ =	strace $0x9000004B  }
0xc6: {  	_ =	sfence  }
0xc7: {  	s30 =	sld [smem:$0x0];
	_ =	sdelay $0x2  }
0xc8: {  	s31 =	sshll.u32 s1, $0xD;
	s1 =	sshrl.u32 s1, $0x2  }
0xc9: {  	s4 =	sand.u32 $0x4000, s31;
	s1 =	sadd.s32 s1, s30  }
0xca: {  	s0 =	sor.u32 s4, s0;
	s1 =	sshll.u32 s1, $0x11  }
0xcb: {  	s0 =	sor.u32 s1, s0  }
0xcc: {  	s0 =	sadd.s32 $0x8F2B, s0  }
0xcd: {  	[sflag:s0] =	ssyncadd.remote.s32 $0x1  }
0xce: {  	_ =	sfence.sel $0xFFFF  }
0xcf: {  	[dreg:$0x0] =	wrdreg $0xFFFFFFFF;
	(pc) =	sbr.abs _section_cstart, $3  }
0xd0: {  	[dreg:$0x1] =	wrdreg $0xFFFFFFFF  }
0xd1: {  	_ =	task.clear_ibuf [dreg:s22], $0x2FFFF;
	_ =	strace $0x9FFFFFFF  }
0xd2: {  	(tm) =	ssettm $0x7FFFFFFF  }
0xd3: {  	_ =	shalt  }
tec
execute0_lowered:
.L_overlay_start_1:
0x0: {  	(tag) =	ssettag $0x1  }
0x1: {  	s0 =	rddreg [dreg:$0x0]  }
0x2: {  	s2 =	rddreg [dreg:$0x2];
	s1 =	srdreg.scid;
	s4 =	simm.s32 $0x0  }
0x3: {  	s11 =	stileid.u32;
	s12 =	simm.s32 $0x3;
	s13 =	simm.s32 $0x800  }
0x4: {  	s14 =	simm.s32 $0x80;
	s15 =	simm.s32 $0x100;
	s16 =	simm.s32 $0x180  }
0x5: {  	s17 =	simm.s32 $0x200;
	s18 =	simm.s32 $0x280;
	s19 =	simm.s32 $0x300  }
0x6: {  	s28 =	simm.s32 $0x700;
	s29 =	simm.s32 $0x780;
	s5 =	smul.u32 $0x13C00, s11  }
0x7: {  	s30 =	simm.s32 $0x1;
	s31 =	simm.s32 $0x2;
	s20 =	smul.u32 $0x4F000, s11  }
0x8: {  	s1 =	sand.u32 $0x1, s1;
	[smem:$0x7FF] =	sst s4;
	s7 =	smul.u32 $0xA00, s11  }
0x9: {  	s10 =	sadd.s32 $0x2200, s0;
	s6 =	sadd.s32 $0x16200, s0;
	s8 =	smul.u32 $0x5000, s11  }
0xa: {  	s23 =	sshll.u32 s11, $0x6;
	s3 =	smul.u32 $0x13C000, s1;
	_ =	strace $0x8000004A  }
0xb: {  	[dreg:$0x4] =	wrdreg s6;
	s21 =	ssub.s32 $0x2, s1;
	s9 =	smul.u32 $0x2800, s1  }
0xc: {  	s1 =	smul.u32 $0x500, s1;
	s6 =	sor.u32 $0x1C03, s23;
	s23 =	simm.s32 $0x500  }
0xd: {  	s22 =	sshrl.u32 s21, $0x1;
	s24 =	sadd.s32 s7, s10;
	s3 =	sadd.s32 s5, s3  }
0xe: {  	s5 =	sshrl.u32 s20, $0x2;
	s8 =	sadd.s32 s9, s8;
	s25 =	sadd.s32 s1, s24  }
0xf: {  	s20 =	simm.s32 $0x380;
	s24 =	simm.s32 $0x580;
	s3 =	sshrl.u32 s3, $0x3  }
0x10: {  	s5 =	sadd.s32 s5, s2;
	s26 =	sshrl.u32 s8, $0x3;
	s9 =	sadd.s32 $0x80, s25  }
0x11: {  	s25 =	simm.s32 $0x600;
	s0 =	sadd.s32 s3, s0;
	s3 =	ssub.s32 s21, s22  }
0x12: {  	s10 =	sadd.s32 s26, s10;
	s11 =	sshrl.u32 s5, $0x3;
	s21 =	simm.s32 $0x400  }
0x13: {  	s22 =	simm.s32 $0x480;
	s26 =	simm.s32 $0x680;
	s0 =	sadd.s32 $0x67A00, s0  }
0x14: {  	s8 =	smax.u32 s3, $0x1;
	[dreg:$0x5] =	wrdreg s0;
	s0 =	simm.s32 $0x0  }
.LBB2_1:
0x15: {  	s1 =	rddreg [dreg:$0x4]  }
0x16: {  	[spmem:s11], [sflag:s6] =	dma.local [hbm:s1], $0x2780  }
0x17: {  	_ =	swait.ge [sflag:s12], $0x2780  }
0x18: {  	[sflag:s12] =	ssyncset.done $0x0  }
0x19: {  	[sflag:s12] =	ssyncadd.s32 $0xFFFFD880  }
0x1a: {  	s3 =	rddreg [dreg:$0x1]  }
0x1b: {  	[tilespmem:s13], [sflag:$0x3] =	stream.linear.gather [hbm4b:s3+s4], $0x4000, $0x38;
	[tilespmem:$0x18400] =	vst v63  }
0x1c: {  	_ =	swait.ge [sflag:s12], $0x4000  }
0x1d: {  	p0 =	por $0x1, $0x1;
	[sflag:s12] =	ssyncset.done $0x0  }
0x1e: {  	p0 =	por p0, p0;
	[sflag:s12] =	ssyncadd.s32 $0xFFFFC000  }
0x1f: {  	s1 =	simm.s32 @!p0 $0x1;
	[bflag:$0x0] =	sbarrier.arrive $0xFFFF  }
0x20: {  	_ =	swait.ge @!p0 [sflag:s1], $0x4000  }
0x21: {  	[sflag:s1] =	ssyncset.done @!p0 $0x0  }
0x22: {  	[sflag:s1] =	ssyncadd.s32 @!p0 $0xFFFFC000  }
0x23: {  	_ =	swait.ge @!p0 [sflag:s1], $0x4000  }
0x24: {  	[sflag:s1] =	ssyncset.done @!p0 $0x0  }
0x25: {  	[sflag:s1] =	ssyncadd.s32 @!p0 $0xFFFFC000  }
0x26: {  	_ =	swait.ge @!p0 [sflag:s1], $0x4000  }
0x27: {  	[sflag:s1] =	ssyncset.done @!p0 $0x0  }
0x28: {  	[sflag:s1] =	ssyncadd.s32 @!p0 $0xFFFFC000  }
0x29: {  	_ =	swait.ge @!p0 [sflag:s1], $0x4000  }
0x2a: {  	[sflag:s1] =	ssyncset.done @!p0 $0x0  }
0x2b: {  	[sflag:s1] =	ssyncadd.s32 @!p0 $0xFFFFC000  }
0x2c: {  	_ =	swait.ge @!p0 [sflag:s1], $0x4000  }
0x2d: {  	[sflag:s1] =	ssyncset.done @!p0 $0x0  }
0x2e: {  	[sflag:s1] =	ssyncadd.s32 @!p0 $0xFFFFC000  }
0x2f: {  	_ =	swait.ge @!p0 [sflag:s1], $0x4000  }
0x30: {  	[sflag:s1] =	ssyncset.done @!p0 $0x0  }
0x31: {  	[sflag:s1] =	ssyncadd.s32 @!p0 $0xFFFFC000  }
0x32: {  	_ =	swait.ge @!p0 [sflag:s1], $0x4000  }
0x33: {  	[sflag:s1] =	ssyncset.done @!p0 $0x0  }
0x34: {  	[sflag:s1] =	ssyncadd.s32 @!p0 $0xFFFFC000  }
0x35: {  	_ =	swait.ge @!p0 [sflag:s1], $0x4000  }
0x36: {  	[sflag:s1] =	ssyncset.done @!p0 $0x0  }
0x37: {  	s5 =	sadd.s32 $0x0, s10;
	[sflag:s1] =	ssyncadd.s32 @!p0 $0xFFFFC000  }
0x38: {  	[tilespmem:s4], [sflag:$0x3] =	stream.linear.gather [hbm4b:s5+s4], $0x400, $0x38;
	[tilespmem:$0x18400] =	vst v63  }
0x39: {  	_ =	swait.ge [sflag:s12], $0x400  }
0x3a: {  	[sflag:s12] =	ssyncset.done $0x0  }
0x3b: {  	[sflag:s12] =	ssyncadd.s32 $0xFFFFFC00  }
0x3c: {  	[spmem:s2] =	stream.indirect.scatter.add.f32 [tilespmem:s13], [sflag:$0x1], $0x80, s4, s14, $0xb8;
	[tilespmem:$0x18400] =	vst v63  }
0x3d: {  	_ = 	snop  }
0x3e: {  	[spmem:s2] =	stream.indirect.scatter.add.f32 [tilespmem:s13], [sflag:$0x1], $0x80, s14, s14, $0xb8;
	[tilespmem:$0x18400] =	vst v63  }
0x3f: {  	_ = 	snop  }
0x40: {  	[spmem:s2] =	stream.indirect.scatter.add.f32 [tilespmem:s13], [sflag:$0x1], $0x80, s15, s14, $0xb8;
	[tilespmem:$0x18400] =	vst v63  }
0x41: {  	_ = 	snop  }
0x42: {  	[spmem:s2] =	stream.indirect.scatter.add.f32 [tilespmem:s13], [sflag:$0x1], $0x80, s16, s14, $0xb8;
	[tilespmem:$0x18400] =	vst v63  }
0x43: {  	_ = 	snop  }
0x44: {  	[spmem:s2] =	stream.indirect.scatter.add.f32 [tilespmem:s13], [sflag:$0x1], $0x80, s17, s14, $0xb8;
	[tilespmem:$0x18400] =	vst v63  }
0x45: {  	_ = 	snop  }
0x46: {  	[spmem:s2] =	stream.indirect.scatter.add.f32 [tilespmem:s13], [sflag:$0x1], $0x80, s18, s14, $0xb8;
	[tilespmem:$0x18400] =	vst v63  }
0x47: {  	_ = 	snop  }
0x48: {  	[spmem:s2] =	stream.indirect.scatter.add.f32 [tilespmem:s13], [sflag:$0x1], $0x80, s19, s14, $0xb8;
	[tilespmem:$0x18400] =	vst v63  }
0x49: {  	s1 =	simm.s32 @!p0 $0x2  }
0x4a: {  	[spmem:s2] =	stream.indirect.scatter.add.f32 [tilespmem:s13], [sflag:$0x1], $0x80, s20, s14, $0xb8;
	[tilespmem:$0x18400] =	vst v63  }
0x4b: {  	_ =	swait.ge @!p0 [sflag:s1], $0x4000  }
0x4c: {  	[sflag:s1] =	ssyncset.done @!p0 $0x0  }
0x4d: {  	[sflag:s1] =	ssyncadd.s32 @!p0 $0xFFFFC000  }
0x4e: {  	_ =	swait.ge @!p0 [sflag:s1], $0x4000  }
0x4f: {  	[sflag:s1] =	ssyncset.done @!p0 $0x0  }
0x50: {  	[sflag:s1] =	ssyncadd.s32 @!p0 $0xFFFFC000  }
0x51: {  	_ =	swait.ge @!p0 [sflag:s1], $0x4000  }
0x52: {  	[sflag:s1] =	ssyncset.done @!p0 $0x0  }
0x53: {  	[sflag:s1] =	ssyncadd.s32 @!p0 $0xFFFFC000  }
0x54: {  	_ =	swait.ge @!p0 [sflag:s1], $0x4000  }
0x55: {  	[sflag:s1] =	ssyncset.done @!p0 $0x0  }
0x56: {  	[sflag:s1] =	ssyncadd.s32 @!p0 $0xFFFFC000  }
0x57: {  	_ =	swait.ge @!p0 [sflag:s1], $0x4000  }
0x58: {  	[sflag:s1] =	ssyncset.done @!p0 $0x0  }
0x59: {  	[sflag:s1] =	ssyncadd.s32 @!p0 $0xFFFFC000  }
0x5a: {  	_ =	swait.ge @!p0 [sflag:s1], $0x4000  }
0x5b: {  	[sflag:s1] =	ssyncset.done @!p0 $0x0  }
0x5c: {  	[sflag:s1] =	ssyncadd.s32 @!p0 $0xFFFFC000  }
0x5d: {  	_ =	swait.ge @!p0 [sflag:s1], $0x4000  }
0x5e: {  	[sflag:s1] =	ssyncset.done @!p0 $0x0  }
0x5f: {  	[sflag:s1] =	ssyncadd.s32 @!p0 $0xFFFFC000  }
0x60: {  	_ =	swait.ge @!p0 [sflag:s1], $0x4000  }
0x61: {  	[sflag:s1] =	ssyncset.done @!p0 $0x0  }
0x62: {  	s7 =	sadd.s32 $0x0, s9;
	[sflag:s1] =	ssyncadd.s32 @!p0 $0xFFFFC000  }
0x63: {  	[tilespmem:s21], [sflag:$0x3] =	stream.linear.gather [hbm4b:s7+s4], $0x400, $0x38;
	[tilespmem:$0x18400] =	vst v63  }
0x64: {  	_ =	swait.ge [sflag:s12], $0x400  }
0x65: {  	[sflag:s12] =	ssyncset.done $0x0  }
0x66: {  	[sflag:s12] =	ssyncadd.s32 $0xFFFFFC00  }
0x67: {  	[spmem:s2] =	stream.indirect.scatter.add.f32 [tilespmem:s13], [sflag:$0x2], $0x80, s21, s14, $0xb8;
	[tilespmem:$0x18400] =	vst v63  }
0x68: {  	_ = 	snop  }
0x69: {  	[spmem:s2] =	stream.indirect.scatter.add.f32 [tilespmem:s13], [sflag:$0x2], $0x80, s22, s14, $0xb8;
	[tilespmem:$0x18400] =	vst v63  }
0x6a: {  	_ = 	snop  }
0x6b: {  	[spmem:s2] =	stream.indirect.scatter.add.f32 [tilespmem:s13], [sflag:$0x2], $0x80, s23, s14, $0xb8;
	[tilespmem:$0x18400] =	vst v63  }
0x6c: {  	_ = 	snop  }
0x6d: {  	[spmem:s2] =	stream.indirect.scatter.add.f32 [tilespmem:s13], [sflag:$0x2], $0x80, s24, s14, $0xb8;
	[tilespmem:$0x18400] =	vst v63  }
0x6e: {  	_ = 	snop  }
0x6f: {  	[spmem:s2] =	stream.indirect.scatter.add.f32 [tilespmem:s13], [sflag:$0x2], $0x80, s25, s14, $0xb8;
	[tilespmem:$0x18400] =	vst v63  }
0x70: {  	p6 =	por $0x0, $0x0  }
0x71: {  	[spmem:s2] =	stream.indirect.scatter.add.f32 [tilespmem:s13], [sflag:$0x2], $0x80, s26, s14, $0xb8;
	[tilespmem:$0x18400] =	vst v63  }
0x72: {  	s3 =	simm.s32 $0x100;
	s1 =	simm.s32 $0x200;
	p0 =	por p6, p6  }
0x73: {  	[spmem:s2] =	stream.indirect.scatter.add.f32 [tilespmem:s13], [sflag:$0x2], $0x80, s28, s14, $0xb8;
	[tilespmem:$0x18400] =	vst v63  }
.LBB2_2:
0x74: {  	[spmem:s2] =	stream.indirect.scatter.add.f32 [tilespmem:s13], [sflag:$0x2], $0x80, s29, s14, $0xb8;
	[tilespmem:$0x18400] =	vst v63  }
0x75: {  	s5 =	smov.u32 s1  }
0x76: {  	s1 =	sadd.s32 $0x100, s1;
	s7 =	simm.s32 @!p0 $0x1;
	p2 =	seq.s32 s5, $0x0  }
0x77: {  	p1 =	sne.s32 s1, $0x500;
	_ =	swait.ge @!p0 [sflag:s7], $0x4000  }
0x78: {  	[sflag:s7] =	ssyncset.done @!p0 $0x0  }
0x79: {  	[sflag:s7] =	ssyncadd.s32 @!p0 $0xFFFFC000  }
0x7a: {  	_ =	swait.ge @!p0 [sflag:s7], $0x4000  }
0x7b: {  	[sflag:s7] =	ssyncset.done @!p0 $0x0  }
0x7c: {  	[sflag:s7] =	ssyncadd.s32 @!p0 $0xFFFFC000  }
0x7d: {  	_ =	swait.ge @!p0 [sflag:s7], $0x4000  }
0x7e: {  	[sflag:s7] =	ssyncset.done @!p0 $0x0  }
0x7f: {  	[sflag:s7] =	ssyncadd.s32 @!p0 $0xFFFFC000  }
0x80: {  	_ =	swait.ge @!p0 [sflag:s7], $0x4000  }
0x81: {  	[sflag:s7] =	ssyncset.done @!p0 $0x0  }
0x82: {  	[sflag:s7] =	ssyncadd.s32 @!p0 $0xFFFFC000  }
0x83: {  	_ =	swait.ge @!p0 [sflag:s7], $0x4000  }
0x84: {  	[sflag:s7] =	ssyncset.done @!p0 $0x0  }
0x85: {  	[sflag:s7] =	ssyncadd.s32 @!p0 $0xFFFFC000  }
0x86: {  	_ =	swait.ge @!p0 [sflag:s7], $0x4000  }
0x87: {  	[sflag:s7] =	ssyncset.done @!p0 $0x0  }
0x88: {  	[sflag:s7] =	ssyncadd.s32 @!p0 $0xFFFFC000  }
0x89: {  	_ =	swait.ge @!p0 [sflag:s7], $0x4000  }
0x8a: {  	[sflag:s7] =	ssyncset.done @!p0 $0x0  }
0x8b: {  	[sflag:s7] =	ssyncadd.s32 @!p0 $0xFFFFC000  }
0x8c: {  	_ =	swait.ge @!p0 [sflag:s7], $0x4000  }
0x8d: {  	[sflag:s7] =	ssyncset.done @!p0 $0x0  }
0x8e: {  	[sflag:s7] =	ssyncadd.s32 @!p0 $0xFFFFC000;
	s7 =	sadd.s32 s3, s10  }
0x8f: {  	[tilespmem:s4], [sflag:$0x3] =	stream.linear.gather [hbm4b:s7+s4], $0x400, $0x38;
	[tilespmem:$0x18400] =	vst v63  }
0x90: {  	_ =	swait.ge [sflag:s12], $0x400  }
0x91: {  	[sflag:s12] =	ssyncset.done $0x0  }
0x92: {  	[sflag:s12] =	ssyncadd.s32 $0xFFFFFC00  }
0x93: {  	[spmem:s2] =	stream.indirect.scatter.add.f32 [tilespmem:s13], [sflag:$0x1], $0x80, s4, s14, $0xb8;
	[tilespmem:$0x18400] =	vst v63  }
0x94: {  	_ = 	snop  }
0x95: {  	[spmem:s2] =	stream.indirect.scatter.add.f32 [tilespmem:s13], [sflag:$0x1], $0x80, s14, s14, $0xb8;
	[tilespmem:$0x18400] =	vst v63  }
0x96: {  	_ = 	snop  }
0x97: {  	[spmem:s2] =	stream.indirect.scatter.add.f32 [tilespmem:s13], [sflag:$0x1], $0x80, s15, s14, $0xb8;
	[tilespmem:$0x18400] =	vst v63  }
0x98: {  	_ = 	snop  }
0x99: {  	[spmem:s2] =	stream.indirect.scatter.add.f32 [tilespmem:s13], [sflag:$0x1], $0x80, s16, s14, $0xb8;
	[tilespmem:$0x18400] =	vst v63  }
0x9a: {  	_ = 	snop  }
0x9b: {  	[spmem:s2] =	stream.indirect.scatter.add.f32 [tilespmem:s13], [sflag:$0x1], $0x80, s17, s14, $0xb8;
	[tilespmem:$0x18400] =	vst v63  }
0x9c: {  	_ = 	snop  }
0x9d: {  	[spmem:s2] =	stream.indirect.scatter.add.f32 [tilespmem:s13], [sflag:$0x1], $0x80, s18, s14, $0xb8;
	[tilespmem:$0x18400] =	vst v63  }
0x9e: {  	_ = 	snop  }
0x9f: {  	[spmem:s2] =	stream.indirect.scatter.add.f32 [tilespmem:s13], [sflag:$0x1], $0x80, s19, s14, $0xb8;
	[tilespmem:$0x18400] =	vst v63  }
0xa0: {  	s7 =	simm.s32 @!p0 $0x2  }
0xa1: {  	[spmem:s2] =	stream.indirect.scatter.add.f32 [tilespmem:s13], [sflag:$0x1], $0x80, s20, s14, $0xb8;
	[tilespmem:$0x18400] =	vst v63  }
0xa2: {  	_ =	swait.ge @!p0 [sflag:s7], $0x4000  }
0xa3: {  	[sflag:s7] =	ssyncset.done @!p0 $0x0  }
0xa4: {  	[sflag:s7] =	ssyncadd.s32 @!p0 $0xFFFFC000  }
0xa5: {  	_ =	swait.ge @!p0 [sflag:s7], $0x4000  }
0xa6: {  	[sflag:s7] =	ssyncset.done @!p0 $0x0  }
0xa7: {  	[sflag:s7] =	ssyncadd.s32 @!p0 $0xFFFFC000  }
0xa8: {  	_ =	swait.ge @!p0 [sflag:s7], $0x4000  }
0xa9: {  	[sflag:s7] =	ssyncset.done @!p0 $0x0  }
0xaa: {  	[sflag:s7] =	ssyncadd.s32 @!p0 $0xFFFFC000  }
0xab: {  	_ =	swait.ge @!p0 [sflag:s7], $0x4000  }
0xac: {  	[sflag:s7] =	ssyncset.done @!p0 $0x0  }
0xad: {  	[sflag:s7] =	ssyncadd.s32 @!p0 $0xFFFFC000  }
0xae: {  	_ =	swait.ge @!p0 [sflag:s7], $0x4000  }
0xaf: {  	[sflag:s7] =	ssyncset.done @!p0 $0x0  }
0xb0: {  	[sflag:s7] =	ssyncadd.s32 @!p0 $0xFFFFC000  }
0xb1: {  	_ =	swait.ge @!p0 [sflag:s7], $0x4000  }
0xb2: {  	[sflag:s7] =	ssyncset.done @!p0 $0x0  }
0xb3: {  	[sflag:s7] =	ssyncadd.s32 @!p0 $0xFFFFC000  }
0xb4: {  	_ =	swait.ge @!p0 [sflag:s7], $0x4000  }
0xb5: {  	[sflag:s7] =	ssyncset.done @!p0 $0x0  }
0xb6: {  	[sflag:s7] =	ssyncadd.s32 @!p0 $0xFFFFC000  }
0xb7: {  	_ =	swait.ge @!p0 [sflag:s7], $0x4000  }
0xb8: {  	[sflag:s7] =	ssyncset.done @!p0 $0x0  }
0xb9: {  	[sflag:s7] =	ssyncadd.s32 @!p0 $0xFFFFC000;
	s7 =	sadd.s32 s3, s9;
	s3 =	smov.u32 s5  }
0xba: {  	[tilespmem:s21], [sflag:$0x3] =	stream.linear.gather [hbm4b:s7+s4], $0x400, $0x38;
	[tilespmem:$0x18400] =	vst v63  }
0xbb: {  	p0 =	por p2, p2;
	_ =	swait.ge [sflag:s12], $0x400  }
0xbc: {  	[sflag:s12] =	ssyncset.done $0x0  }
0xbd: {  	[sflag:s12] =	ssyncadd.s32 $0xFFFFFC00  }
0xbe: {  	[spmem:s2] =	stream.indirect.scatter.add.f32 [tilespmem:s13], [sflag:$0x2], $0x80, s21, s14, $0xb8;
	[tilespmem:$0x18400] =	vst v63  }
0xbf: {  	_ = 	snop  }
0xc0: {  	[spmem:s2] =	stream.indirect.scatter.add.f32 [tilespmem:s13], [sflag:$0x2], $0x80, s22, s14, $0xb8;
	[tilespmem:$0x18400] =	vst v63  }
0xc1: {  	_ = 	snop  }
0xc2: {  	[spmem:s2] =	stream.indirect.scatter.add.f32 [tilespmem:s13], [sflag:$0x2], $0x80, s23, s14, $0xb8;
	[tilespmem:$0x18400] =	vst v63  }
0xc3: {  	_ = 	snop  }
0xc4: {  	[spmem:s2] =	stream.indirect.scatter.add.f32 [tilespmem:s13], [sflag:$0x2], $0x80, s24, s14, $0xb8;
	[tilespmem:$0x18400] =	vst v63  }
0xc5: {  	_ = 	snop  }
0xc6: {  	[spmem:s2] =	stream.indirect.scatter.add.f32 [tilespmem:s13], [sflag:$0x2], $0x80, s25, s14, $0xb8;
	[tilespmem:$0x18400] =	vst v63  }
.Ltmp0:
0xc7: {  	_ = 	snop;
	(pc) =	sbr.rel @p1 .LBB2_2-.Ltmp0, $4  }
0xc8: {  	_ = 	snop  }
0xc9: {  	[spmem:s2] =	stream.indirect.scatter.add.f32 [tilespmem:s13], [sflag:$0x2], $0x80, s26, s14, $0xb8;
	[tilespmem:$0x18400] =	vst v63  }
0xca: {  	_ = 	snop  }
0xcb: {  	[spmem:s2] =	stream.indirect.scatter.add.f32 [tilespmem:s13], [sflag:$0x2], $0x80, s28, s14, $0xb8;
	[tilespmem:$0x18400] =	vst v63  }
0xcc: {  	[spmem:s2] =	stream.indirect.scatter.add.f32 [tilespmem:s13], [sflag:$0x2], $0x80, s29, s14, $0xb8;
	[tilespmem:$0x18400] =	vst v63  }
0xcd: {  	s1 =	simm.s32 @!p0 $0x1  }
0xce: {  	_ =	swait.ge @!p0 [sflag:s1], $0x4000  }
0xcf: {  	[sflag:s1] =	ssyncset.done @!p0 $0x0  }
0xd0: {  	[sflag:s1] =	ssyncadd.s32 @!p0 $0xFFFFC000  }
0xd1: {  	_ =	swait.ge @!p0 [sflag:s1], $0x4000  }
0xd2: {  	[sflag:s1] =	ssyncset.done @!p0 $0x0  }
0xd3: {  	[sflag:s1] =	ssyncadd.s32 @!p0 $0xFFFFC000  }
0xd4: {  	_ =	swait.ge @!p0 [sflag:s1], $0x4000  }
0xd5: {  	[sflag:s1] =	ssyncset.done @!p0 $0x0  }
0xd6: {  	[sflag:s1] =	ssyncadd.s32 @!p0 $0xFFFFC000  }
0xd7: {  	_ =	swait.ge @!p0 [sflag:s1], $0x4000  }
0xd8: {  	[sflag:s1] =	ssyncset.done @!p0 $0x0  }
0xd9: {  	[sflag:s1] =	ssyncadd.s32 @!p0 $0xFFFFC000  }
0xda: {  	_ =	swait.ge @!p0 [sflag:s1], $0x4000  }
0xdb: {  	[sflag:s1] =	ssyncset.done @!p0 $0x0  }
0xdc: {  	[sflag:s1] =	ssyncadd.s32 @!p0 $0xFFFFC000  }
0xdd: {  	_ =	swait.ge @!p0 [sflag:s1], $0x4000  }
0xde: {  	[sflag:s1] =	ssyncset.done @!p0 $0x0  }
0xdf: {  	[sflag:s1] =	ssyncadd.s32 @!p0 $0xFFFFC000  }
0xe0: {  	_ =	swait.ge @!p0 [sflag:s1], $0x4000  }
0xe1: {  	[sflag:s1] =	ssyncset.done @!p0 $0x0  }
0xe2: {  	[sflag:s1] =	ssyncadd.s32 @!p0 $0xFFFFC000  }
0xe3: {  	_ =	swait.ge @!p0 [sflag:s1], $0x4000  }
0xe4: {  	[sflag:s1] =	ssyncset.done @!p0 $0x0  }
0xe5: {  	s7 =	sadd.s32 s3, s10;
	[sflag:s1] =	ssyncadd.s32 @!p0 $0xFFFFC000  }
0xe6: {  	[tilespmem:s4], [sflag:$0x3] =	stream.linear.gather [hbm4b:s7+s4], $0x400, $0x38;
	[tilespmem:$0x18400] =	vst v63  }
0xe7: {  	_ =	swait.ge [sflag:s12], $0x400  }
0xe8: {  	[sflag:s12] =	ssyncset.done $0x0  }
0xe9: {  	[sflag:s12] =	ssyncadd.s32 $0xFFFFFC00  }
0xea: {  	[spmem:s2] =	stream.indirect.scatter.add.f32 [tilespmem:s13], [sflag:$0x1], $0x80, s4, s14, $0xb8;
	[tilespmem:$0x18400] =	vst v63  }
0xeb: {  	_ = 	snop  }
0xec: {  	[spmem:s2] =	stream.indirect.scatter.add.f32 [tilespmem:s13], [sflag:$0x1], $0x80, s14, s14, $0xb8;
	[tilespmem:$0x18400] =	vst v63  }
0xed: {  	_ = 	snop  }
0xee: {  	[spmem:s2] =	stream.indirect.scatter.add.f32 [tilespmem:s13], [sflag:$0x1], $0x80, s15, s14, $0xb8;
	[tilespmem:$0x18400] =	vst v63  }
0xef: {  	_ = 	snop  }
0xf0: {  	[spmem:s2] =	stream.indirect.scatter.add.f32 [tilespmem:s13], [sflag:$0x1], $0x80, s16, s14, $0xb8;
	[tilespmem:$0x18400] =	vst v63  }
0xf1: {  	_ = 	snop  }
0xf2: {  	[spmem:s2] =	stream.indirect.scatter.add.f32 [tilespmem:s13], [sflag:$0x1], $0x80, s17, s14, $0xb8;
	[tilespmem:$0x18400] =	vst v63  }
0xf3: {  	_ = 	snop  }
0xf4: {  	[spmem:s2] =	stream.indirect.scatter.add.f32 [tilespmem:s13], [sflag:$0x1], $0x80, s18, s14, $0xb8;
	[tilespmem:$0x18400] =	vst v63  }
0xf5: {  	_ = 	snop  }
0xf6: {  	[spmem:s2] =	stream.indirect.scatter.add.f32 [tilespmem:s13], [sflag:$0x1], $0x80, s19, s14, $0xb8;
	[tilespmem:$0x18400] =	vst v63  }
0xf7: {  	s1 =	simm.s32 @!p0 $0x2  }
0xf8: {  	[spmem:s2] =	stream.indirect.scatter.add.f32 [tilespmem:s13], [sflag:$0x1], $0x80, s20, s14, $0xb8;
	[tilespmem:$0x18400] =	vst v63  }
0xf9: {  	_ =	swait.ge @!p0 [sflag:s1], $0x4000  }
0xfa: {  	[sflag:s1] =	ssyncset.done @!p0 $0x0  }
0xfb: {  	[sflag:s1] =	ssyncadd.s32 @!p0 $0xFFFFC000  }
0xfc: {  	_ =	swait.ge @!p0 [sflag:s1], $0x4000  }
0xfd: {  	[sflag:s1] =	ssyncset.done @!p0 $0x0  }
0xfe: {  	[sflag:s1] =	ssyncadd.s32 @!p0 $0xFFFFC000  }
0xff: {  	_ =	swait.ge @!p0 [sflag:s1], $0x4000  }
0x100: {  	[sflag:s1] =	ssyncset.done @!p0 $0x0  }
0x101: {  	[sflag:s1] =	ssyncadd.s32 @!p0 $0xFFFFC000  }
0x102: {  	_ =	swait.ge @!p0 [sflag:s1], $0x4000  }
0x103: {  	[sflag:s1] =	ssyncset.done @!p0 $0x0  }
0x104: {  	[sflag:s1] =	ssyncadd.s32 @!p0 $0xFFFFC000  }
0x105: {  	_ =	swait.ge @!p0 [sflag:s1], $0x4000  }
0x106: {  	[sflag:s1] =	ssyncset.done @!p0 $0x0  }
0x107: {  	[sflag:s1] =	ssyncadd.s32 @!p0 $0xFFFFC000  }
0x108: {  	_ =	swait.ge @!p0 [sflag:s1], $0x4000  }
0x109: {  	[sflag:s1] =	ssyncset.done @!p0 $0x0  }
0x10a: {  	[sflag:s1] =	ssyncadd.s32 @!p0 $0xFFFFC000  }
0x10b: {  	_ =	swait.ge @!p0 [sflag:s1], $0x4000  }
0x10c: {  	[sflag:s1] =	ssyncset.done @!p0 $0x0  }
0x10d: {  	[sflag:s1] =	ssyncadd.s32 @!p0 $0xFFFFC000  }
0x10e: {  	_ =	swait.ge @!p0 [sflag:s1], $0x4000  }
0x10f: {  	[sflag:s1] =	ssyncset.done @!p0 $0x0  }
0x110: {  	s5 =	sadd.s32 s3, s9;
	[sflag:s1] =	ssyncadd.s32 @!p0 $0xFFFFC000  }
0x111: {  	[tilespmem:s21], [sflag:$0x3] =	stream.linear.gather [hbm4b:s5+s4], $0x400, $0x38;
	[tilespmem:$0x18400] =	vst v63  }
0x112: {  	_ =	swait.ge [sflag:s12], $0x400  }
0x113: {  	[sflag:s12] =	ssyncset.done $0x0  }
0x114: {  	[sflag:s12] =	ssyncadd.s32 $0xFFFFFC00  }
0x115: {  	[spmem:s2] =	stream.indirect.scatter.add.f32 [tilespmem:s13], [sflag:$0x2], $0x80, s21, s14, $0xb8;
	[tilespmem:$0x18400] =	vst v63  }
0x116: {  	_ = 	snop  }
0x117: {  	[spmem:s2] =	stream.indirect.scatter.add.f32 [tilespmem:s13], [sflag:$0x2], $0x80, s22, s14, $0xb8;
	[tilespmem:$0x18400] =	vst v63  }
0x118: {  	_ = 	snop  }
0x119: {  	[spmem:s2] =	stream.indirect.scatter.add.f32 [tilespmem:s13], [sflag:$0x2], $0x80, s23, s14, $0xb8;
	[tilespmem:$0x18400] =	vst v63  }
0x11a: {  	_ = 	snop  }
0x11b: {  	[spmem:s2] =	stream.indirect.scatter.add.f32 [tilespmem:s13], [sflag:$0x2], $0x80, s24, s14, $0xb8;
	[tilespmem:$0x18400] =	vst v63  }
0x11c: {  	_ = 	snop  }
0x11d: {  	[spmem:s2] =	stream.indirect.scatter.add.f32 [tilespmem:s13], [sflag:$0x2], $0x80, s25, s14, $0xb8;
	[tilespmem:$0x18400] =	vst v63  }
0x11e: {  	_ = 	snop  }
0x11f: {  	[spmem:s2] =	stream.indirect.scatter.add.f32 [tilespmem:s13], [sflag:$0x2], $0x80, s26, s14, $0xb8;
	[tilespmem:$0x18400] =	vst v63  }
0x120: {  	_ = 	snop  }
0x121: {  	[spmem:s2] =	stream.indirect.scatter.add.f32 [tilespmem:s13], [sflag:$0x2], $0x80, s28, s14, $0xb8;
	[tilespmem:$0x18400] =	vst v63  }
0x122: {  	_ = 	snop  }
0x123: {  	[spmem:s2] =	stream.indirect.scatter.add.f32 [tilespmem:s13], [sflag:$0x2], $0x80, s29, s14, $0xb8;
	[tilespmem:$0x18400] =	vst v63  }
0x124: {  	_ =	swait.ge [sflag:s30], $0x4000  }
0x125: {  	[sflag:s30] =	ssyncset.done $0x0  }
0x126: {  	[sflag:s30] =	ssyncadd.s32 $0xFFFFC000  }
0x127: {  	_ =	swait.ge [sflag:s30], $0x4000  }
0x128: {  	[sflag:s30] =	ssyncset.done $0x0  }
0x129: {  	[sflag:s30] =	ssyncadd.s32 $0xFFFFC000  }
0x12a: {  	_ =	swait.ge [sflag:s30], $0x4000  }
0x12b: {  	[sflag:s30] =	ssyncset.done $0x0  }
0x12c: {  	[sflag:s30] =	ssyncadd.s32 $0xFFFFC000  }
0x12d: {  	_ =	swait.ge [sflag:s30], $0x4000  }
0x12e: {  	[sflag:s30] =	ssyncset.done $0x0  }
0x12f: {  	[sflag:s30] =	ssyncadd.s32 $0xFFFFC000  }
0x130: {  	_ =	swait.ge [sflag:s30], $0x4000  }
0x131: {  	[sflag:s30] =	ssyncset.done $0x0  }
0x132: {  	[sflag:s30] =	ssyncadd.s32 $0xFFFFC000  }
0x133: {  	_ =	swait.ge [sflag:s30], $0x4000  }
0x134: {  	[sflag:s30] =	ssyncset.done $0x0  }
0x135: {  	[sflag:s30] =	ssyncadd.s32 $0xFFFFC000  }
0x136: {  	_ =	swait.ge [sflag:s30], $0x4000  }
0x137: {  	[sflag:s30] =	ssyncset.done $0x0  }
0x138: {  	[sflag:s30] =	ssyncadd.s32 $0xFFFFC000  }
0x139: {  	_ =	swait.ge [sflag:s30], $0x4000  }
0x13a: {  	[sflag:s30] =	ssyncset.done $0x0  }
0x13b: {  	[sflag:s30] =	ssyncadd.s32 $0xFFFFC000  }
0x13c: {  	_ =	swait.ge [sflag:s31], $0x4000  }
0x13d: {  	[sflag:s31] =	ssyncset.done $0x0  }
0x13e: {  	[sflag:s31] =	ssyncadd.s32 $0xFFFFC000  }
0x13f: {  	_ =	swait.ge [sflag:s31], $0x4000  }
0x140: {  	[sflag:s31] =	ssyncset.done $0x0  }
0x141: {  	[sflag:s31] =	ssyncadd.s32 $0xFFFFC000  }
0x142: {  	_ =	swait.ge [sflag:s31], $0x4000  }
0x143: {  	[sflag:s31] =	ssyncset.done $0x0  }
0x144: {  	[sflag:s31] =	ssyncadd.s32 $0xFFFFC000  }
0x145: {  	_ =	swait.ge [sflag:s31], $0x4000  }
0x146: {  	[sflag:s31] =	ssyncset.done $0x0  }
0x147: {  	[sflag:s31] =	ssyncadd.s32 $0xFFFFC000  }
0x148: {  	_ =	swait.ge [sflag:s31], $0x4000  }
0x149: {  	[sflag:s31] =	ssyncset.done $0x0  }
0x14a: {  	[sflag:s31] =	ssyncadd.s32 $0xFFFFC000  }
0x14b: {  	_ =	swait.ge [sflag:s31], $0x4000  }
0x14c: {  	[sflag:s31] =	ssyncset.done $0x0  }
0x14d: {  	[sflag:s31] =	ssyncadd.s32 $0xFFFFC000  }
0x14e: {  	_ =	swait.ge [sflag:s31], $0x4000  }
0x14f: {  	[sflag:s31] =	ssyncset.done $0x0  }
0x150: {  	[sflag:s31] =	ssyncadd.s32 $0xFFFFC000  }
0x151: {  	_ =	swait.ge [sflag:s31], $0x4000  }
0x152: {  	[sflag:s31] =	ssyncset.done $0x0  }
0x153: {  	s0 =	sadd.s32 $0x1, s0;
	[sflag:s31] =	ssyncadd.s32 $0xFFFFC000  }
0x154: {  	p0 =	sne.s32 s0, s8;
	[bflag:$0x0] =	sbarrier.arrive $0xFFFF  }
.Ltmp1:
0x155: {  	s7 =	rddreg [dreg:$0x5];
	(pc) =	sbr.rel @p0 .LBB2_1-.Ltmp1, $4  }
0x156: {  	[hbm:s7], [sflag:s6] =	dma.local [spmem:s11], $0x2780  }
0x157: {  	_ =	swait.ge [sflag:s12], $0x2780  }
0x158: {  	[sflag:s12] =	ssyncset.done $0x0  }
0x159: {  	[sflag:s12] =	ssyncadd.s32 $0xFFFFD880  }
0x15a: {  	_ =	sfence.sel $0x180000  }
0x15b: {  	[bflag:$0x0] =	sbarrier.arrive $0xFFFF  }
0x15c: {  	_ =	strace $0x9000004A  }
0x15d: {  	s0 =	stileid.u32;
	[bflag:$0x2] =	sbarrier.arrive $0xFFFF  }
0x15e: {  	p0 =	sne.s32 s0, $0x0;
	s0 =	rddreg [dreg:$0x3]  }
0x15f: {  	s0 =	sadd.s32 @!p0 $0x100000, s0  }
0x160: {  	[sflag:s0] =	ssyncadd.tile.s32 @!p0 $0x1;
	_ =	shalt  }
.Lfunc_end2:
_tile_overlayer_lowered:
.L_overlay_start_2:
0x161: {  	(tag) =	ssettag $0x2  }
0x162: {  	s0 =	rddreg [dreg:$0x0];
	s2 =	stileid.u32  }
0x163: {  	s1 =	rddreg [dreg:$0x1];
	p0 =	sne.s32 s2, $0x0  }
0x164: {  	s3 =	rddreg [dreg:$0x2];
	[bflag:$0x3] =	sbarrier.arrive $0xFFFF;
	s2 =	simm.s32 @!p0 $0x1C03  }
0x165: {  	[timem:s3], [sflag:s2] =	dma.local @!p0 [hbm:s0], s1  }
0x166: {  	s0 =	simm.s32 @!p0 $0x3  }
0x167: {  	_ =	swait.ge @!p0 [sflag:s0], s1  }
0x168: {  	s1 =	ssub.s32 @!p0 $0x0, s1;
	[sflag:s0] =	ssyncset.done @!p0 $0x0  }
0x169: {  	[sflag:s0] =	ssyncadd.s32 @!p0 s1  }
0x16a: {  	[bflag:$0x3] =	sbarrier.arrive $0xFFFF  }
0x16b: {  	_ =	shalt  }

</sc_bundles>
